<compile_context>
chip_gen: v7x
topology: tpu7x:2x2x1
jax: 0.10.2.dev20260603
libtpu: 0.0.44.dev20260713+nightly
codegen_flags: <defaults>
</compile_context>

<pallas_src>
import jax
import jax.numpy as jnp
from jax import lax
from jax.experimental import pallas as pl
from jax.experimental.pallas import tpu as pltpu
from jax.experimental.pallas import tpu_sc as plsc

NUM_E = 1000000
D = 32
BATCH = 16384
HIST = 50
NC = 2
NS = 16
NW = NC * NS
PER_W = BATCH // NW
NBUF = 8


def _rtne16(u):
  odd = lax.shift_right_logical(u, 16) & 1
  return lax.shift_right_logical(u + 0x7FFF + odd, 16)


def _body(table_hbm, idx_hbm, out_hbm, idx_v, rows_v, obuf_v, gsem, wsem):
  wid = lax.axis_index("s") * NC + lax.axis_index("c")
  base = wid * PER_W
  pltpu.sync_copy(idx_hbm.at[pl.ds(base, PER_W)], idx_v)

  col_even = 2 * lax.iota(jnp.int32, 16)
  col_odd = col_even + 1

  def gather_start(e, b):
    pltpu.async_copy(table_hbm.at[idx_v.at[e]], rows_v.at[b], gsem.at[b])

  def gather_wait(e, b):
    pltpu.make_async_copy(
        table_hbm.at[idx_v.at[e]], rows_v.at[b], gsem.at[b]).wait()

  def write_start(e, b):
    pltpu.async_copy(obuf_v.at[b], out_hbm.at[base + e], wsem.at[b])

  def write_wait(e, b):
    pltpu.make_async_copy(
        obuf_v.at[b], out_hbm.at[base + e], wsem.at[b]).wait()

  for b in range(NBUF):
    gather_start(b, b)

  def outer(e0, _):
    for b in range(NBUF):
      e = e0 * NBUF + b
      gather_wait(e, b)

      @pl.when(e >= NBUF)
      def _():
        write_wait(e - NBUF, b)

      rb = rows_v.at[b]
      ob = obuf_v.at[b]

      @plsc.parallel_loop(0, HIST, unroll=2)
      def _row(r):
        rv = rb.at[r]
        a = plsc.bitcast(plsc.load_gather(rv, [col_even]), jnp.int32)
        c = plsc.bitcast(plsc.load_gather(rv, [col_odd]), jnp.int32)
        word = _rtne16(a) | lax.shift_left(_rtne16(c), 16)
        ob.at[r][:] = plsc.bitcast(word, jnp.bfloat16)

      write_start(e, b)

      @pl.when(e + NBUF < PER_W)
      def _():
        gather_start(e + NBUF, b)

    return 0

  lax.fori_loop(0, PER_W // NBUF, outer, 0)
  for b in range(NBUF):
    write_wait(PER_W - NBUF + b, b)


def kernel(input, embedding_weight):
  mesh = plsc.VectorSubcoreMesh(core_axis_name="c", subcore_axis_name="s")
  return pl.kernel(
      _body,
      out_type=jax.ShapeDtypeStruct((BATCH, HIST, D), jnp.bfloat16),
      mesh=mesh,
      compiler_params=pltpu.CompilerParams(
          needs_layout_passes=False, use_tc_tiling_on_sc=False),
      scratch_types=[
          pltpu.VMEM((PER_W, HIST), jnp.int32),
          pltpu.VMEM((NBUF, HIST, D), jnp.float32),
          pltpu.VMEM((NBUF, HIST, D), jnp.bfloat16),
          pltpu.SemaphoreType.DMA((NBUF,)),
          pltpu.SemaphoreType.DMA((NBUF,)),
      ],
  )(embedding_weight, input.astype(jnp.int32))

# --- scband reference (transcript-rebuilt; emitter-appended) ---
"""Pipeline reference for scband-casted-embedding-89283780149743 (READ-ONLY COPY).

The authoritative reference and input builder live on the scoring server;
editing this copy changes nothing except your own understanding.
"""

import jax, jax.numpy as jnp
import numpy as np

NUM_EMBEDDINGS = 1000000
EMBED_DIM = 32
INIT_STD = 0.02
BATCH = 16384
HIST_LEN = 50


def setup_inputs(seed: int = 0) -> dict:
    key = jax.random.key(seed)
    k1, k2 = jax.random.split(key)
    indices = jax.random.randint(k1, (BATCH, HIST_LEN), 0, NUM_EMBEDDINGS, dtype=jnp.int64 if jax.config.jax_enable_x64 else jnp.int32)
    # trunc_normal_init_: normal(0, std) then clamp to [-2*std, 2*std]
    w = jax.random.normal(k2, (NUM_EMBEDDINGS, EMBED_DIM), dtype=jnp.float32) * INIT_STD
    w = jnp.clip(w, -2 * INIT_STD, 2 * INIT_STD)
    return {"input": indices, "embedding_weight": w}


def reference(input, embedding_weight):
    # CastedEmbedding.forward: F.embedding(input, weight.to(cast_to)) with cast_to=bfloat16
    w_cast = embedding_weight.astype(jnp.bfloat16)
    return jnp.take(w_cast, input, axis=0)

if __name__ == "__main__":
    import jax
    _d = setup_inputs()
    print(jax.jit(kernel)(*tuple(_d.values())))

</pallas_src>

<mosaic_0001>
#map = affine_map<(d0, d1) -> (0, 0)>
#map1 = affine_map<(d0, d1) -> (0, 0, 0)>
module attributes {stable_mosaic.version = 14 : i64} {
  func.func @_body(%arg0: i32, %arg1: i32, %arg2: memref<1000000x32xf32, #tpu.memory_space<hbm>>, %arg3: memref<16384x50xi32, #tpu.memory_space<hbm>>, %arg4: memref<16384x50x32xbf16, #tpu.memory_space<hbm>>, %arg5: memref<512x50xi32, #tpu.memory_space<vmem>>, %arg6: memref<8x50x32xf32, #tpu.memory_space<vmem>>, %arg7: memref<8x50x32xbf16, #tpu.memory_space<vmem>>, %arg8: memref<8x!tpu.dma_semaphore, #tpu.memory_space<semaphore_mem>>, %arg9: memref<8x!tpu.dma_semaphore, #tpu.memory_space<semaphore_mem>>) attributes {dimension_semantics = [#tpu.dimension_semantics<core_parallel>, #tpu.dimension_semantics<subcore_parallel>], iteration_bounds = array<i64: 2, 16>, scalar_prefetch = 0 : i64, scratch_operands = 5 : i64, tpu.core_type = #tpu.core_type<sc_vector_subcore>, window_params = [{transform_indices = #map}, {transform_indices = #map}, {transform_indices = #map1}]} {
    %mul3A = arith.constant 2 : i32
    %mul3A_0 = arith.muli %arg1, %mul3A : i32
    %add3A = arith.addi %mul3A_0, %arg0 : i32
    %mul3A_1 = arith.constant 512 : i32
    %mul3A_2 = arith.muli %add3A, %mul3A_1 : i32
    "tpu.region"() ({
      %run_scoped3A = tpu.sem_alloc : memref<!tpu.dma_semaphore, #tpu.memory_space<semaphore_mem>>
      %dma_start3A_309 = arith.constant 0 : i32
      %dma_start3A_310 = tpu.memref_slice %arg3[%mul3A_2, %dma_start3A_309] : memref<16384x50xi32, #tpu.memory_space<hbm>> -> memref<512x50xi32, #tpu.memory_space<hbm>>
      %dma_start3A_311 = arith.constant 0 : i32
      %dma_start3A_312 = tpu.memref_slice %arg3[%mul3A_2, %dma_start3A_311] : memref<16384x50xi32, #tpu.memory_space<hbm>> -> memref<512x50xi32, #tpu.memory_space<hbm>>
      tpu.enqueue_dma source(%dma_start3A_312 : memref<512x50xi32, #tpu.memory_space<hbm>>) target(%arg5 : memref<512x50xi32, #tpu.memory_space<vmem>>) target_semaphore(%run_scoped3A : memref<!tpu.dma_semaphore, #tpu.memory_space<semaphore_mem>>)
      %dma_wait3A_313 = arith.constant 0 : i32
      %dma_wait3A_314 = tpu.memref_slice %arg3[%mul3A_2, %dma_wait3A_313] : memref<16384x50xi32, #tpu.memory_space<hbm>> -> memref<512x50xi32, #tpu.memory_space<hbm>>
      %dma_wait3A_315 = arith.constant 0 : i32
      %dma_wait3A_316 = tpu.memref_slice %arg3[%mul3A_2, %dma_wait3A_315] : memref<16384x50xi32, #tpu.memory_space<hbm>> -> memref<512x50xi32, #tpu.memory_space<hbm>>
      tpu.wait_dma2 semaphore(%run_scoped3A : memref<!tpu.dma_semaphore, #tpu.memory_space<semaphore_mem>>) src(%dma_wait3A_316 : memref<512x50xi32, #tpu.memory_space<hbm>>) dst(%arg5 : memref<512x50xi32, #tpu.memory_space<vmem>>)
      tpu.yield
    }) : () -> ()
    %iota3A = tpu.iota {dimensions = array<i32: 0>} : vector<16xi32>
    %mul3A_3 = arith.constant 2 : i32
    %mul3A_4 = vector.broadcast %mul3A_3 : i32 to vector<16xi32>
    %mul3A_5 = arith.muli %mul3A_4, %iota3A : vector<16xi32>
    %add3A_6 = arith.constant 1 : i32
    %add3A_7 = vector.broadcast %add3A_6 : i32 to vector<16xi32>
    %add3A_8 = arith.addi %mul3A_5, %add3A_7 : vector<16xi32>
    %dma_start3A = arith.constant 0 : i32
    %dma_start3A_9 = arith.constant 0 : i32
    %dma_start3A_10 = arith.constant 0 : i32
    %dma_start3A_11 = arith.constant 0 : i32
    %dma_start3A_12 = arith.constant 0 : i32
    %dma_start3A_13 = tpu.memref_slice %arg6[%dma_start3A_9, %dma_start3A_11, %dma_start3A_12] : memref<8x50x32xf32, #tpu.memory_space<vmem>> -> memref<1x50x32xf32, #tpu.memory_space<vmem>>
    %dma_start3A_14 = tpu.memref_squeeze %dma_start3A_13 : memref<1x50x32xf32, #tpu.memory_space<vmem>> -> memref<50x32xf32, #tpu.memory_space<vmem>>
    %dma_start3A_15 = arith.constant 0 : i32
    %dma_start3A_16 = tpu.memref_slice %arg5[%dma_start3A, %dma_start3A_15] : memref<512x50xi32, #tpu.memory_space<vmem>> -> memref<1x50xi32, #tpu.memory_space<vmem>>
    %dma_start3A_17 = tpu.memref_squeeze %dma_start3A_16 : memref<1x50xi32, #tpu.memory_space<vmem>> -> memref<50xi32, #tpu.memory_space<vmem>>
    %dma_start3A_18 = arith.constant 0 : i32
    %dma_start3A_19 = arith.constant 0 : i32
    %dma_start3A_20 = tpu.memref_slice %arg2[%dma_start3A_18, %dma_start3A_19] : memref<1000000x32xf32, #tpu.memory_space<hbm>> -> memref<1000000x32xf32, #tpu.memory_space<hbm>>
    %dma_start3A_21 = tpu.memref_slice %arg8[%dma_start3A_10] : memref<8x!tpu.dma_semaphore, #tpu.memory_space<semaphore_mem>> -> memref<1x!tpu.dma_semaphore, #tpu.memory_space<semaphore_mem>>
    %dma_start3A_22 = tpu.memref_squeeze %dma_start3A_21 : memref<1x!tpu.dma_semaphore, #tpu.memory_space<semaphore_mem>> -> memref<!tpu.dma_semaphore, #tpu.memory_space<semaphore_mem>>
    tpu.enqueue_indirect_dma source(%dma_start3A_20 : memref<1000000x32xf32, #tpu.memory_space<hbm>>) target(%dma_start3A_14 : memref<50x32xf32, #tpu.memory_space<vmem>>) offsets(%dma_start3A_17 : memref<50xi32, #tpu.memory_space<vmem>>) semaphore(%dma_start3A_22 : memref<!tpu.dma_semaphore, #tpu.memory_space<semaphore_mem>>)
    %dma_start3A_23 = arith.constant 1 : i32
    %dma_start3A_24 = arith.constant 1 : i32
    %dma_start3A_25 = arith.constant 1 : i32
    %dma_start3A_26 = arith.constant 0 : i32
    %dma_start3A_27 = arith.constant 0 : i32
    %dma_start3A_28 = tpu.memref_slice %arg6[%dma_start3A_24, %dma_start3A_26, %dma_start3A_27] : memref<8x50x32xf32, #tpu.memory_space<vmem>> -> memref<1x50x32xf32, #tpu.memory_space<vmem>>
    %dma_start3A_29 = tpu.memref_squeeze %dma_start3A_28 : memref<1x50x32xf32, #tpu.memory_space<vmem>> -> memref<50x32xf32, #tpu.memory_space<vmem>>
    %dma_start3A_30 = arith.constant 0 : i32
    %dma_start3A_31 = tpu.memref_slice %arg5[%dma_start3A_23, %dma_start3A_30] : memref<512x50xi32, #tpu.memory_space<vmem>> -> memref<1x50xi32, #tpu.memory_space<vmem>>
    %dma_start3A_32 = tpu.memref_squeeze %dma_start3A_31 : memref<1x50xi32, #tpu.memory_space<vmem>> -> memref<50xi32, #tpu.memory_space<vmem>>
    %dma_start3A_33 = arith.constant 0 : i32
    %dma_start3A_34 = arith.constant 0 : i32
    %dma_start3A_35 = tpu.memref_slice %arg2[%dma_start3A_33, %dma_start3A_34] : memref<1000000x32xf32, #tpu.memory_space<hbm>> -> memref<1000000x32xf32, #tpu.memory_space<hbm>>
    %dma_start3A_36 = tpu.memref_slice %arg8[%dma_start3A_25] : memref<8x!tpu.dma_semaphore, #tpu.memory_space<semaphore_mem>> -> memref<1x!tpu.dma_semaphore, #tpu.memory_space<semaphore_mem>>
    %dma_start3A_37 = tpu.memref_squeeze %dma_start3A_36 : memref<1x!tpu.dma_semaphore, #tpu.memory_space<semaphore_mem>> -> memref<!tpu.dma_semaphore, #tpu.memory_space<semaphore_mem>>
    tpu.enqueue_indirect_dma source(%dma_start3A_35 : memref<1000000x32xf32, #tpu.memory_space<hbm>>) target(%dma_start3A_29 : memref<50x32xf32, #tpu.memory_space<vmem>>) offsets(%dma_start3A_32 : memref<50xi32, #tpu.memory_space<vmem>>) semaphore(%dma_start3A_37 : memref<!tpu.dma_semaphore, #tpu.memory_space<semaphore_mem>>)
    %dma_start3A_38 = arith.constant 2 : i32
    %dma_start3A_39 = arith.constant 2 : i32
    %dma_start3A_40 = arith.constant 2 : i32
    %dma_start3A_41 = arith.constant 0 : i32
    %dma_start3A_42 = arith.constant 0 : i32
    %dma_start3A_43 = tpu.memref_slice %arg6[%dma_start3A_39, %dma_start3A_41, %dma_start3A_42] : memref<8x50x32xf32, #tpu.memory_space<vmem>> -> memref<1x50x32xf32, #tpu.memory_space<vmem>>
    %dma_start3A_44 = tpu.memref_squeeze %dma_start3A_43 : memref<1x50x32xf32, #tpu.memory_space<vmem>> -> memref<50x32xf32, #tpu.memory_space<vmem>>
    %dma_start3A_45 = arith.constant 0 : i32
    %dma_start3A_46 = tpu.memref_slice %arg5[%dma_start3A_38, %dma_start3A_45] : memref<512x50xi32, #tpu.memory_space<vmem>> -> memref<1x50xi32, #tpu.memory_space<vmem>>
    %dma_start3A_47 = tpu.memref_squeeze %dma_start3A_46 : memref<1x50xi32, #tpu.memory_space<vmem>> -> memref<50xi32, #tpu.memory_space<vmem>>
    %dma_start3A_48 = arith.constant 0 : i32
    %dma_start3A_49 = arith.constant 0 : i32
    %dma_start3A_50 = tpu.memref_slice %arg2[%dma_start3A_48, %dma_start3A_49] : memref<1000000x32xf32, #tpu.memory_space<hbm>> -> memref<1000000x32xf32, #tpu.memory_space<hbm>>
    %dma_start3A_51 = tpu.memref_slice %arg8[%dma_start3A_40] : memref<8x!tpu.dma_semaphore, #tpu.memory_space<semaphore_mem>> -> memref<1x!tpu.dma_semaphore, #tpu.memory_space<semaphore_mem>>
    %dma_start3A_52 = tpu.memref_squeeze %dma_start3A_51 : memref<1x!tpu.dma_semaphore, #tpu.memory_space<semaphore_mem>> -> memref<!tpu.dma_semaphore, #tpu.memory_space<semaphore_mem>>
    tpu.enqueue_indirect_dma source(%dma_start3A_50 : memref<1000000x32xf32, #tpu.memory_space<hbm>>) target(%dma_start3A_44 : memref<50x32xf32, #tpu.memory_space<vmem>>) offsets(%dma_start3A_47 : memref<50xi32, #tpu.memory_space<vmem>>) semaphore(%dma_start3A_52 : memref<!tpu.dma_semaphore, #tpu.memory_space<semaphore_mem>>)
    %dma_start3A_53 = arith.constant 3 : i32
    %dma_start3A_54 = arith.constant 3 : i32
    %dma_start3A_55 = arith.constant 3 : i32
    %dma_start3A_56 = arith.constant 0 : i32
    %dma_start3A_57 = arith.constant 0 : i32
    %dma_start3A_58 = tpu.memref_slice %arg6[%dma_start3A_54, %dma_start3A_56, %dma_start3A_57] : memref<8x50x32xf32, #tpu.memory_space<vmem>> -> memref<1x50x32xf32, #tpu.memory_space<vmem>>
    %dma_start3A_59 = tpu.memref_squeeze %dma_start3A_58 : memref<1x50x32xf32, #tpu.memory_space<vmem>> -> memref<50x32xf32, #tpu.memory_space<vmem>>
    %dma_start3A_60 = arith.constant 0 : i32
    %dma_start3A_61 = tpu.memref_slice %arg5[%dma_start3A_53, %dma_start3A_60] : memref<512x50xi32, #tpu.memory_space<vmem>> -> memref<1x50xi32, #tpu.memory_space<vmem>>
    %dma_start3A_62 = tpu.memref_squeeze %dma_start3A_61 : memref<1x50xi32, #tpu.memory_space<vmem>> -> memref<50xi32, #tpu.memory_space<vmem>>
    %dma_start3A_63 = arith.constant 0 : i32
    %dma_start3A_64 = arith.constant 0 : i32
    %dma_start3A_65 = tpu.memref_slice %arg2[%dma_start3A_63, %dma_start3A_64] : memref<1000000x32xf32, #tpu.memory_space<hbm>> -> memref<1000000x32xf32, #tpu.memory_space<hbm>>
    %dma_start3A_66 = tpu.memref_slice %arg8[%dma_start3A_55] : memref<8x!tpu.dma_semaphore, #tpu.memory_space<semaphore_mem>> -> memref<1x!tpu.dma_semaphore, #tpu.memory_space<semaphore_mem>>
    %dma_start3A_67 = tpu.memref_squeeze %dma_start3A_66 : memref<1x!tpu.dma_semaphore, #tpu.memory_space<semaphore_mem>> -> memref<!tpu.dma_semaphore, #tpu.memory_space<semaphore_mem>>
    tpu.enqueue_indirect_dma source(%dma_start3A_65 : memref<1000000x32xf32, #tpu.memory_space<hbm>>) target(%dma_start3A_59 : memref<50x32xf32, #tpu.memory_space<vmem>>) offsets(%dma_start3A_62 : memref<50xi32, #tpu.memory_space<vmem>>) semaphore(%dma_start3A_67 : memref<!tpu.dma_semaphore, #tpu.memory_space<semaphore_mem>>)
    %dma_start3A_68 = arith.constant 4 : i32
    %dma_start3A_69 = arith.constant 4 : i32
    %dma_start3A_70 = arith.constant 4 : i32
    %dma_start3A_71 = arith.constant 0 : i32
    %dma_start3A_72 = arith.constant 0 : i32
    %dma_start3A_73 = tpu.memref_slice %arg6[%dma_start3A_69, %dma_start3A_71, %dma_start3A_72] : memref<8x50x32xf32, #tpu.memory_space<vmem>> -> memref<1x50x32xf32, #tpu.memory_space<vmem>>
    %dma_start3A_74 = tpu.memref_squeeze %dma_start3A_73 : memref<1x50x32xf32, #tpu.memory_space<vmem>> -> memref<50x32xf32, #tpu.memory_space<vmem>>
    %dma_start3A_75 = arith.constant 0 : i32
    %dma_start3A_76 = tpu.memref_slice %arg5[%dma_start3A_68, %dma_start3A_75] : memref<512x50xi32, #tpu.memory_space<vmem>> -> memref<1x50xi32, #tpu.memory_space<vmem>>
    %dma_start3A_77 = tpu.memref_squeeze %dma_start3A_76 : memref<1x50xi32, #tpu.memory_space<vmem>> -> memref<50xi32, #tpu.memory_space<vmem>>
    %dma_start3A_78 = arith.constant 0 : i32
    %dma_start3A_79 = arith.constant 0 : i32
    %dma_start3A_80 = tpu.memref_slice %arg2[%dma_start3A_78, %dma_start3A_79] : memref<1000000x32xf32, #tpu.memory_space<hbm>> -> memref<1000000x32xf32, #tpu.memory_space<hbm>>
    %dma_start3A_81 = tpu.memref_slice %arg8[%dma_start3A_70] : memref<8x!tpu.dma_semaphore, #tpu.memory_space<semaphore_mem>> -> memref<1x!tpu.dma_semaphore, #tpu.memory_space<semaphore_mem>>
    %dma_start3A_82 = tpu.memref_squeeze %dma_start3A_81 : memref<1x!tpu.dma_semaphore, #tpu.memory_space<semaphore_mem>> -> memref<!tpu.dma_semaphore, #tpu.memory_space<semaphore_mem>>
    tpu.enqueue_indirect_dma source(%dma_start3A_80 : memref<1000000x32xf32, #tpu.memory_space<hbm>>) target(%dma_start3A_74 : memref<50x32xf32, #tpu.memory_space<vmem>>) offsets(%dma_start3A_77 : memref<50xi32, #tpu.memory_space<vmem>>) semaphore(%dma_start3A_82 : memref<!tpu.dma_semaphore, #tpu.memory_space<semaphore_mem>>)
    %dma_start3A_83 = arith.constant 5 : i32
    %dma_start3A_84 = arith.constant 5 : i32
    %dma_start3A_85 = arith.constant 5 : i32
    %dma_start3A_86 = arith.constant 0 : i32
    %dma_start3A_87 = arith.constant 0 : i32
    %dma_start3A_88 = tpu.memref_slice %arg6[%dma_start3A_84, %dma_start3A_86, %dma_start3A_87] : memref<8x50x32xf32, #tpu.memory_space<vmem>> -> memref<1x50x32xf32, #tpu.memory_space<vmem>>
    %dma_start3A_89 = tpu.memref_squeeze %dma_start3A_88 : memref<1x50x32xf32, #tpu.memory_space<vmem>> -> memref<50x32xf32, #tpu.memory_space<vmem>>
    %dma_start3A_90 = arith.constant 0 : i32
    %dma_start3A_91 = tpu.memref_slice %arg5[%dma_start3A_83, %dma_start3A_90] : memref<512x50xi32, #tpu.memory_space<vmem>> -> memref<1x50xi32, #tpu.memory_space<vmem>>
    %dma_start3A_92 = tpu.memref_squeeze %dma_start3A_91 : memref<1x50xi32, #tpu.memory_space<vmem>> -> memref<50xi32, #tpu.memory_space<vmem>>
    %dma_start3A_93 = arith.constant 0 : i32
    %dma_start3A_94 = arith.constant 0 : i32
    %dma_start3A_95 = tpu.memref_slice %arg2[%dma_start3A_93, %dma_start3A_94] : memref<1000000x32xf32, #tpu.memory_space<hbm>> -> memref<1000000x32xf32, #tpu.memory_space<hbm>>
    %dma_start3A_96 = tpu.memref_slice %arg8[%dma_start3A_85] : memref<8x!tpu.dma_semaphore, #tpu.memory_space<semaphore_mem>> -> memref<1x!tpu.dma_semaphore, #tpu.memory_space<semaphore_mem>>
    %dma_start3A_97 = tpu.memref_squeeze %dma_start3A_96 : memref<1x!tpu.dma_semaphore, #tpu.memory_space<semaphore_mem>> -> memref<!tpu.dma_semaphore, #tpu.memory_space<semaphore_mem>>
    tpu.enqueue_indirect_dma source(%dma_start3A_95 : memref<1000000x32xf32, #tpu.memory_space<hbm>>) target(%dma_start3A_89 : memref<50x32xf32, #tpu.memory_space<vmem>>) offsets(%dma_start3A_92 : memref<50xi32, #tpu.memory_space<vmem>>) semaphore(%dma_start3A_97 : memref<!tpu.dma_semaphore, #tpu.memory_space<semaphore_mem>>)
    %dma_start3A_98 = arith.constant 6 : i32
    %dma_start3A_99 = arith.constant 6 : i32
    %dma_start3A_100 = arith.constant 6 : i32
    %dma_start3A_101 = arith.constant 0 : i32
    %dma_start3A_102 = arith.constant 0 : i32
    %dma_start3A_103 = tpu.memref_slice %arg6[%dma_start3A_99, %dma_start3A_101, %dma_start3A_102] : memref<8x50x32xf32, #tpu.memory_space<vmem>> -> memref<1x50x32xf32, #tpu.memory_space<vmem>>
    %dma_start3A_104 = tpu.memref_squeeze %dma_start3A_103 : memref<1x50x32xf32, #tpu.memory_space<vmem>> -> memref<50x32xf32, #tpu.memory_space<vmem>>
    %dma_start3A_105 = arith.constant 0 : i32
    %dma_start3A_106 = tpu.memref_slice %arg5[%dma_start3A_98, %dma_start3A_105] : memref<512x50xi32, #tpu.memory_space<vmem>> -> memref<1x50xi32, #tpu.memory_space<vmem>>
    %dma_start3A_107 = tpu.memref_squeeze %dma_start3A_106 : memref<1x50xi32, #tpu.memory_space<vmem>> -> memref<50xi32, #tpu.memory_space<vmem>>
    %dma_start3A_108 = arith.constant 0 : i32
    %dma_start3A_109 = arith.constant 0 : i32
    %dma_start3A_110 = tpu.memref_slice %arg2[%dma_start3A_108, %dma_start3A_109] : memref<1000000x32xf32, #tpu.memory_space<hbm>> -> memref<1000000x32xf32, #tpu.memory_space<hbm>>
    %dma_start3A_111 = tpu.memref_slice %arg8[%dma_start3A_100] : memref<8x!tpu.dma_semaphore, #tpu.memory_space<semaphore_mem>> -> memref<1x!tpu.dma_semaphore, #tpu.memory_space<semaphore_mem>>
    %dma_start3A_112 = tpu.memref_squeeze %dma_start3A_111 : memref<1x!tpu.dma_semaphore, #tpu.memory_space<semaphore_mem>> -> memref<!tpu.dma_semaphore, #tpu.memory_space<semaphore_mem>>
    tpu.enqueue_indirect_dma source(%dma_start3A_110 : memref<1000000x32xf32, #tpu.memory_space<hbm>>) target(%dma_start3A_104 : memref<50x32xf32, #tpu.memory_space<vmem>>) offsets(%dma_start3A_107 : memref<50xi32, #tpu.memory_space<vmem>>) semaphore(%dma_start3A_112 : memref<!tpu.dma_semaphore, #tpu.memory_space<semaphore_mem>>)
    %dma_start3A_113 = arith.constant 7 : i32
    %dma_start3A_114 = arith.constant 7 : i32
    %dma_start3A_115 = arith.constant 7 : i32
    %dma_start3A_116 = arith.constant 0 : i32
    %dma_start3A_117 = arith.constant 0 : i32
    %dma_start3A_118 = tpu.memref_slice %arg6[%dma_start3A_114, %dma_start3A_116, %dma_start3A_117] : memref<8x50x32xf32, #tpu.memory_space<vmem>> -> memref<1x50x32xf32, #tpu.memory_space<vmem>>
    %dma_start3A_119 = tpu.memref_squeeze %dma_start3A_118 : memref<1x50x32xf32, #tpu.memory_space<vmem>> -> memref<50x32xf32, #tpu.memory_space<vmem>>
    %dma_start3A_120 = arith.constant 0 : i32
    %dma_start3A_121 = tpu.memref_slice %arg5[%dma_start3A_113, %dma_start3A_120] : memref<512x50xi32, #tpu.memory_space<vmem>> -> memref<1x50xi32, #tpu.memory_space<vmem>>
    %dma_start3A_122 = tpu.memref_squeeze %dma_start3A_121 : memref<1x50xi32, #tpu.memory_space<vmem>> -> memref<50xi32, #tpu.memory_space<vmem>>
    %dma_start3A_123 = arith.constant 0 : i32
    %dma_start3A_124 = arith.constant 0 : i32
    %dma_start3A_125 = tpu.memref_slice %arg2[%dma_start3A_123, %dma_start3A_124] : memref<1000000x32xf32, #tpu.memory_space<hbm>> -> memref<1000000x32xf32, #tpu.memory_space<hbm>>
    %dma_start3A_126 = tpu.memref_slice %arg8[%dma_start3A_115] : memref<8x!tpu.dma_semaphore, #tpu.memory_space<semaphore_mem>> -> memref<1x!tpu.dma_semaphore, #tpu.memory_space<semaphore_mem>>
    %dma_start3A_127 = tpu.memref_squeeze %dma_start3A_126 : memref<1x!tpu.dma_semaphore, #tpu.memory_space<semaphore_mem>> -> memref<!tpu.dma_semaphore, #tpu.memory_space<semaphore_mem>>
    tpu.enqueue_indirect_dma source(%dma_start3A_125 : memref<1000000x32xf32, #tpu.memory_space<hbm>>) target(%dma_start3A_119 : memref<50x32xf32, #tpu.memory_space<vmem>>) offsets(%dma_start3A_122 : memref<50xi32, #tpu.memory_space<vmem>>) semaphore(%dma_start3A_127 : memref<!tpu.dma_semaphore, #tpu.memory_space<semaphore_mem>>)
    %scan3A = arith.constant 0 : i32
    %scan3A_128 = arith.constant 0 : i32
    %scan3A_129 = arith.constant 64 : i32
    %scan3A_130 = arith.addi %scan3A_128, %scan3A_129 : i32
    %scan3A_131 = arith.constant 1 : i32
    %scan3A_132 = scf.for %scan3A_309 = %scan3A_128 to %scan3A_130 step %scan3A_131 iter_args(%scan3A_310 = %scan3A) -> (i32)  : i32 {
      %mul3A_311 = arith.constant 8 : i32
      %mul3A_312 = arith.muli %scan3A_309, %mul3A_311 : i32
      %add3A_313 = arith.constant 0 : i32
      %add3A_314 = arith.addi %mul3A_312, %add3A_313 : i32
      %dma_wait3A_315 = arith.constant 0 : i32
      %dma_wait3A_316 = arith.constant 0 : i32
      %dma_wait3A_317 = arith.constant 0 : i32
      %dma_wait3A_318 = arith.constant 0 : i32
      %dma_wait3A_319 = tpu.memref_slice %arg6[%dma_wait3A_315, %dma_wait3A_317, %dma_wait3A_318] : memref<8x50x32xf32, #tpu.memory_space<vmem>> -> memref<1x50x32xf32, #tpu.memory_space<vmem>>
      %dma_wait3A_320 = tpu.memref_squeeze %dma_wait3A_319 : memref<1x50x32xf32, #tpu.memory_space<vmem>> -> memref<50x32xf32, #tpu.memory_space<vmem>>
      %dma_wait3A_321 = arith.constant 0 : i32
      %dma_wait3A_322 = tpu.memref_slice %arg5[%add3A_314, %dma_wait3A_321] : memref<512x50xi32, #tpu.memory_space<vmem>> -> memref<1x50xi32, #tpu.memory_space<vmem>>
      %dma_wait3A_323 = tpu.memref_squeeze %dma_wait3A_322 : memref<1x50xi32, #tpu.memory_space<vmem>> -> memref<50xi32, #tpu.memory_space<vmem>>
      %dma_wait3A_324 = arith.constant 0 : i32
      %dma_wait3A_325 = arith.constant 0 : i32
      %dma_wait3A_326 = tpu.memref_slice %arg2[%dma_wait3A_324, %dma_wait3A_325] : memref<1000000x32xf32, #tpu.memory_space<hbm>> -> memref<1000000x32xf32, #tpu.memory_space<hbm>>
      %dma_wait3A_327 = tpu.memref_slice %arg8[%dma_wait3A_316] : memref<8x!tpu.dma_semaphore, #tpu.memory_space<semaphore_mem>> -> memref<1x!tpu.dma_semaphore, #tpu.memory_space<semaphore_mem>>
      %dma_wait3A_328 = tpu.memref_squeeze %dma_wait3A_327 : memref<1x!tpu.dma_semaphore, #tpu.memory_space<semaphore_mem>> -> memref<!tpu.dma_semaphore, #tpu.memory_space<semaphore_mem>>
      tpu.wait_indirect_dma semaphore(%dma_wait3A_328 : memref<!tpu.dma_semaphore, #tpu.memory_space<semaphore_mem>>) src(%dma_wait3A_326 : memref<1000000x32xf32, #tpu.memory_space<hbm>>) dst(%dma_wait3A_320 : memref<50x32xf32, #tpu.memory_space<vmem>>)
      %ge3A = arith.constant 8 : i32
      %ge3A_329 = arith.cmpi sge, %add3A_314, %ge3A : i32
      %convert_element_type3A = arith.extui %ge3A_329 : i1 to i32
      %cond3A = arith.constant 0 : i32
      %cond3A_330 = arith.cmpi ne, %convert_element_type3A, %cond3A : i32
      scf.if %cond3A_330 {
        %sub3A = arith.constant 8 : i32
        %sub3A_755 = arith.subi %add3A_314, %sub3A : i32
        %add3A_756 = arith.addi %mul3A_2, %sub3A_755 : i32
        %dma_wait3A_757 = arith.constant 0 : i32
        %dma_wait3A_758 = arith.constant 0 : i32
        %dma_wait3A_759 = arith.constant 0 : i32
        %dma_wait3A_760 = arith.constant 0 : i32
        %dma_wait3A_761 = tpu.memref_slice %arg7[%dma_wait3A_757, %dma_wait3A_759, %dma_wait3A_760] : memref<8x50x32xbf16, #tpu.memory_space<vmem>> -> memref<1x50x32xbf16, #tpu.memory_space<vmem>>
        %dma_wait3A_762 = tpu.memref_squeeze %dma_wait3A_761 : memref<1x50x32xbf16, #tpu.memory_space<vmem>> -> memref<50x32xbf16, #tpu.memory_space<vmem>>
        %dma_wait3A_763 = arith.constant 0 : i32
        %dma_wait3A_764 = arith.constant 0 : i32
        %dma_wait3A_765 = tpu.memref_slice %arg4[%add3A_756, %dma_wait3A_763, %dma_wait3A_764] : memref<16384x50x32xbf16, #tpu.memory_space<hbm>> -> memref<1x50x32xbf16, #tpu.memory_space<hbm>>
        %dma_wait3A_766 = tpu.memref_squeeze %dma_wait3A_765 : memref<1x50x32xbf16, #tpu.memory_space<hbm>> -> memref<50x32xbf16, #tpu.memory_space<hbm>>
        %dma_wait3A_767 = tpu.memref_slice %arg9[%dma_wait3A_758] : memref<8x!tpu.dma_semaphore, #tpu.memory_space<semaphore_mem>> -> memref<1x!tpu.dma_semaphore, #tpu.memory_space<semaphore_mem>>
        %dma_wait3A_768 = tpu.memref_squeeze %dma_wait3A_767 : memref<1x!tpu.dma_semaphore, #tpu.memory_space<semaphore_mem>> -> memref<!tpu.dma_semaphore, #tpu.memory_space<semaphore_mem>>
        %dma_wait3A_769 = arith.constant 0 : i32
        %dma_wait3A_770 = arith.constant 0 : i32
        %dma_wait3A_771 = tpu.memref_slice %arg4[%add3A_756, %dma_wait3A_769, %dma_wait3A_770] : memref<16384x50x32xbf16, #tpu.memory_space<hbm>> -> memref<1x50x32xbf16, #tpu.memory_space<hbm>>
        %dma_wait3A_772 = tpu.memref_squeeze %dma_wait3A_771 : memref<1x50x32xbf16, #tpu.memory_space<hbm>> -> memref<50x32xbf16, #tpu.memory_space<hbm>>
        %dma_wait3A_773 = arith.constant 0 : i32
        %dma_wait3A_774 = arith.constant 0 : i32
        %dma_wait3A_775 = tpu.memref_slice %arg7[%dma_wait3A_757, %dma_wait3A_773, %dma_wait3A_774] : memref<8x50x32xbf16, #tpu.memory_space<vmem>> -> memref<1x50x32xbf16, #tpu.memory_space<vmem>>
        %dma_wait3A_776 = tpu.memref_squeeze %dma_wait3A_775 : memref<1x50x32xbf16, #tpu.memory_space<vmem>> -> memref<50x32xbf16, #tpu.memory_space<vmem>>
        tpu.wait_dma2 semaphore(%dma_wait3A_768 : memref<!tpu.dma_semaphore, #tpu.memory_space<semaphore_mem>>) src(%dma_wait3A_776 : memref<50x32xbf16, #tpu.memory_space<vmem>>) dst(%dma_wait3A_772 : memref<50x32xbf16, #tpu.memory_space<hbm>>)
      } else {
      }
      %parallel_loop3A = arith.constant 0 : i32
      %parallel_loop3A_331 = arith.constant 50 : i32
      %parallel_loop3A_332 = arith.constant 1 : i32
      %parallel_loop3A_333 = arith.constant 0 : i32
      %parallel_loop3A_334 = arith.constant 0 : i32
      scf.for %parallel_loop3A_755 = %parallel_loop3A to %parallel_loop3A_331 step %parallel_loop3A_332  : i32 {
        %parallel_loop3A_756 = arith.constant 0 : i32
        %parallel_loop3A_757 = arith.constant 0 : i32
        %parallel_loop3A_758 = tpu.memref_slice %arg6[%parallel_loop3A_333, %parallel_loop3A_756, %parallel_loop3A_757] : memref<8x50x32xf32, #tpu.memory_space<vmem>> -> memref<1x50x32xf32, #tpu.memory_space<vmem>>
        %parallel_loop3A_759 = tpu.memref_squeeze %parallel_loop3A_758 : memref<1x50x32xf32, #tpu.memory_space<vmem>> -> memref<50x32xf32, #tpu.memory_space<vmem>>
        %parallel_loop3A_760 = arith.constant 0 : i32
        %parallel_loop3A_761 = tpu.memref_slice %parallel_loop3A_759[%parallel_loop3A_755, %parallel_loop3A_760] : memref<50x32xf32, #tpu.memory_space<vmem>> -> memref<1x32xf32, #tpu.memory_space<vmem>>
        %parallel_loop3A_762 = tpu.memref_squeeze %parallel_loop3A_761 : memref<1x32xf32, #tpu.memory_space<vmem>> -> memref<32xf32, #tpu.memory_space<vmem>>
        %parallel_loop3A_763 = tpu.vector_load_idx %parallel_loop3A_762[%mul3A_5] : memref<32xf32, #tpu.memory_space<vmem>>[vector<16xi32>], vector<16xf32>,
        %parallel_loop3A_764 = vector.bitcast %parallel_loop3A_763 : vector<16xf32> to vector<16xi32>
        %parallel_loop3A_765 = arith.constant 0 : i32
        %parallel_loop3A_766 = arith.constant 0 : i32
        %parallel_loop3A_767 = tpu.memref_slice %arg6[%parallel_loop3A_333, %parallel_loop3A_765, %parallel_loop3A_766] : memref<8x50x32xf32, #tpu.memory_space<vmem>> -> memref<1x50x32xf32, #tpu.memory_space<vmem>>
        %parallel_loop3A_768 = tpu.memref_squeeze %parallel_loop3A_767 : memref<1x50x32xf32, #tpu.memory_space<vmem>> -> memref<50x32xf32, #tpu.memory_space<vmem>>
        %parallel_loop3A_769 = arith.constant 0 : i32
        %parallel_loop3A_770 = tpu.memref_slice %parallel_loop3A_768[%parallel_loop3A_755, %parallel_loop3A_769] : memref<50x32xf32, #tpu.memory_space<vmem>> -> memref<1x32xf32, #tpu.memory_space<vmem>>
        %parallel_loop3A_771 = tpu.memref_squeeze %parallel_loop3A_770 : memref<1x32xf32, #tpu.memory_space<vmem>> -> memref<32xf32, #tpu.memory_space<vmem>>
        %parallel_loop3A_772 = tpu.vector_load_idx %parallel_loop3A_771[%add3A_8] : memref<32xf32, #tpu.memory_space<vmem>>[vector<16xi32>], vector<16xf32>,
        %parallel_loop3A_773 = vector.bitcast %parallel_loop3A_772 : vector<16xf32> to vector<16xi32>
        %parallel_loop3A_774 = arith.constant 16 : i32
        %parallel_loop3A_775 = vector.broadcast %parallel_loop3A_774 : i32 to vector<16xi32>
        %parallel_loop3A_776 = arith.shrui %parallel_loop3A_764, %parallel_loop3A_775 : vector<16xi32>
        %parallel_loop3A_777 = arith.constant 1 : i32
        %parallel_loop3A_778 = vector.broadcast %parallel_loop3A_777 : i32 to vector<16xi32>
        %parallel_loop3A_779 = arith.andi %parallel_loop3A_776, %parallel_loop3A_778 : vector<16xi32>
        %parallel_loop3A_780 = arith.constant 32767 : i32
        %parallel_loop3A_781 = vector.broadcast %parallel_loop3A_780 : i32 to vector<16xi32>
        %parallel_loop3A_782 = arith.addi %parallel_loop3A_764, %parallel_loop3A_781 : vector<16xi32>
        %parallel_loop3A_783 = arith.addi %parallel_loop3A_782, %parallel_loop3A_779 : vector<16xi32>
        %parallel_loop3A_784 = arith.constant 16 : i32
        %parallel_loop3A_785 = vector.broadcast %parallel_loop3A_784 : i32 to vector<16xi32>
        %parallel_loop3A_786 = arith.shrui %parallel_loop3A_783, %parallel_loop3A_785 : vector<16xi32>
        %parallel_loop3A_787 = arith.constant 16 : i32
        %parallel_loop3A_788 = vector.broadcast %parallel_loop3A_787 : i32 to vector<16xi32>
        %parallel_loop3A_789 = arith.shrui %parallel_loop3A_773, %parallel_loop3A_788 : vector<16xi32>
        %parallel_loop3A_790 = arith.constant 1 : i32
        %parallel_loop3A_791 = vector.broadcast %parallel_loop3A_790 : i32 to vector<16xi32>
        %parallel_loop3A_792 = arith.andi %parallel_loop3A_789, %parallel_loop3A_791 : vector<16xi32>
        %parallel_loop3A_793 = arith.constant 32767 : i32
        %parallel_loop3A_794 = vector.broadcast %parallel_loop3A_793 : i32 to vector<16xi32>
        %parallel_loop3A_795 = arith.addi %parallel_loop3A_773, %parallel_loop3A_794 : vector<16xi32>
        %parallel_loop3A_796 = arith.addi %parallel_loop3A_795, %parallel_loop3A_792 : vector<16xi32>
        %parallel_loop3A_797 = arith.constant 16 : i32
        %parallel_loop3A_798 = vector.broadcast %parallel_loop3A_797 : i32 to vector<16xi32>
        %parallel_loop3A_799 = arith.shrui %parallel_loop3A_796, %parallel_loop3A_798 : vector<16xi32>
        %parallel_loop3A_800 = arith.constant 16 : i32
        %parallel_loop3A_801 = vector.broadcast %parallel_loop3A_800 : i32 to vector<16xi32>
        %parallel_loop3A_802 = arith.shli %parallel_loop3A_799, %parallel_loop3A_801 : vector<16xi32>
        %parallel_loop3A_803 = arith.ori %parallel_loop3A_786, %parallel_loop3A_802 : vector<16xi32>
        %parallel_loop3A_804 = vector.bitcast %parallel_loop3A_803 : vector<16xi32> to vector<32xbf16>
        %parallel_loop3A_805 = arith.constant 0 : i32
        %parallel_loop3A_806 = arith.constant 0 : i32
        %parallel_loop3A_807 = tpu.memref_slice %arg7[%parallel_loop3A_334, %parallel_loop3A_805, %parallel_loop3A_806] : memref<8x50x32xbf16, #tpu.memory_space<vmem>> -> memref<1x50x32xbf16, #tpu.memory_space<vmem>>
        %parallel_loop3A_808 = tpu.memref_squeeze %parallel_loop3A_807 : memref<1x50x32xbf16, #tpu.memory_space<vmem>> -> memref<50x32xbf16, #tpu.memory_space<vmem>>
        %parallel_loop3A_809 = arith.constant 0 : i32
        %parallel_loop3A_810 = tpu.memref_slice %parallel_loop3A_808[%parallel_loop3A_755, %parallel_loop3A_809] : memref<50x32xbf16, #tpu.memory_space<vmem>> -> memref<1x32xbf16, #tpu.memory_space<vmem>>
        %parallel_loop3A_811 = tpu.memref_squeeze %parallel_loop3A_810 : memref<1x32xbf16, #tpu.memory_space<vmem>> -> memref<32xbf16, #tpu.memory_space<vmem>>
        %parallel_loop3A_812 = arith.constant 0 : index
        %parallel_loop3A_813 = tpu.vector_load %parallel_loop3A_811[%parallel_loop3A_812] {strides = array<i32>} : memref<32xbf16, #tpu.memory_space<vmem>>, vector<32xbf16>,
        tpu.vector_store %parallel_loop3A_811[%parallel_loop3A_812], %parallel_loop3A_804 {strides = array<i32>} : memref<32xbf16, #tpu.memory_space<vmem>>, vector<32xbf16>,
      } {sc.loop_unroll_factor = 2 : i64, sc.parallel_access}
      %add3A_335 = arith.addi %mul3A_2, %add3A_314 : i32
      %dma_start3A_336 = arith.constant 0 : i32
      %dma_start3A_337 = arith.constant 0 : i32
      %dma_start3A_338 = arith.constant 0 : i32
      %dma_start3A_339 = arith.constant 0 : i32
      %dma_start3A_340 = tpu.memref_slice %arg7[%dma_start3A_336, %dma_start3A_338, %dma_start3A_339] : memref<8x50x32xbf16, #tpu.memory_space<vmem>> -> memref<1x50x32xbf16, #tpu.memory_space<vmem>>
      %dma_start3A_341 = tpu.memref_squeeze %dma_start3A_340 : memref<1x50x32xbf16, #tpu.memory_space<vmem>> -> memref<50x32xbf16, #tpu.memory_space<vmem>>
      %dma_start3A_342 = arith.constant 0 : i32
      %dma_start3A_343 = arith.constant 0 : i32
      %dma_start3A_344 = tpu.memref_slice %arg4[%add3A_335, %dma_start3A_342, %dma_start3A_343] : memref<16384x50x32xbf16, #tpu.memory_space<hbm>> -> memref<1x50x32xbf16, #tpu.memory_space<hbm>>
      %dma_start3A_345 = tpu.memref_squeeze %dma_start3A_344 : memref<1x50x32xbf16, #tpu.memory_space<hbm>> -> memref<50x32xbf16, #tpu.memory_space<hbm>>
      %dma_start3A_346 = tpu.memref_slice %arg9[%dma_start3A_337] : memref<8x!tpu.dma_semaphore, #tpu.memory_space<semaphore_mem>> -> memref<1x!tpu.dma_semaphore, #tpu.memory_space<semaphore_mem>>
      %dma_start3A_347 = tpu.memref_squeeze %dma_start3A_346 : memref<1x!tpu.dma_semaphore, #tpu.memory_space<semaphore_mem>> -> memref<!tpu.dma_semaphore, #tpu.memory_space<semaphore_mem>>
      %dma_start3A_348 = arith.constant 0 : i32
      %dma_start3A_349 = arith.constant 0 : i32
      %dma_start3A_350 = tpu.memref_slice %arg4[%add3A_335, %dma_start3A_348, %dma_start3A_349] : memref<16384x50x32xbf16, #tpu.memory_space<hbm>> -> memref<1x50x32xbf16, #tpu.memory_space<hbm>>
      %dma_start3A_351 = tpu.memref_squeeze %dma_start3A_350 : memref<1x50x32xbf16, #tpu.memory_space<hbm>> -> memref<50x32xbf16, #tpu.memory_space<hbm>>
      %dma_start3A_352 = arith.constant 0 : i32
      %dma_start3A_353 = arith.constant 0 : i32
      %dma_start3A_354 = tpu.memref_slice %arg7[%dma_start3A_336, %dma_start3A_352, %dma_start3A_353] : memref<8x50x32xbf16, #tpu.memory_space<vmem>> -> memref<1x50x32xbf16, #tpu.memory_space<vmem>>
      %dma_start3A_355 = tpu.memref_squeeze %dma_start3A_354 : memref<1x50x32xbf16, #tpu.memory_space<vmem>> -> memref<50x32xbf16, #tpu.memory_space<vmem>>
      tpu.enqueue_dma source(%dma_start3A_355 : memref<50x32xbf16, #tpu.memory_space<vmem>>) target(%dma_start3A_351 : memref<50x32xbf16, #tpu.memory_space<hbm>>) target_semaphore(%dma_start3A_347 : memref<!tpu.dma_semaphore, #tpu.memory_space<semaphore_mem>>)
      %add3A_356 = arith.constant 8 : i32
      %add3A_357 = arith.addi %add3A_314, %add3A_356 : i32
      %lt3A = arith.constant 512 : i32
      %lt3A_358 = arith.cmpi slt, %add3A_357, %lt3A : i32
      %convert_element_type3A_359 = arith.extui %lt3A_358 : i1 to i32
      %cond3A_360 = arith.constant 0 : i32
      %cond3A_361 = arith.cmpi ne, %convert_element_type3A_359, %cond3A_360 : i32
      scf.if %cond3A_361 {
        %add3A_755 = arith.constant 8 : i32
        %add3A_756 = arith.addi %add3A_314, %add3A_755 : i32
        %dma_start3A_757 = arith.constant 0 : i32
        %dma_start3A_758 = arith.constant 0 : i32
        %dma_start3A_759 = arith.constant 0 : i32
        %dma_start3A_760 = arith.constant 0 : i32
        %dma_start3A_761 = tpu.memref_slice %arg6[%dma_start3A_757, %dma_start3A_759, %dma_start3A_760] : memref<8x50x32xf32, #tpu.memory_space<vmem>> -> memref<1x50x32xf32, #tpu.memory_space<vmem>>
        %dma_start3A_762 = tpu.memref_squeeze %dma_start3A_761 : memref<1x50x32xf32, #tpu.memory_space<vmem>> -> memref<50x32xf32, #tpu.memory_space<vmem>>
        %dma_start3A_763 = arith.constant 0 : i32
        %dma_start3A_764 = tpu.memref_slice %arg5[%add3A_756, %dma_start3A_763] : memref<512x50xi32, #tpu.memory_space<vmem>> -> memref<1x50xi32, #tpu.memory_space<vmem>>
        %dma_start3A_765 = tpu.memref_squeeze %dma_start3A_764 : memref<1x50xi32, #tpu.memory_space<vmem>> -> memref<50xi32, #tpu.memory_space<vmem>>
        %dma_start3A_766 = arith.constant 0 : i32
        %dma_start3A_767 = arith.constant 0 : i32
        %dma_start3A_768 = tpu.memref_slice %arg2[%dma_start3A_766, %dma_start3A_767] : memref<1000000x32xf32, #tpu.memory_space<hbm>> -> memref<1000000x32xf32, #tpu.memory_space<hbm>>
        %dma_start3A_769 = tpu.memref_slice %arg8[%dma_start3A_758] : memref<8x!tpu.dma_semaphore, #tpu.memory_space<semaphore_mem>> -> memref<1x!tpu.dma_semaphore, #tpu.memory_space<semaphore_mem>>
        %dma_start3A_770 = tpu.memref_squeeze %dma_start3A_769 : memref<1x!tpu.dma_semaphore, #tpu.memory_space<semaphore_mem>> -> memref<!tpu.dma_semaphore, #tpu.memory_space<semaphore_mem>>
        tpu.enqueue_indirect_dma source(%dma_start3A_768 : memref<1000000x32xf32, #tpu.memory_space<hbm>>) target(%dma_start3A_762 : memref<50x32xf32, #tpu.memory_space<vmem>>) offsets(%dma_start3A_765 : memref<50xi32, #tpu.memory_space<vmem>>) semaphore(%dma_start3A_770 : memref<!tpu.dma_semaphore, #tpu.memory_space<semaphore_mem>>)
      } else {
      }
      %mul3A_362 = arith.constant 8 : i32
      %mul3A_363 = arith.muli %scan3A_309, %mul3A_362 : i32
      %add3A_364 = arith.constant 1 : i32
      %add3A_365 = arith.addi %mul3A_363, %add3A_364 : i32
      %dma_wait3A_366 = arith.constant 1 : i32
      %dma_wait3A_367 = arith.constant 1 : i32
      %dma_wait3A_368 = arith.constant 0 : i32
      %dma_wait3A_369 = arith.constant 0 : i32
      %dma_wait3A_370 = tpu.memref_slice %arg6[%dma_wait3A_366, %dma_wait3A_368, %dma_wait3A_369] : memref<8x50x32xf32, #tpu.memory_space<vmem>> -> memref<1x50x32xf32, #tpu.memory_space<vmem>>
      %dma_wait3A_371 = tpu.memref_squeeze %dma_wait3A_370 : memref<1x50x32xf32, #tpu.memory_space<vmem>> -> memref<50x32xf32, #tpu.memory_space<vmem>>
      %dma_wait3A_372 = arith.constant 0 : i32
      %dma_wait3A_373 = tpu.memref_slice %arg5[%add3A_365, %dma_wait3A_372] : memref<512x50xi32, #tpu.memory_space<vmem>> -> memref<1x50xi32, #tpu.memory_space<vmem>>
      %dma_wait3A_374 = tpu.memref_squeeze %dma_wait3A_373 : memref<1x50xi32, #tpu.memory_space<vmem>> -> memref<50xi32, #tpu.memory_space<vmem>>
      %dma_wait3A_375 = arith.constant 0 : i32
      %dma_wait3A_376 = arith.constant 0 : i32
      %dma_wait3A_377 = tpu.memref_slice %arg2[%dma_wait3A_375, %dma_wait3A_376] : memref<1000000x32xf32, #tpu.memory_space<hbm>> -> memref<1000000x32xf32, #tpu.memory_space<hbm>>
      %dma_wait3A_378 = tpu.memref_slice %arg8[%dma_wait3A_367] : memref<8x!tpu.dma_semaphore, #tpu.memory_space<semaphore_mem>> -> memref<1x!tpu.dma_semaphore, #tpu.memory_space<semaphore_mem>>
      %dma_wait3A_379 = tpu.memref_squeeze %dma_wait3A_378 : memref<1x!tpu.dma_semaphore, #tpu.memory_space<semaphore_mem>> -> memref<!tpu.dma_semaphore, #tpu.memory_space<semaphore_mem>>
      tpu.wait_indirect_dma semaphore(%dma_wait3A_379 : memref<!tpu.dma_semaphore, #tpu.memory_space<semaphore_mem>>) src(%dma_wait3A_377 : memref<1000000x32xf32, #tpu.memory_space<hbm>>) dst(%dma_wait3A_371 : memref<50x32xf32, #tpu.memory_space<vmem>>)
      %ge3A_380 = arith.constant 8 : i32
      %ge3A_381 = arith.cmpi sge, %add3A_365, %ge3A_380 : i32
      %convert_element_type3A_382 = arith.extui %ge3A_381 : i1 to i32
      %cond3A_383 = arith.constant 0 : i32
      %cond3A_384 = arith.cmpi ne, %convert_element_type3A_382, %cond3A_383 : i32
      scf.if %cond3A_384 {
        %sub3A = arith.constant 8 : i32
        %sub3A_755 = arith.subi %add3A_365, %sub3A : i32
        %add3A_756 = arith.addi %mul3A_2, %sub3A_755 : i32
        %dma_wait3A_757 = arith.constant 1 : i32
        %dma_wait3A_758 = arith.constant 1 : i32
        %dma_wait3A_759 = arith.constant 0 : i32
        %dma_wait3A_760 = arith.constant 0 : i32
        %dma_wait3A_761 = tpu.memref_slice %arg7[%dma_wait3A_757, %dma_wait3A_759, %dma_wait3A_760] : memref<8x50x32xbf16, #tpu.memory_space<vmem>> -> memref<1x50x32xbf16, #tpu.memory_space<vmem>>
        %dma_wait3A_762 = tpu.memref_squeeze %dma_wait3A_761 : memref<1x50x32xbf16, #tpu.memory_space<vmem>> -> memref<50x32xbf16, #tpu.memory_space<vmem>>
        %dma_wait3A_763 = arith.constant 0 : i32
        %dma_wait3A_764 = arith.constant 0 : i32
        %dma_wait3A_765 = tpu.memref_slice %arg4[%add3A_756, %dma_wait3A_763, %dma_wait3A_764] : memref<16384x50x32xbf16, #tpu.memory_space<hbm>> -> memref<1x50x32xbf16, #tpu.memory_space<hbm>>
        %dma_wait3A_766 = tpu.memref_squeeze %dma_wait3A_765 : memref<1x50x32xbf16, #tpu.memory_space<hbm>> -> memref<50x32xbf16, #tpu.memory_space<hbm>>
        %dma_wait3A_767 = tpu.memref_slice %arg9[%dma_wait3A_758] : memref<8x!tpu.dma_semaphore, #tpu.memory_space<semaphore_mem>> -> memref<1x!tpu.dma_semaphore, #tpu.memory_space<semaphore_mem>>
        %dma_wait3A_768 = tpu.memref_squeeze %dma_wait3A_767 : memref<1x!tpu.dma_semaphore, #tpu.memory_space<semaphore_mem>> -> memref<!tpu.dma_semaphore, #tpu.memory_space<semaphore_mem>>
        %dma_wait3A_769 = arith.constant 0 : i32
        %dma_wait3A_770 = arith.constant 0 : i32
        %dma_wait3A_771 = tpu.memref_slice %arg4[%add3A_756, %dma_wait3A_769, %dma_wait3A_770] : memref<16384x50x32xbf16, #tpu.memory_space<hbm>> -> memref<1x50x32xbf16, #tpu.memory_space<hbm>>
        %dma_wait3A_772 = tpu.memref_squeeze %dma_wait3A_771 : memref<1x50x32xbf16, #tpu.memory_space<hbm>> -> memref<50x32xbf16, #tpu.memory_space<hbm>>
        %dma_wait3A_773 = arith.constant 0 : i32
        %dma_wait3A_774 = arith.constant 0 : i32
        %dma_wait3A_775 = tpu.memref_slice %arg7[%dma_wait3A_757, %dma_wait3A_773, %dma_wait3A_774] : memref<8x50x32xbf16, #tpu.memory_space<vmem>> -> memref<1x50x32xbf16, #tpu.memory_space<vmem>>
        %dma_wait3A_776 = tpu.memref_squeeze %dma_wait3A_775 : memref<1x50x32xbf16, #tpu.memory_space<vmem>> -> memref<50x32xbf16, #tpu.memory_space<vmem>>
        tpu.wait_dma2 semaphore(%dma_wait3A_768 : memref<!tpu.dma_semaphore, #tpu.memory_space<semaphore_mem>>) src(%dma_wait3A_776 : memref<50x32xbf16, #tpu.memory_space<vmem>>) dst(%dma_wait3A_772 : memref<50x32xbf16, #tpu.memory_space<hbm>>)
      } else {
      }
      %parallel_loop3A_385 = arith.constant 0 : i32
      %parallel_loop3A_386 = arith.constant 50 : i32
      %parallel_loop3A_387 = arith.constant 1 : i32
      %parallel_loop3A_388 = arith.constant 1 : i32
      %parallel_loop3A_389 = arith.constant 1 : i32
      scf.for %parallel_loop3A_755 = %parallel_loop3A_385 to %parallel_loop3A_386 step %parallel_loop3A_387  : i32 {
        %parallel_loop3A_756 = arith.constant 0 : i32
        %parallel_loop3A_757 = arith.constant 0 : i32
        %parallel_loop3A_758 = tpu.memref_slice %arg6[%parallel_loop3A_388, %parallel_loop3A_756, %parallel_loop3A_757] : memref<8x50x32xf32, #tpu.memory_space<vmem>> -> memref<1x50x32xf32, #tpu.memory_space<vmem>>
        %parallel_loop3A_759 = tpu.memref_squeeze %parallel_loop3A_758 : memref<1x50x32xf32, #tpu.memory_space<vmem>> -> memref<50x32xf32, #tpu.memory_space<vmem>>
        %parallel_loop3A_760 = arith.constant 0 : i32
        %parallel_loop3A_761 = tpu.memref_slice %parallel_loop3A_759[%parallel_loop3A_755, %parallel_loop3A_760] : memref<50x32xf32, #tpu.memory_space<vmem>> -> memref<1x32xf32, #tpu.memory_space<vmem>>
        %parallel_loop3A_762 = tpu.memref_squeeze %parallel_loop3A_761 : memref<1x32xf32, #tpu.memory_space<vmem>> -> memref<32xf32, #tpu.memory_space<vmem>>
        %parallel_loop3A_763 = tpu.vector_load_idx %parallel_loop3A_762[%mul3A_5] : memref<32xf32, #tpu.memory_space<vmem>>[vector<16xi32>], vector<16xf32>,
        %parallel_loop3A_764 = vector.bitcast %parallel_loop3A_763 : vector<16xf32> to vector<16xi32>
        %parallel_loop3A_765 = arith.constant 0 : i32
        %parallel_loop3A_766 = arith.constant 0 : i32
        %parallel_loop3A_767 = tpu.memref_slice %arg6[%parallel_loop3A_388, %parallel_loop3A_765, %parallel_loop3A_766] : memref<8x50x32xf32, #tpu.memory_space<vmem>> -> memref<1x50x32xf32, #tpu.memory_space<vmem>>
        %parallel_loop3A_768 = tpu.memref_squeeze %parallel_loop3A_767 : memref<1x50x32xf32, #tpu.memory_space<vmem>> -> memref<50x32xf32, #tpu.memory_space<vmem>>
        %parallel_loop3A_769 = arith.constant 0 : i32
        %parallel_loop3A_770 = tpu.memref_slice %parallel_loop3A_768[%parallel_loop3A_755, %parallel_loop3A_769] : memref<50x32xf32, #tpu.memory_space<vmem>> -> memref<1x32xf32, #tpu.memory_space<vmem>>
        %parallel_loop3A_771 = tpu.memref_squeeze %parallel_loop3A_770 : memref<1x32xf32, #tpu.memory_space<vmem>> -> memref<32xf32, #tpu.memory_space<vmem>>
        %parallel_loop3A_772 = tpu.vector_load_idx %parallel_loop3A_771[%add3A_8] : memref<32xf32, #tpu.memory_space<vmem>>[vector<16xi32>], vector<16xf32>,
        %parallel_loop3A_773 = vector.bitcast %parallel_loop3A_772 : vector<16xf32> to vector<16xi32>
        %parallel_loop3A_774 = arith.constant 16 : i32
        %parallel_loop3A_775 = vector.broadcast %parallel_loop3A_774 : i32 to vector<16xi32>
        %parallel_loop3A_776 = arith.shrui %parallel_loop3A_764, %parallel_loop3A_775 : vector<16xi32>
        %parallel_loop3A_777 = arith.constant 1 : i32
        %parallel_loop3A_778 = vector.broadcast %parallel_loop3A_777 : i32 to vector<16xi32>
        %parallel_loop3A_779 = arith.andi %parallel_loop3A_776, %parallel_loop3A_778 : vector<16xi32>
        %parallel_loop3A_780 = arith.constant 32767 : i32
        %parallel_loop3A_781 = vector.broadcast %parallel_loop3A_780 : i32 to vector<16xi32>
        %parallel_loop3A_782 = arith.addi %parallel_loop3A_764, %parallel_loop3A_781 : vector<16xi32>
        %parallel_loop3A_783 = arith.addi %parallel_loop3A_782, %parallel_loop3A_779 : vector<16xi32>
        %parallel_loop3A_784 = arith.constant 16 : i32
        %parallel_loop3A_785 = vector.broadcast %parallel_loop3A_784 : i32 to vector<16xi32>
        %parallel_loop3A_786 = arith.shrui %parallel_loop3A_783, %parallel_loop3A_785 : vector<16xi32>
        %parallel_loop3A_787 = arith.constant 16 : i32
        %parallel_loop3A_788 = vector.broadcast %parallel_loop3A_787 : i32 to vector<16xi32>
        %parallel_loop3A_789 = arith.shrui %parallel_loop3A_773, %parallel_loop3A_788 : vector<16xi32>
        %parallel_loop3A_790 = arith.constant 1 : i32
        %parallel_loop3A_791 = vector.broadcast %parallel_loop3A_790 : i32 to vector<16xi32>
        %parallel_loop3A_792 = arith.andi %parallel_loop3A_789, %parallel_loop3A_791 : vector<16xi32>
        %parallel_loop3A_793 = arith.constant 32767 : i32
        %parallel_loop3A_794 = vector.broadcast %parallel_loop3A_793 : i32 to vector<16xi32>
        %parallel_loop3A_795 = arith.addi %parallel_loop3A_773, %parallel_loop3A_794 : vector<16xi32>
        %parallel_loop3A_796 = arith.addi %parallel_loop3A_795, %parallel_loop3A_792 : vector<16xi32>
        %parallel_loop3A_797 = arith.constant 16 : i32
        %parallel_loop3A_798 = vector.broadcast %parallel_loop3A_797 : i32 to vector<16xi32>
        %parallel_loop3A_799 = arith.shrui %parallel_loop3A_796, %parallel_loop3A_798 : vector<16xi32>
        %parallel_loop3A_800 = arith.constant 16 : i32
        %parallel_loop3A_801 = vector.broadcast %parallel_loop3A_800 : i32 to vector<16xi32>
        %parallel_loop3A_802 = arith.shli %parallel_loop3A_799, %parallel_loop3A_801 : vector<16xi32>
        %parallel_loop3A_803 = arith.ori %parallel_loop3A_786, %parallel_loop3A_802 : vector<16xi32>
        %parallel_loop3A_804 = vector.bitcast %parallel_loop3A_803 : vector<16xi32> to vector<32xbf16>
        %parallel_loop3A_805 = arith.constant 0 : i32
        %parallel_loop3A_806 = arith.constant 0 : i32
        %parallel_loop3A_807 = tpu.memref_slice %arg7[%parallel_loop3A_389, %parallel_loop3A_805, %parallel_loop3A_806] : memref<8x50x32xbf16, #tpu.memory_space<vmem>> -> memref<1x50x32xbf16, #tpu.memory_space<vmem>>
        %parallel_loop3A_808 = tpu.memref_squeeze %parallel_loop3A_807 : memref<1x50x32xbf16, #tpu.memory_space<vmem>> -> memref<50x32xbf16, #tpu.memory_space<vmem>>
        %parallel_loop3A_809 = arith.constant 0 : i32
        %parallel_loop3A_810 = tpu.memref_slice %parallel_loop3A_808[%parallel_loop3A_755, %parallel_loop3A_809] : memref<50x32xbf16, #tpu.memory_space<vmem>> -> memref<1x32xbf16, #tpu.memory_space<vmem>>
        %parallel_loop3A_811 = tpu.memref_squeeze %parallel_loop3A_810 : memref<1x32xbf16, #tpu.memory_space<vmem>> -> memref<32xbf16, #tpu.memory_space<vmem>>
        %parallel_loop3A_812 = arith.constant 0 : index
        %parallel_loop3A_813 = tpu.vector_load %parallel_loop3A_811[%parallel_loop3A_812] {strides = array<i32>} : memref<32xbf16, #tpu.memory_space<vmem>>, vector<32xbf16>,
        tpu.vector_store %parallel_loop3A_811[%parallel_loop3A_812], %parallel_loop3A_804 {strides = array<i32>} : memref<32xbf16, #tpu.memory_space<vmem>>, vector<32xbf16>,
      } {sc.loop_unroll_factor = 2 : i64, sc.parallel_access}
      %add3A_390 = arith.addi %mul3A_2, %add3A_365 : i32
      %dma_start3A_391 = arith.constant 1 : i32
      %dma_start3A_392 = arith.constant 1 : i32
      %dma_start3A_393 = arith.constant 0 : i32
      %dma_start3A_394 = arith.constant 0 : i32
      %dma_start3A_395 = tpu.memref_slice %arg7[%dma_start3A_391, %dma_start3A_393, %dma_start3A_394] : memref<8x50x32xbf16, #tpu.memory_space<vmem>> -> memref<1x50x32xbf16, #tpu.memory_space<vmem>>
      %dma_start3A_396 = tpu.memref_squeeze %dma_start3A_395 : memref<1x50x32xbf16, #tpu.memory_space<vmem>> -> memref<50x32xbf16, #tpu.memory_space<vmem>>
      %dma_start3A_397 = arith.constant 0 : i32
      %dma_start3A_398 = arith.constant 0 : i32
      %dma_start3A_399 = tpu.memref_slice %arg4[%add3A_390, %dma_start3A_397, %dma_start3A_398] : memref<16384x50x32xbf16, #tpu.memory_space<hbm>> -> memref<1x50x32xbf16, #tpu.memory_space<hbm>>
      %dma_start3A_400 = tpu.memref_squeeze %dma_start3A_399 : memref<1x50x32xbf16, #tpu.memory_space<hbm>> -> memref<50x32xbf16, #tpu.memory_space<hbm>>
      %dma_start3A_401 = tpu.memref_slice %arg9[%dma_start3A_392] : memref<8x!tpu.dma_semaphore, #tpu.memory_space<semaphore_mem>> -> memref<1x!tpu.dma_semaphore, #tpu.memory_space<semaphore_mem>>
      %dma_start3A_402 = tpu.memref_squeeze %dma_start3A_401 : memref<1x!tpu.dma_semaphore, #tpu.memory_space<semaphore_mem>> -> memref<!tpu.dma_semaphore, #tpu.memory_space<semaphore_mem>>
      %dma_start3A_403 = arith.constant 0 : i32
      %dma_start3A_404 = arith.constant 0 : i32
      %dma_start3A_405 = tpu.memref_slice %arg4[%add3A_390, %dma_start3A_403, %dma_start3A_404] : memref<16384x50x32xbf16, #tpu.memory_space<hbm>> -> memref<1x50x32xbf16, #tpu.memory_space<hbm>>
      %dma_start3A_406 = tpu.memref_squeeze %dma_start3A_405 : memref<1x50x32xbf16, #tpu.memory_space<hbm>> -> memref<50x32xbf16, #tpu.memory_space<hbm>>
      %dma_start3A_407 = arith.constant 0 : i32
      %dma_start3A_408 = arith.constant 0 : i32
      %dma_start3A_409 = tpu.memref_slice %arg7[%dma_start3A_391, %dma_start3A_407, %dma_start3A_408] : memref<8x50x32xbf16, #tpu.memory_space<vmem>> -> memref<1x50x32xbf16, #tpu.memory_space<vmem>>
      %dma_start3A_410 = tpu.memref_squeeze %dma_start3A_409 : memref<1x50x32xbf16, #tpu.memory_space<vmem>> -> memref<50x32xbf16, #tpu.memory_space<vmem>>
      tpu.enqueue_dma source(%dma_start3A_410 : memref<50x32xbf16, #tpu.memory_space<vmem>>) target(%dma_start3A_406 : memref<50x32xbf16, #tpu.memory_space<hbm>>) target_semaphore(%dma_start3A_402 : memref<!tpu.dma_semaphore, #tpu.memory_space<semaphore_mem>>)
      %add3A_411 = arith.constant 8 : i32
      %add3A_412 = arith.addi %add3A_365, %add3A_411 : i32
      %lt3A_413 = arith.constant 512 : i32
      %lt3A_414 = arith.cmpi slt, %add3A_412, %lt3A_413 : i32
      %convert_element_type3A_415 = arith.extui %lt3A_414 : i1 to i32
      %cond3A_416 = arith.constant 0 : i32
      %cond3A_417 = arith.cmpi ne, %convert_element_type3A_415, %cond3A_416 : i32
      scf.if %cond3A_417 {
        %add3A_755 = arith.constant 8 : i32
        %add3A_756 = arith.addi %add3A_365, %add3A_755 : i32
        %dma_start3A_757 = arith.constant 1 : i32
        %dma_start3A_758 = arith.constant 1 : i32
        %dma_start3A_759 = arith.constant 0 : i32
        %dma_start3A_760 = arith.constant 0 : i32
        %dma_start3A_761 = tpu.memref_slice %arg6[%dma_start3A_757, %dma_start3A_759, %dma_start3A_760] : memref<8x50x32xf32, #tpu.memory_space<vmem>> -> memref<1x50x32xf32, #tpu.memory_space<vmem>>
        %dma_start3A_762 = tpu.memref_squeeze %dma_start3A_761 : memref<1x50x32xf32, #tpu.memory_space<vmem>> -> memref<50x32xf32, #tpu.memory_space<vmem>>
        %dma_start3A_763 = arith.constant 0 : i32
        %dma_start3A_764 = tpu.memref_slice %arg5[%add3A_756, %dma_start3A_763] : memref<512x50xi32, #tpu.memory_space<vmem>> -> memref<1x50xi32, #tpu.memory_space<vmem>>
        %dma_start3A_765 = tpu.memref_squeeze %dma_start3A_764 : memref<1x50xi32, #tpu.memory_space<vmem>> -> memref<50xi32, #tpu.memory_space<vmem>>
        %dma_start3A_766 = arith.constant 0 : i32
        %dma_start3A_767 = arith.constant 0 : i32
        %dma_start3A_768 = tpu.memref_slice %arg2[%dma_start3A_766, %dma_start3A_767] : memref<1000000x32xf32, #tpu.memory_space<hbm>> -> memref<1000000x32xf32, #tpu.memory_space<hbm>>
        %dma_start3A_769 = tpu.memref_slice %arg8[%dma_start3A_758] : memref<8x!tpu.dma_semaphore, #tpu.memory_space<semaphore_mem>> -> memref<1x!tpu.dma_semaphore, #tpu.memory_space<semaphore_mem>>
        %dma_start3A_770 = tpu.memref_squeeze %dma_start3A_769 : memref<1x!tpu.dma_semaphore, #tpu.memory_space<semaphore_mem>> -> memref<!tpu.dma_semaphore, #tpu.memory_space<semaphore_mem>>
        tpu.enqueue_indirect_dma source(%dma_start3A_768 : memref<1000000x32xf32, #tpu.memory_space<hbm>>) target(%dma_start3A_762 : memref<50x32xf32, #tpu.memory_space<vmem>>) offsets(%dma_start3A_765 : memref<50xi32, #tpu.memory_space<vmem>>) semaphore(%dma_start3A_770 : memref<!tpu.dma_semaphore, #tpu.memory_space<semaphore_mem>>)
      } else {
      }
      %mul3A_418 = arith.constant 8 : i32
      %mul3A_419 = arith.muli %scan3A_309, %mul3A_418 : i32
      %add3A_420 = arith.constant 2 : i32
      %add3A_421 = arith.addi %mul3A_419, %add3A_420 : i32
      %dma_wait3A_422 = arith.constant 2 : i32
      %dma_wait3A_423 = arith.constant 2 : i32
      %dma_wait3A_424 = arith.constant 0 : i32
      %dma_wait3A_425 = arith.constant 0 : i32
      %dma_wait3A_426 = tpu.memref_slice %arg6[%dma_wait3A_422, %dma_wait3A_424, %dma_wait3A_425] : memref<8x50x32xf32, #tpu.memory_space<vmem>> -> memref<1x50x32xf32, #tpu.memory_space<vmem>>
      %dma_wait3A_427 = tpu.memref_squeeze %dma_wait3A_426 : memref<1x50x32xf32, #tpu.memory_space<vmem>> -> memref<50x32xf32, #tpu.memory_space<vmem>>
      %dma_wait3A_428 = arith.constant 0 : i32
      %dma_wait3A_429 = tpu.memref_slice %arg5[%add3A_421, %dma_wait3A_428] : memref<512x50xi32, #tpu.memory_space<vmem>> -> memref<1x50xi32, #tpu.memory_space<vmem>>
      %dma_wait3A_430 = tpu.memref_squeeze %dma_wait3A_429 : memref<1x50xi32, #tpu.memory_space<vmem>> -> memref<50xi32, #tpu.memory_space<vmem>>
      %dma_wait3A_431 = arith.constant 0 : i32
      %dma_wait3A_432 = arith.constant 0 : i32
      %dma_wait3A_433 = tpu.memref_slice %arg2[%dma_wait3A_431, %dma_wait3A_432] : memref<1000000x32xf32, #tpu.memory_space<hbm>> -> memref<1000000x32xf32, #tpu.memory_space<hbm>>
      %dma_wait3A_434 = tpu.memref_slice %arg8[%dma_wait3A_423] : memref<8x!tpu.dma_semaphore, #tpu.memory_space<semaphore_mem>> -> memref<1x!tpu.dma_semaphore, #tpu.memory_space<semaphore_mem>>
      %dma_wait3A_435 = tpu.memref_squeeze %dma_wait3A_434 : memref<1x!tpu.dma_semaphore, #tpu.memory_space<semaphore_mem>> -> memref<!tpu.dma_semaphore, #tpu.memory_space<semaphore_mem>>
      tpu.wait_indirect_dma semaphore(%dma_wait3A_435 : memref<!tpu.dma_semaphore, #tpu.memory_space<semaphore_mem>>) src(%dma_wait3A_433 : memref<1000000x32xf32, #tpu.memory_space<hbm>>) dst(%dma_wait3A_427 : memref<50x32xf32, #tpu.memory_space<vmem>>)
      %ge3A_436 = arith.constant 8 : i32
      %ge3A_437 = arith.cmpi sge, %add3A_421, %ge3A_436 : i32
      %convert_element_type3A_438 = arith.extui %ge3A_437 : i1 to i32
      %cond3A_439 = arith.constant 0 : i32
      %cond3A_440 = arith.cmpi ne, %convert_element_type3A_438, %cond3A_439 : i32
      scf.if %cond3A_440 {
        %sub3A = arith.constant 8 : i32
        %sub3A_755 = arith.subi %add3A_421, %sub3A : i32
        %add3A_756 = arith.addi %mul3A_2, %sub3A_755 : i32
        %dma_wait3A_757 = arith.constant 2 : i32
        %dma_wait3A_758 = arith.constant 2 : i32
        %dma_wait3A_759 = arith.constant 0 : i32
        %dma_wait3A_760 = arith.constant 0 : i32
        %dma_wait3A_761 = tpu.memref_slice %arg7[%dma_wait3A_757, %dma_wait3A_759, %dma_wait3A_760] : memref<8x50x32xbf16, #tpu.memory_space<vmem>> -> memref<1x50x32xbf16, #tpu.memory_space<vmem>>
        %dma_wait3A_762 = tpu.memref_squeeze %dma_wait3A_761 : memref<1x50x32xbf16, #tpu.memory_space<vmem>> -> memref<50x32xbf16, #tpu.memory_space<vmem>>
        %dma_wait3A_763 = arith.constant 0 : i32
        %dma_wait3A_764 = arith.constant 0 : i32
        %dma_wait3A_765 = tpu.memref_slice %arg4[%add3A_756, %dma_wait3A_763, %dma_wait3A_764] : memref<16384x50x32xbf16, #tpu.memory_space<hbm>> -> memref<1x50x32xbf16, #tpu.memory_space<hbm>>
        %dma_wait3A_766 = tpu.memref_squeeze %dma_wait3A_765 : memref<1x50x32xbf16, #tpu.memory_space<hbm>> -> memref<50x32xbf16, #tpu.memory_space<hbm>>
        %dma_wait3A_767 = tpu.memref_slice %arg9[%dma_wait3A_758] : memref<8x!tpu.dma_semaphore, #tpu.memory_space<semaphore_mem>> -> memref<1x!tpu.dma_semaphore, #tpu.memory_space<semaphore_mem>>
        %dma_wait3A_768 = tpu.memref_squeeze %dma_wait3A_767 : memref<1x!tpu.dma_semaphore, #tpu.memory_space<semaphore_mem>> -> memref<!tpu.dma_semaphore, #tpu.memory_space<semaphore_mem>>
        %dma_wait3A_769 = arith.constant 0 : i32
        %dma_wait3A_770 = arith.constant 0 : i32
        %dma_wait3A_771 = tpu.memref_slice %arg4[%add3A_756, %dma_wait3A_769, %dma_wait3A_770] : memref<16384x50x32xbf16, #tpu.memory_space<hbm>> -> memref<1x50x32xbf16, #tpu.memory_space<hbm>>
        %dma_wait3A_772 = tpu.memref_squeeze %dma_wait3A_771 : memref<1x50x32xbf16, #tpu.memory_space<hbm>> -> memref<50x32xbf16, #tpu.memory_space<hbm>>
        %dma_wait3A_773 = arith.constant 0 : i32
        %dma_wait3A_774 = arith.constant 0 : i32
        %dma_wait3A_775 = tpu.memref_slice %arg7[%dma_wait3A_757, %dma_wait3A_773, %dma_wait3A_774] : memref<8x50x32xbf16, #tpu.memory_space<vmem>> -> memref<1x50x32xbf16, #tpu.memory_space<vmem>>
        %dma_wait3A_776 = tpu.memref_squeeze %dma_wait3A_775 : memref<1x50x32xbf16, #tpu.memory_space<vmem>> -> memref<50x32xbf16, #tpu.memory_space<vmem>>
        tpu.wait_dma2 semaphore(%dma_wait3A_768 : memref<!tpu.dma_semaphore, #tpu.memory_space<semaphore_mem>>) src(%dma_wait3A_776 : memref<50x32xbf16, #tpu.memory_space<vmem>>) dst(%dma_wait3A_772 : memref<50x32xbf16, #tpu.memory_space<hbm>>)
      } else {
      }
      %parallel_loop3A_441 = arith.constant 0 : i32
      %parallel_loop3A_442 = arith.constant 50 : i32
      %parallel_loop3A_443 = arith.constant 1 : i32
      %parallel_loop3A_444 = arith.constant 2 : i32
      %parallel_loop3A_445 = arith.constant 2 : i32
      scf.for %parallel_loop3A_755 = %parallel_loop3A_441 to %parallel_loop3A_442 step %parallel_loop3A_443  : i32 {
        %parallel_loop3A_756 = arith.constant 0 : i32
        %parallel_loop3A_757 = arith.constant 0 : i32
        %parallel_loop3A_758 = tpu.memref_slice %arg6[%parallel_loop3A_444, %parallel_loop3A_756, %parallel_loop3A_757] : memref<8x50x32xf32, #tpu.memory_space<vmem>> -> memref<1x50x32xf32, #tpu.memory_space<vmem>>
        %parallel_loop3A_759 = tpu.memref_squeeze %parallel_loop3A_758 : memref<1x50x32xf32, #tpu.memory_space<vmem>> -> memref<50x32xf32, #tpu.memory_space<vmem>>
        %parallel_loop3A_760 = arith.constant 0 : i32
        %parallel_loop3A_761 = tpu.memref_slice %parallel_loop3A_759[%parallel_loop3A_755, %parallel_loop3A_760] : memref<50x32xf32, #tpu.memory_space<vmem>> -> memref<1x32xf32, #tpu.memory_space<vmem>>
        %parallel_loop3A_762 = tpu.memref_squeeze %parallel_loop3A_761 : memref<1x32xf32, #tpu.memory_space<vmem>> -> memref<32xf32, #tpu.memory_space<vmem>>
        %parallel_loop3A_763 = tpu.vector_load_idx %parallel_loop3A_762[%mul3A_5] : memref<32xf32, #tpu.memory_space<vmem>>[vector<16xi32>], vector<16xf32>,
        %parallel_loop3A_764 = vector.bitcast %parallel_loop3A_763 : vector<16xf32> to vector<16xi32>
        %parallel_loop3A_765 = arith.constant 0 : i32
        %parallel_loop3A_766 = arith.constant 0 : i32
        %parallel_loop3A_767 = tpu.memref_slice %arg6[%parallel_loop3A_444, %parallel_loop3A_765, %parallel_loop3A_766] : memref<8x50x32xf32, #tpu.memory_space<vmem>> -> memref<1x50x32xf32, #tpu.memory_space<vmem>>
        %parallel_loop3A_768 = tpu.memref_squeeze %parallel_loop3A_767 : memref<1x50x32xf32, #tpu.memory_space<vmem>> -> memref<50x32xf32, #tpu.memory_space<vmem>>
        %parallel_loop3A_769 = arith.constant 0 : i32
        %parallel_loop3A_770 = tpu.memref_slice %parallel_loop3A_768[%parallel_loop3A_755, %parallel_loop3A_769] : memref<50x32xf32, #tpu.memory_space<vmem>> -> memref<1x32xf32, #tpu.memory_space<vmem>>
        %parallel_loop3A_771 = tpu.memref_squeeze %parallel_loop3A_770 : memref<1x32xf32, #tpu.memory_space<vmem>> -> memref<32xf32, #tpu.memory_space<vmem>>
        %parallel_loop3A_772 = tpu.vector_load_idx %parallel_loop3A_771[%add3A_8] : memref<32xf32, #tpu.memory_space<vmem>>[vector<16xi32>], vector<16xf32>,
        %parallel_loop3A_773 = vector.bitcast %parallel_loop3A_772 : vector<16xf32> to vector<16xi32>
        %parallel_loop3A_774 = arith.constant 16 : i32
        %parallel_loop3A_775 = vector.broadcast %parallel_loop3A_774 : i32 to vector<16xi32>
        %parallel_loop3A_776 = arith.shrui %parallel_loop3A_764, %parallel_loop3A_775 : vector<16xi32>
        %parallel_loop3A_777 = arith.constant 1 : i32
        %parallel_loop3A_778 = vector.broadcast %parallel_loop3A_777 : i32 to vector<16xi32>
        %parallel_loop3A_779 = arith.andi %parallel_loop3A_776, %parallel_loop3A_778 : vector<16xi32>
        %parallel_loop3A_780 = arith.constant 32767 : i32
        %parallel_loop3A_781 = vector.broadcast %parallel_loop3A_780 : i32 to vector<16xi32>
        %parallel_loop3A_782 = arith.addi %parallel_loop3A_764, %parallel_loop3A_781 : vector<16xi32>
        %parallel_loop3A_783 = arith.addi %parallel_loop3A_782, %parallel_loop3A_779 : vector<16xi32>
        %parallel_loop3A_784 = arith.constant 16 : i32
        %parallel_loop3A_785 = vector.broadcast %parallel_loop3A_784 : i32 to vector<16xi32>
        %parallel_loop3A_786 = arith.shrui %parallel_loop3A_783, %parallel_loop3A_785 : vector<16xi32>
        %parallel_loop3A_787 = arith.constant 16 : i32
        %parallel_loop3A_788 = vector.broadcast %parallel_loop3A_787 : i32 to vector<16xi32>
        %parallel_loop3A_789 = arith.shrui %parallel_loop3A_773, %parallel_loop3A_788 : vector<16xi32>
        %parallel_loop3A_790 = arith.constant 1 : i32
        %parallel_loop3A_791 = vector.broadcast %parallel_loop3A_790 : i32 to vector<16xi32>
        %parallel_loop3A_792 = arith.andi %parallel_loop3A_789, %parallel_loop3A_791 : vector<16xi32>
        %parallel_loop3A_793 = arith.constant 32767 : i32
        %parallel_loop3A_794 = vector.broadcast %parallel_loop3A_793 : i32 to vector<16xi32>
        %parallel_loop3A_795 = arith.addi %parallel_loop3A_773, %parallel_loop3A_794 : vector<16xi32>
        %parallel_loop3A_796 = arith.addi %parallel_loop3A_795, %parallel_loop3A_792 : vector<16xi32>
        %parallel_loop3A_797 = arith.constant 16 : i32
        %parallel_loop3A_798 = vector.broadcast %parallel_loop3A_797 : i32 to vector<16xi32>
        %parallel_loop3A_799 = arith.shrui %parallel_loop3A_796, %parallel_loop3A_798 : vector<16xi32>
        %parallel_loop3A_800 = arith.constant 16 : i32
        %parallel_loop3A_801 = vector.broadcast %parallel_loop3A_800 : i32 to vector<16xi32>
        %parallel_loop3A_802 = arith.shli %parallel_loop3A_799, %parallel_loop3A_801 : vector<16xi32>
        %parallel_loop3A_803 = arith.ori %parallel_loop3A_786, %parallel_loop3A_802 : vector<16xi32>
        %parallel_loop3A_804 = vector.bitcast %parallel_loop3A_803 : vector<16xi32> to vector<32xbf16>
        %parallel_loop3A_805 = arith.constant 0 : i32
        %parallel_loop3A_806 = arith.constant 0 : i32
        %parallel_loop3A_807 = tpu.memref_slice %arg7[%parallel_loop3A_445, %parallel_loop3A_805, %parallel_loop3A_806] : memref<8x50x32xbf16, #tpu.memory_space<vmem>> -> memref<1x50x32xbf16, #tpu.memory_space<vmem>>
        %parallel_loop3A_808 = tpu.memref_squeeze %parallel_loop3A_807 : memref<1x50x32xbf16, #tpu.memory_space<vmem>> -> memref<50x32xbf16, #tpu.memory_space<vmem>>
        %parallel_loop3A_809 = arith.constant 0 : i32
        %parallel_loop3A_810 = tpu.memref_slice %parallel_loop3A_808[%parallel_loop3A_755, %parallel_loop3A_809] : memref<50x32xbf16, #tpu.memory_space<vmem>> -> memref<1x32xbf16, #tpu.memory_space<vmem>>
        %parallel_loop3A_811 = tpu.memref_squeeze %parallel_loop3A_810 : memref<1x32xbf16, #tpu.memory_space<vmem>> -> memref<32xbf16, #tpu.memory_space<vmem>>
        %parallel_loop3A_812 = arith.constant 0 : index
        %parallel_loop3A_813 = tpu.vector_load %parallel_loop3A_811[%parallel_loop3A_812] {strides = array<i32>} : memref<32xbf16, #tpu.memory_space<vmem>>, vector<32xbf16>,
        tpu.vector_store %parallel_loop3A_811[%parallel_loop3A_812], %parallel_loop3A_804 {strides = array<i32>} : memref<32xbf16, #tpu.memory_space<vmem>>, vector<32xbf16>,
      } {sc.loop_unroll_factor = 2 : i64, sc.parallel_access}
      %add3A_446 = arith.addi %mul3A_2, %add3A_421 : i32
      %dma_start3A_447 = arith.constant 2 : i32
      %dma_start3A_448 = arith.constant 2 : i32
      %dma_start3A_449 = arith.constant 0 : i32
      %dma_start3A_450 = arith.constant 0 : i32
      %dma_start3A_451 = tpu.memref_slice %arg7[%dma_start3A_447, %dma_start3A_449, %dma_start3A_450] : memref<8x50x32xbf16, #tpu.memory_space<vmem>> -> memref<1x50x32xbf16, #tpu.memory_space<vmem>>
      %dma_start3A_452 = tpu.memref_squeeze %dma_start3A_451 : memref<1x50x32xbf16, #tpu.memory_space<vmem>> -> memref<50x32xbf16, #tpu.memory_space<vmem>>
      %dma_start3A_453 = arith.constant 0 : i32
      %dma_start3A_454 = arith.constant 0 : i32
      %dma_start3A_455 = tpu.memref_slice %arg4[%add3A_446, %dma_start3A_453, %dma_start3A_454] : memref<16384x50x32xbf16, #tpu.memory_space<hbm>> -> memref<1x50x32xbf16, #tpu.memory_space<hbm>>
      %dma_start3A_456 = tpu.memref_squeeze %dma_start3A_455 : memref<1x50x32xbf16, #tpu.memory_space<hbm>> -> memref<50x32xbf16, #tpu.memory_space<hbm>>
      %dma_start3A_457 = tpu.memref_slice %arg9[%dma_start3A_448] : memref<8x!tpu.dma_semaphore, #tpu.memory_space<semaphore_mem>> -> memref<1x!tpu.dma_semaphore, #tpu.memory_space<semaphore_mem>>
      %dma_start3A_458 = tpu.memref_squeeze %dma_start3A_457 : memref<1x!tpu.dma_semaphore, #tpu.memory_space<semaphore_mem>> -> memref<!tpu.dma_semaphore, #tpu.memory_space<semaphore_mem>>
      %dma_start3A_459 = arith.constant 0 : i32
      %dma_start3A_460 = arith.constant 0 : i32
      %dma_start3A_461 = tpu.memref_slice %arg4[%add3A_446, %dma_start3A_459, %dma_start3A_460] : memref<16384x50x32xbf16, #tpu.memory_space<hbm>> -> memref<1x50x32xbf16, #tpu.memory_space<hbm>>
      %dma_start3A_462 = tpu.memref_squeeze %dma_start3A_461 : memref<1x50x32xbf16, #tpu.memory_space<hbm>> -> memref<50x32xbf16, #tpu.memory_space<hbm>>
      %dma_start3A_463 = arith.constant 0 : i32
      %dma_start3A_464 = arith.constant 0 : i32
      %dma_start3A_465 = tpu.memref_slice %arg7[%dma_start3A_447, %dma_start3A_463, %dma_start3A_464] : memref<8x50x32xbf16, #tpu.memory_space<vmem>> -> memref<1x50x32xbf16, #tpu.memory_space<vmem>>
      %dma_start3A_466 = tpu.memref_squeeze %dma_start3A_465 : memref<1x50x32xbf16, #tpu.memory_space<vmem>> -> memref<50x32xbf16, #tpu.memory_space<vmem>>
      tpu.enqueue_dma source(%dma_start3A_466 : memref<50x32xbf16, #tpu.memory_space<vmem>>) target(%dma_start3A_462 : memref<50x32xbf16, #tpu.memory_space<hbm>>) target_semaphore(%dma_start3A_458 : memref<!tpu.dma_semaphore, #tpu.memory_space<semaphore_mem>>)
      %add3A_467 = arith.constant 8 : i32
      %add3A_468 = arith.addi %add3A_421, %add3A_467 : i32
      %lt3A_469 = arith.constant 512 : i32
      %lt3A_470 = arith.cmpi slt, %add3A_468, %lt3A_469 : i32
      %convert_element_type3A_471 = arith.extui %lt3A_470 : i1 to i32
      %cond3A_472 = arith.constant 0 : i32
      %cond3A_473 = arith.cmpi ne, %convert_element_type3A_471, %cond3A_472 : i32
      scf.if %cond3A_473 {
        %add3A_755 = arith.constant 8 : i32
        %add3A_756 = arith.addi %add3A_421, %add3A_755 : i32
        %dma_start3A_757 = arith.constant 2 : i32
        %dma_start3A_758 = arith.constant 2 : i32
        %dma_start3A_759 = arith.constant 0 : i32
        %dma_start3A_760 = arith.constant 0 : i32
        %dma_start3A_761 = tpu.memref_slice %arg6[%dma_start3A_757, %dma_start3A_759, %dma_start3A_760] : memref<8x50x32xf32, #tpu.memory_space<vmem>> -> memref<1x50x32xf32, #tpu.memory_space<vmem>>
        %dma_start3A_762 = tpu.memref_squeeze %dma_start3A_761 : memref<1x50x32xf32, #tpu.memory_space<vmem>> -> memref<50x32xf32, #tpu.memory_space<vmem>>
        %dma_start3A_763 = arith.constant 0 : i32
        %dma_start3A_764 = tpu.memref_slice %arg5[%add3A_756, %dma_start3A_763] : memref<512x50xi32, #tpu.memory_space<vmem>> -> memref<1x50xi32, #tpu.memory_space<vmem>>
        %dma_start3A_765 = tpu.memref_squeeze %dma_start3A_764 : memref<1x50xi32, #tpu.memory_space<vmem>> -> memref<50xi32, #tpu.memory_space<vmem>>
        %dma_start3A_766 = arith.constant 0 : i32
        %dma_start3A_767 = arith.constant 0 : i32
        %dma_start3A_768 = tpu.memref_slice %arg2[%dma_start3A_766, %dma_start3A_767] : memref<1000000x32xf32, #tpu.memory_space<hbm>> -> memref<1000000x32xf32, #tpu.memory_space<hbm>>
        %dma_start3A_769 = tpu.memref_slice %arg8[%dma_start3A_758] : memref<8x!tpu.dma_semaphore, #tpu.memory_space<semaphore_mem>> -> memref<1x!tpu.dma_semaphore, #tpu.memory_space<semaphore_mem>>
        %dma_start3A_770 = tpu.memref_squeeze %dma_start3A_769 : memref<1x!tpu.dma_semaphore, #tpu.memory_space<semaphore_mem>> -> memref<!tpu.dma_semaphore, #tpu.memory_space<semaphore_mem>>
        tpu.enqueue_indirect_dma source(%dma_start3A_768 : memref<1000000x32xf32, #tpu.memory_space<hbm>>) target(%dma_start3A_762 : memref<50x32xf32, #tpu.memory_space<vmem>>) offsets(%dma_start3A_765 : memref<50xi32, #tpu.memory_space<vmem>>) semaphore(%dma_start3A_770 : memref<!tpu.dma_semaphore, #tpu.memory_space<semaphore_mem>>)
      } else {
      }
      %mul3A_474 = arith.constant 8 : i32
      %mul3A_475 = arith.muli %scan3A_309, %mul3A_474 : i32
      %add3A_476 = arith.constant 3 : i32
      %add3A_477 = arith.addi %mul3A_475, %add3A_476 : i32
      %dma_wait3A_478 = arith.constant 3 : i32
      %dma_wait3A_479 = arith.constant 3 : i32
      %dma_wait3A_480 = arith.constant 0 : i32
      %dma_wait3A_481 = arith.constant 0 : i32
      %dma_wait3A_482 = tpu.memref_slice %arg6[%dma_wait3A_478, %dma_wait3A_480, %dma_wait3A_481] : memref<8x50x32xf32, #tpu.memory_space<vmem>> -> memref<1x50x32xf32, #tpu.memory_space<vmem>>
      %dma_wait3A_483 = tpu.memref_squeeze %dma_wait3A_482 : memref<1x50x32xf32, #tpu.memory_space<vmem>> -> memref<50x32xf32, #tpu.memory_space<vmem>>
      %dma_wait3A_484 = arith.constant 0 : i32
      %dma_wait3A_485 = tpu.memref_slice %arg5[%add3A_477, %dma_wait3A_484] : memref<512x50xi32, #tpu.memory_space<vmem>> -> memref<1x50xi32, #tpu.memory_space<vmem>>
      %dma_wait3A_486 = tpu.memref_squeeze %dma_wait3A_485 : memref<1x50xi32, #tpu.memory_space<vmem>> -> memref<50xi32, #tpu.memory_space<vmem>>
      %dma_wait3A_487 = arith.constant 0 : i32
      %dma_wait3A_488 = arith.constant 0 : i32
      %dma_wait3A_489 = tpu.memref_slice %arg2[%dma_wait3A_487, %dma_wait3A_488] : memref<1000000x32xf32, #tpu.memory_space<hbm>> -> memref<1000000x32xf32, #tpu.memory_space<hbm>>
      %dma_wait3A_490 = tpu.memref_slice %arg8[%dma_wait3A_479] : memref<8x!tpu.dma_semaphore, #tpu.memory_space<semaphore_mem>> -> memref<1x!tpu.dma_semaphore, #tpu.memory_space<semaphore_mem>>
      %dma_wait3A_491 = tpu.memref_squeeze %dma_wait3A_490 : memref<1x!tpu.dma_semaphore, #tpu.memory_space<semaphore_mem>> -> memref<!tpu.dma_semaphore, #tpu.memory_space<semaphore_mem>>
      tpu.wait_indirect_dma semaphore(%dma_wait3A_491 : memref<!tpu.dma_semaphore, #tpu.memory_space<semaphore_mem>>) src(%dma_wait3A_489 : memref<1000000x32xf32, #tpu.memory_space<hbm>>) dst(%dma_wait3A_483 : memref<50x32xf32, #tpu.memory_space<vmem>>)
      %ge3A_492 = arith.constant 8 : i32
      %ge3A_493 = arith.cmpi sge, %add3A_477, %ge3A_492 : i32
      %convert_element_type3A_494 = arith.extui %ge3A_493 : i1 to i32
      %cond3A_495 = arith.constant 0 : i32
      %cond3A_496 = arith.cmpi ne, %convert_element_type3A_494, %cond3A_495 : i32
      scf.if %cond3A_496 {
        %sub3A = arith.constant 8 : i32
        %sub3A_755 = arith.subi %add3A_477, %sub3A : i32
        %add3A_756 = arith.addi %mul3A_2, %sub3A_755 : i32
        %dma_wait3A_757 = arith.constant 3 : i32
        %dma_wait3A_758 = arith.constant 3 : i32
        %dma_wait3A_759 = arith.constant 0 : i32
        %dma_wait3A_760 = arith.constant 0 : i32
        %dma_wait3A_761 = tpu.memref_slice %arg7[%dma_wait3A_757, %dma_wait3A_759, %dma_wait3A_760] : memref<8x50x32xbf16, #tpu.memory_space<vmem>> -> memref<1x50x32xbf16, #tpu.memory_space<vmem>>
        %dma_wait3A_762 = tpu.memref_squeeze %dma_wait3A_761 : memref<1x50x32xbf16, #tpu.memory_space<vmem>> -> memref<50x32xbf16, #tpu.memory_space<vmem>>
        %dma_wait3A_763 = arith.constant 0 : i32
        %dma_wait3A_764 = arith.constant 0 : i32
        %dma_wait3A_765 = tpu.memref_slice %arg4[%add3A_756, %dma_wait3A_763, %dma_wait3A_764] : memref<16384x50x32xbf16, #tpu.memory_space<hbm>> -> memref<1x50x32xbf16, #tpu.memory_space<hbm>>
        %dma_wait3A_766 = tpu.memref_squeeze %dma_wait3A_765 : memref<1x50x32xbf16, #tpu.memory_space<hbm>> -> memref<50x32xbf16, #tpu.memory_space<hbm>>
        %dma_wait3A_767 = tpu.memref_slice %arg9[%dma_wait3A_758] : memref<8x!tpu.dma_semaphore, #tpu.memory_space<semaphore_mem>> -> memref<1x!tpu.dma_semaphore, #tpu.memory_space<semaphore_mem>>
        %dma_wait3A_768 = tpu.memref_squeeze %dma_wait3A_767 : memref<1x!tpu.dma_semaphore, #tpu.memory_space<semaphore_mem>> -> memref<!tpu.dma_semaphore, #tpu.memory_space<semaphore_mem>>
        %dma_wait3A_769 = arith.constant 0 : i32
        %dma_wait3A_770 = arith.constant 0 : i32
        %dma_wait3A_771 = tpu.memref_slice %arg4[%add3A_756, %dma_wait3A_769, %dma_wait3A_770] : memref<16384x50x32xbf16, #tpu.memory_space<hbm>> -> memref<1x50x32xbf16, #tpu.memory_space<hbm>>
        %dma_wait3A_772 = tpu.memref_squeeze %dma_wait3A_771 : memref<1x50x32xbf16, #tpu.memory_space<hbm>> -> memref<50x32xbf16, #tpu.memory_space<hbm>>
        %dma_wait3A_773 = arith.constant 0 : i32
        %dma_wait3A_774 = arith.constant 0 : i32
        %dma_wait3A_775 = tpu.memref_slice %arg7[%dma_wait3A_757, %dma_wait3A_773, %dma_wait3A_774] : memref<8x50x32xbf16, #tpu.memory_space<vmem>> -> memref<1x50x32xbf16, #tpu.memory_space<vmem>>
        %dma_wait3A_776 = tpu.memref_squeeze %dma_wait3A_775 : memref<1x50x32xbf16, #tpu.memory_space<vmem>> -> memref<50x32xbf16, #tpu.memory_space<vmem>>
        tpu.wait_dma2 semaphore(%dma_wait3A_768 : memref<!tpu.dma_semaphore, #tpu.memory_space<semaphore_mem>>) src(%dma_wait3A_776 : memref<50x32xbf16, #tpu.memory_space<vmem>>) dst(%dma_wait3A_772 : memref<50x32xbf16, #tpu.memory_space<hbm>>)
      } else {
      }
      %parallel_loop3A_497 = arith.constant 0 : i32
      %parallel_loop3A_498 = arith.constant 50 : i32
      %parallel_loop3A_499 = arith.constant 1 : i32
      %parallel_loop3A_500 = arith.constant 3 : i32
      %parallel_loop3A_501 = arith.constant 3 : i32
      scf.for %parallel_loop3A_755 = %parallel_loop3A_497 to %parallel_loop3A_498 step %parallel_loop3A_499  : i32 {
        %parallel_loop3A_756 = arith.constant 0 : i32
        %parallel_loop3A_757 = arith.constant 0 : i32
        %parallel_loop3A_758 = tpu.memref_slice %arg6[%parallel_loop3A_500, %parallel_loop3A_756, %parallel_loop3A_757] : memref<8x50x32xf32, #tpu.memory_space<vmem>> -> memref<1x50x32xf32, #tpu.memory_space<vmem>>
        %parallel_loop3A_759 = tpu.memref_squeeze %parallel_loop3A_758 : memref<1x50x32xf32, #tpu.memory_space<vmem>> -> memref<50x32xf32, #tpu.memory_space<vmem>>
        %parallel_loop3A_760 = arith.constant 0 : i32
        %parallel_loop3A_761 = tpu.memref_slice %parallel_loop3A_759[%parallel_loop3A_755, %parallel_loop3A_760] : memref<50x32xf32, #tpu.memory_space<vmem>> -> memref<1x32xf32, #tpu.memory_space<vmem>>
        %parallel_loop3A_762 = tpu.memref_squeeze %parallel_loop3A_761 : memref<1x32xf32, #tpu.memory_space<vmem>> -> memref<32xf32, #tpu.memory_space<vmem>>
        %parallel_loop3A_763 = tpu.vector_load_idx %parallel_loop3A_762[%mul3A_5] : memref<32xf32, #tpu.memory_space<vmem>>[vector<16xi32>], vector<16xf32>,
        %parallel_loop3A_764 = vector.bitcast %parallel_loop3A_763 : vector<16xf32> to vector<16xi32>
        %parallel_loop3A_765 = arith.constant 0 : i32
        %parallel_loop3A_766 = arith.constant 0 : i32
        %parallel_loop3A_767 = tpu.memref_slice %arg6[%parallel_loop3A_500, %parallel_loop3A_765, %parallel_loop3A_766] : memref<8x50x32xf32, #tpu.memory_space<vmem>> -> memref<1x50x32xf32, #tpu.memory_space<vmem>>
        %parallel_loop3A_768 = tpu.memref_squeeze %parallel_loop3A_767 : memref<1x50x32xf32, #tpu.memory_space<vmem>> -> memref<50x32xf32, #tpu.memory_space<vmem>>
        %parallel_loop3A_769 = arith.constant 0 : i32
        %parallel_loop3A_770 = tpu.memref_slice %parallel_loop3A_768[%parallel_loop3A_755, %parallel_loop3A_769] : memref<50x32xf32, #tpu.memory_space<vmem>> -> memref<1x32xf32, #tpu.memory_space<vmem>>
        %parallel_loop3A_771 = tpu.memref_squeeze %parallel_loop3A_770 : memref<1x32xf32, #tpu.memory_space<vmem>> -> memref<32xf32, #tpu.memory_space<vmem>>
        %parallel_loop3A_772 = tpu.vector_load_idx %parallel_loop3A_771[%add3A_8] : memref<32xf32, #tpu.memory_space<vmem>>[vector<16xi32>], vector<16xf32>,
        %parallel_loop3A_773 = vector.bitcast %parallel_loop3A_772 : vector<16xf32> to vector<16xi32>
        %parallel_loop3A_774 = arith.constant 16 : i32
        %parallel_loop3A_775 = vector.broadcast %parallel_loop3A_774 : i32 to vector<16xi32>
        %parallel_loop3A_776 = arith.shrui %parallel_loop3A_764, %parallel_loop3A_775 : vector<16xi32>
        %parallel_loop3A_777 = arith.constant 1 : i32
        %parallel_loop3A_778 = vector.broadcast %parallel_loop3A_777 : i32 to vector<16xi32>
        %parallel_loop3A_779 = arith.andi %parallel_loop3A_776, %parallel_loop3A_778 : vector<16xi32>
        %parallel_loop3A_780 = arith.constant 32767 : i32
        %parallel_loop3A_781 = vector.broadcast %parallel_loop3A_780 : i32 to vector<16xi32>
        %parallel_loop3A_782 = arith.addi %parallel_loop3A_764, %parallel_loop3A_781 : vector<16xi32>
        %parallel_loop3A_783 = arith.addi %parallel_loop3A_782, %parallel_loop3A_779 : vector<16xi32>
        %parallel_loop3A_784 = arith.constant 16 : i32
        %parallel_loop3A_785 = vector.broadcast %parallel_loop3A_784 : i32 to vector<16xi32>
        %parallel_loop3A_786 = arith.shrui %parallel_loop3A_783, %parallel_loop3A_785 : vector<16xi32>
        %parallel_loop3A_787 = arith.constant 16 : i32
        %parallel_loop3A_788 = vector.broadcast %parallel_loop3A_787 : i32 to vector<16xi32>
        %parallel_loop3A_789 = arith.shrui %parallel_loop3A_773, %parallel_loop3A_788 : vector<16xi32>
        %parallel_loop3A_790 = arith.constant 1 : i32
        %parallel_loop3A_791 = vector.broadcast %parallel_loop3A_790 : i32 to vector<16xi32>
        %parallel_loop3A_792 = arith.andi %parallel_loop3A_789, %parallel_loop3A_791 : vector<16xi32>
        %parallel_loop3A_793 = arith.constant 32767 : i32
        %parallel_loop3A_794 = vector.broadcast %parallel_loop3A_793 : i32 to vector<16xi32>
        %parallel_loop3A_795 = arith.addi %parallel_loop3A_773, %parallel_loop3A_794 : vector<16xi32>
        %parallel_loop3A_796 = arith.addi %parallel_loop3A_795, %parallel_loop3A_792 : vector<16xi32>
        %parallel_loop3A_797 = arith.constant 16 : i32
        %parallel_loop3A_798 = vector.broadcast %parallel_loop3A_797 : i32 to vector<16xi32>
        %parallel_loop3A_799 = arith.shrui %parallel_loop3A_796, %parallel_loop3A_798 : vector<16xi32>
        %parallel_loop3A_800 = arith.constant 16 : i32
        %parallel_loop3A_801 = vector.broadcast %parallel_loop3A_800 : i32 to vector<16xi32>
        %parallel_loop3A_802 = arith.shli %parallel_loop3A_799, %parallel_loop3A_801 : vector<16xi32>
        %parallel_loop3A_803 = arith.ori %parallel_loop3A_786, %parallel_loop3A_802 : vector<16xi32>
        %parallel_loop3A_804 = vector.bitcast %parallel_loop3A_803 : vector<16xi32> to vector<32xbf16>
        %parallel_loop3A_805 = arith.constant 0 : i32
        %parallel_loop3A_806 = arith.constant 0 : i32
        %parallel_loop3A_807 = tpu.memref_slice %arg7[%parallel_loop3A_501, %parallel_loop3A_805, %parallel_loop3A_806] : memref<8x50x32xbf16, #tpu.memory_space<vmem>> -> memref<1x50x32xbf16, #tpu.memory_space<vmem>>
        %parallel_loop3A_808 = tpu.memref_squeeze %parallel_loop3A_807 : memref<1x50x32xbf16, #tpu.memory_space<vmem>> -> memref<50x32xbf16, #tpu.memory_space<vmem>>
        %parallel_loop3A_809 = arith.constant 0 : i32
        %parallel_loop3A_810 = tpu.memref_slice %parallel_loop3A_808[%parallel_loop3A_755, %parallel_loop3A_809] : memref<50x32xbf16, #tpu.memory_space<vmem>> -> memref<1x32xbf16, #tpu.memory_space<vmem>>
        %parallel_loop3A_811 = tpu.memref_squeeze %parallel_loop3A_810 : memref<1x32xbf16, #tpu.memory_space<vmem>> -> memref<32xbf16, #tpu.memory_space<vmem>>
        %parallel_loop3A_812 = arith.constant 0 : index
        %parallel_loop3A_813 = tpu.vector_load %parallel_loop3A_811[%parallel_loop3A_812] {strides = array<i32>} : memref<32xbf16, #tpu.memory_space<vmem>>, vector<32xbf16>,
        tpu.vector_store %parallel_loop3A_811[%parallel_loop3A_812], %parallel_loop3A_804 {strides = array<i32>} : memref<32xbf16, #tpu.memory_space<vmem>>, vector<32xbf16>,
      } {sc.loop_unroll_factor = 2 : i64, sc.parallel_access}
      %add3A_502 = arith.addi %mul3A_2, %add3A_477 : i32
      %dma_start3A_503 = arith.constant 3 : i32
      %dma_start3A_504 = arith.constant 3 : i32
      %dma_start3A_505 = arith.constant 0 : i32
      %dma_start3A_506 = arith.constant 0 : i32
      %dma_start3A_507 = tpu.memref_slice %arg7[%dma_start3A_503, %dma_start3A_505, %dma_start3A_506] : memref<8x50x32xbf16, #tpu.memory_space<vmem>> -> memref<1x50x32xbf16, #tpu.memory_space<vmem>>
      %dma_start3A_508 = tpu.memref_squeeze %dma_start3A_507 : memref<1x50x32xbf16, #tpu.memory_space<vmem>> -> memref<50x32xbf16, #tpu.memory_space<vmem>>
      %dma_start3A_509 = arith.constant 0 : i32
      %dma_start3A_510 = arith.constant 0 : i32
      %dma_start3A_511 = tpu.memref_slice %arg4[%add3A_502, %dma_start3A_509, %dma_start3A_510] : memref<16384x50x32xbf16, #tpu.memory_space<hbm>> -> memref<1x50x32xbf16, #tpu.memory_space<hbm>>
      %dma_start3A_512 = tpu.memref_squeeze %dma_start3A_511 : memref<1x50x32xbf16, #tpu.memory_space<hbm>> -> memref<50x32xbf16, #tpu.memory_space<hbm>>
      %dma_start3A_513 = tpu.memref_slice %arg9[%dma_start3A_504] : memref<8x!tpu.dma_semaphore, #tpu.memory_space<semaphore_mem>> -> memref<1x!tpu.dma_semaphore, #tpu.memory_space<semaphore_mem>>
      %dma_start3A_514 = tpu.memref_squeeze %dma_start3A_513 : memref<1x!tpu.dma_semaphore, #tpu.memory_space<semaphore_mem>> -> memref<!tpu.dma_semaphore, #tpu.memory_space<semaphore_mem>>
      %dma_start3A_515 = arith.constant 0 : i32
      %dma_start3A_516 = arith.constant 0 : i32
      %dma_start3A_517 = tpu.memref_slice %arg4[%add3A_502, %dma_start3A_515, %dma_start3A_516] : memref<16384x50x32xbf16, #tpu.memory_space<hbm>> -> memref<1x50x32xbf16, #tpu.memory_space<hbm>>
      %dma_start3A_518 = tpu.memref_squeeze %dma_start3A_517 : memref<1x50x32xbf16, #tpu.memory_space<hbm>> -> memref<50x32xbf16, #tpu.memory_space<hbm>>
      %dma_start3A_519 = arith.constant 0 : i32
      %dma_start3A_520 = arith.constant 0 : i32
      %dma_start3A_521 = tpu.memref_slice %arg7[%dma_start3A_503, %dma_start3A_519, %dma_start3A_520] : memref<8x50x32xbf16, #tpu.memory_space<vmem>> -> memref<1x50x32xbf16, #tpu.memory_space<vmem>>
      %dma_start3A_522 = tpu.memref_squeeze %dma_start3A_521 : memref<1x50x32xbf16, #tpu.memory_space<vmem>> -> memref<50x32xbf16, #tpu.memory_space<vmem>>
      tpu.enqueue_dma source(%dma_start3A_522 : memref<50x32xbf16, #tpu.memory_space<vmem>>) target(%dma_start3A_518 : memref<50x32xbf16, #tpu.memory_space<hbm>>) target_semaphore(%dma_start3A_514 : memref<!tpu.dma_semaphore, #tpu.memory_space<semaphore_mem>>)
      %add3A_523 = arith.constant 8 : i32
      %add3A_524 = arith.addi %add3A_477, %add3A_523 : i32
      %lt3A_525 = arith.constant 512 : i32
      %lt3A_526 = arith.cmpi slt, %add3A_524, %lt3A_525 : i32
      %convert_element_type3A_527 = arith.extui %lt3A_526 : i1 to i32
      %cond3A_528 = arith.constant 0 : i32
      %cond3A_529 = arith.cmpi ne, %convert_element_type3A_527, %cond3A_528 : i32
      scf.if %cond3A_529 {
        %add3A_755 = arith.constant 8 : i32
        %add3A_756 = arith.addi %add3A_477, %add3A_755 : i32
        %dma_start3A_757 = arith.constant 3 : i32
        %dma_start3A_758 = arith.constant 3 : i32
        %dma_start3A_759 = arith.constant 0 : i32
        %dma_start3A_760 = arith.constant 0 : i32
        %dma_start3A_761 = tpu.memref_slice %arg6[%dma_start3A_757, %dma_start3A_759, %dma_start3A_760] : memref<8x50x32xf32, #tpu.memory_space<vmem>> -> memref<1x50x32xf32, #tpu.memory_space<vmem>>
        %dma_start3A_762 = tpu.memref_squeeze %dma_start3A_761 : memref<1x50x32xf32, #tpu.memory_space<vmem>> -> memref<50x32xf32, #tpu.memory_space<vmem>>
        %dma_start3A_763 = arith.constant 0 : i32
        %dma_start3A_764 = tpu.memref_slice %arg5[%add3A_756, %dma_start3A_763] : memref<512x50xi32, #tpu.memory_space<vmem>> -> memref<1x50xi32, #tpu.memory_space<vmem>>
        %dma_start3A_765 = tpu.memref_squeeze %dma_start3A_764 : memref<1x50xi32, #tpu.memory_space<vmem>> -> memref<50xi32, #tpu.memory_space<vmem>>
        %dma_start3A_766 = arith.constant 0 : i32
        %dma_start3A_767 = arith.constant 0 : i32
        %dma_start3A_768 = tpu.memref_slice %arg2[%dma_start3A_766, %dma_start3A_767] : memref<1000000x32xf32, #tpu.memory_space<hbm>> -> memref<1000000x32xf32, #tpu.memory_space<hbm>>
        %dma_start3A_769 = tpu.memref_slice %arg8[%dma_start3A_758] : memref<8x!tpu.dma_semaphore, #tpu.memory_space<semaphore_mem>> -> memref<1x!tpu.dma_semaphore, #tpu.memory_space<semaphore_mem>>
        %dma_start3A_770 = tpu.memref_squeeze %dma_start3A_769 : memref<1x!tpu.dma_semaphore, #tpu.memory_space<semaphore_mem>> -> memref<!tpu.dma_semaphore, #tpu.memory_space<semaphore_mem>>
        tpu.enqueue_indirect_dma source(%dma_start3A_768 : memref<1000000x32xf32, #tpu.memory_space<hbm>>) target(%dma_start3A_762 : memref<50x32xf32, #tpu.memory_space<vmem>>) offsets(%dma_start3A_765 : memref<50xi32, #tpu.memory_space<vmem>>) semaphore(%dma_start3A_770 : memref<!tpu.dma_semaphore, #tpu.memory_space<semaphore_mem>>)
      } else {
      }
      %mul3A_530 = arith.constant 8 : i32
      %mul3A_531 = arith.muli %scan3A_309, %mul3A_530 : i32
      %add3A_532 = arith.constant 4 : i32
      %add3A_533 = arith.addi %mul3A_531, %add3A_532 : i32
      %dma_wait3A_534 = arith.constant 4 : i32
      %dma_wait3A_535 = arith.constant 4 : i32
      %dma_wait3A_536 = arith.constant 0 : i32
      %dma_wait3A_537 = arith.constant 0 : i32
      %dma_wait3A_538 = tpu.memref_slice %arg6[%dma_wait3A_534, %dma_wait3A_536, %dma_wait3A_537] : memref<8x50x32xf32, #tpu.memory_space<vmem>> -> memref<1x50x32xf32, #tpu.memory_space<vmem>>
      %dma_wait3A_539 = tpu.memref_squeeze %dma_wait3A_538 : memref<1x50x32xf32, #tpu.memory_space<vmem>> -> memref<50x32xf32, #tpu.memory_space<vmem>>
      %dma_wait3A_540 = arith.constant 0 : i32
      %dma_wait3A_541 = tpu.memref_slice %arg5[%add3A_533, %dma_wait3A_540] : memref<512x50xi32, #tpu.memory_space<vmem>> -> memref<1x50xi32, #tpu.memory_space<vmem>>
      %dma_wait3A_542 = tpu.memref_squeeze %dma_wait3A_541 : memref<1x50xi32, #tpu.memory_space<vmem>> -> memref<50xi32, #tpu.memory_space<vmem>>
      %dma_wait3A_543 = arith.constant 0 : i32
      %dma_wait3A_544 = arith.constant 0 : i32
      %dma_wait3A_545 = tpu.memref_slice %arg2[%dma_wait3A_543, %dma_wait3A_544] : memref<1000000x32xf32, #tpu.memory_space<hbm>> -> memref<1000000x32xf32, #tpu.memory_space<hbm>>
      %dma_wait3A_546 = tpu.memref_slice %arg8[%dma_wait3A_535] : memref<8x!tpu.dma_semaphore, #tpu.memory_space<semaphore_mem>> -> memref<1x!tpu.dma_semaphore, #tpu.memory_space<semaphore_mem>>
      %dma_wait3A_547 = tpu.memref_squeeze %dma_wait3A_546 : memref<1x!tpu.dma_semaphore, #tpu.memory_space<semaphore_mem>> -> memref<!tpu.dma_semaphore, #tpu.memory_space<semaphore_mem>>
      tpu.wait_indirect_dma semaphore(%dma_wait3A_547 : memref<!tpu.dma_semaphore, #tpu.memory_space<semaphore_mem>>) src(%dma_wait3A_545 : memref<1000000x32xf32, #tpu.memory_space<hbm>>) dst(%dma_wait3A_539 : memref<50x32xf32, #tpu.memory_space<vmem>>)
      %ge3A_548 = arith.constant 8 : i32
      %ge3A_549 = arith.cmpi sge, %add3A_533, %ge3A_548 : i32
      %convert_element_type3A_550 = arith.extui %ge3A_549 : i1 to i32
      %cond3A_551 = arith.constant 0 : i32
      %cond3A_552 = arith.cmpi ne, %convert_element_type3A_550, %cond3A_551 : i32
      scf.if %cond3A_552 {
        %sub3A = arith.constant 8 : i32
        %sub3A_755 = arith.subi %add3A_533, %sub3A : i32
        %add3A_756 = arith.addi %mul3A_2, %sub3A_755 : i32
        %dma_wait3A_757 = arith.constant 4 : i32
        %dma_wait3A_758 = arith.constant 4 : i32
        %dma_wait3A_759 = arith.constant 0 : i32
        %dma_wait3A_760 = arith.constant 0 : i32
        %dma_wait3A_761 = tpu.memref_slice %arg7[%dma_wait3A_757, %dma_wait3A_759, %dma_wait3A_760] : memref<8x50x32xbf16, #tpu.memory_space<vmem>> -> memref<1x50x32xbf16, #tpu.memory_space<vmem>>
        %dma_wait3A_762 = tpu.memref_squeeze %dma_wait3A_761 : memref<1x50x32xbf16, #tpu.memory_space<vmem>> -> memref<50x32xbf16, #tpu.memory_space<vmem>>
        %dma_wait3A_763 = arith.constant 0 : i32
        %dma_wait3A_764 = arith.constant 0 : i32
        %dma_wait3A_765 = tpu.memref_slice %arg4[%add3A_756, %dma_wait3A_763, %dma_wait3A_764] : memref<16384x50x32xbf16, #tpu.memory_space<hbm>> -> memref<1x50x32xbf16, #tpu.memory_space<hbm>>
        %dma_wait3A_766 = tpu.memref_squeeze %dma_wait3A_765 : memref<1x50x32xbf16, #tpu.memory_space<hbm>> -> memref<50x32xbf16, #tpu.memory_space<hbm>>
        %dma_wait3A_767 = tpu.memref_slice %arg9[%dma_wait3A_758] : memref<8x!tpu.dma_semaphore, #tpu.memory_space<semaphore_mem>> -> memref<1x!tpu.dma_semaphore, #tpu.memory_space<semaphore_mem>>
        %dma_wait3A_768 = tpu.memref_squeeze %dma_wait3A_767 : memref<1x!tpu.dma_semaphore, #tpu.memory_space<semaphore_mem>> -> memref<!tpu.dma_semaphore, #tpu.memory_space<semaphore_mem>>
        %dma_wait3A_769 = arith.constant 0 : i32
        %dma_wait3A_770 = arith.constant 0 : i32
        %dma_wait3A_771 = tpu.memref_slice %arg4[%add3A_756, %dma_wait3A_769, %dma_wait3A_770] : memref<16384x50x32xbf16, #tpu.memory_space<hbm>> -> memref<1x50x32xbf16, #tpu.memory_space<hbm>>
        %dma_wait3A_772 = tpu.memref_squeeze %dma_wait3A_771 : memref<1x50x32xbf16, #tpu.memory_space<hbm>> -> memref<50x32xbf16, #tpu.memory_space<hbm>>
        %dma_wait3A_773 = arith.constant 0 : i32
        %dma_wait3A_774 = arith.constant 0 : i32
        %dma_wait3A_775 = tpu.memref_slice %arg7[%dma_wait3A_757, %dma_wait3A_773, %dma_wait3A_774] : memref<8x50x32xbf16, #tpu.memory_space<vmem>> -> memref<1x50x32xbf16, #tpu.memory_space<vmem>>
        %dma_wait3A_776 = tpu.memref_squeeze %dma_wait3A_775 : memref<1x50x32xbf16, #tpu.memory_space<vmem>> -> memref<50x32xbf16, #tpu.memory_space<vmem>>
        tpu.wait_dma2 semaphore(%dma_wait3A_768 : memref<!tpu.dma_semaphore, #tpu.memory_space<semaphore_mem>>) src(%dma_wait3A_776 : memref<50x32xbf16, #tpu.memory_space<vmem>>) dst(%dma_wait3A_772 : memref<50x32xbf16, #tpu.memory_space<hbm>>)
      } else {
      }
      %parallel_loop3A_553 = arith.constant 0 : i32
      %parallel_loop3A_554 = arith.constant 50 : i32
      %parallel_loop3A_555 = arith.constant 1 : i32
      %parallel_loop3A_556 = arith.constant 4 : i32
      %parallel_loop3A_557 = arith.constant 4 : i32
      scf.for %parallel_loop3A_755 = %parallel_loop3A_553 to %parallel_loop3A_554 step %parallel_loop3A_555  : i32 {
        %parallel_loop3A_756 = arith.constant 0 : i32
        %parallel_loop3A_757 = arith.constant 0 : i32
        %parallel_loop3A_758 = tpu.memref_slice %arg6[%parallel_loop3A_556, %parallel_loop3A_756, %parallel_loop3A_757] : memref<8x50x32xf32, #tpu.memory_space<vmem>> -> memref<1x50x32xf32, #tpu.memory_space<vmem>>
        %parallel_loop3A_759 = tpu.memref_squeeze %parallel_loop3A_758 : memref<1x50x32xf32, #tpu.memory_space<vmem>> -> memref<50x32xf32, #tpu.memory_space<vmem>>
        %parallel_loop3A_760 = arith.constant 0 : i32
        %parallel_loop3A_761 = tpu.memref_slice %parallel_loop3A_759[%parallel_loop3A_755, %parallel_loop3A_760] : memref<50x32xf32, #tpu.memory_space<vmem>> -> memref<1x32xf32, #tpu.memory_space<vmem>>
        %parallel_loop3A_762 = tpu.memref_squeeze %parallel_loop3A_761 : memref<1x32xf32, #tpu.memory_space<vmem>> -> memref<32xf32, #tpu.memory_space<vmem>>
        %parallel_loop3A_763 = tpu.vector_load_idx %parallel_loop3A_762[%mul3A_5] : memref<32xf32, #tpu.memory_space<vmem>>[vector<16xi32>], vector<16xf32>,
        %parallel_loop3A_764 = vector.bitcast %parallel_loop3A_763 : vector<16xf32> to vector<16xi32>
        %parallel_loop3A_765 = arith.constant 0 : i32
        %parallel_loop3A_766 = arith.constant 0 : i32
        %parallel_loop3A_767 = tpu.memref_slice %arg6[%parallel_loop3A_556, %parallel_loop3A_765, %parallel_loop3A_766] : memref<8x50x32xf32, #tpu.memory_space<vmem>> -> memref<1x50x32xf32, #tpu.memory_space<vmem>>
        %parallel_loop3A_768 = tpu.memref_squeeze %parallel_loop3A_767 : memref<1x50x32xf32, #tpu.memory_space<vmem>> -> memref<50x32xf32, #tpu.memory_space<vmem>>
        %parallel_loop3A_769 = arith.constant 0 : i32
        %parallel_loop3A_770 = tpu.memref_slice %parallel_loop3A_768[%parallel_loop3A_755, %parallel_loop3A_769] : memref<50x32xf32, #tpu.memory_space<vmem>> -> memref<1x32xf32, #tpu.memory_space<vmem>>
        %parallel_loop3A_771 = tpu.memref_squeeze %parallel_loop3A_770 : memref<1x32xf32, #tpu.memory_space<vmem>> -> memref<32xf32, #tpu.memory_space<vmem>>
        %parallel_loop3A_772 = tpu.vector_load_idx %parallel_loop3A_771[%add3A_8] : memref<32xf32, #tpu.memory_space<vmem>>[vector<16xi32>], vector<16xf32>,
        %parallel_loop3A_773 = vector.bitcast %parallel_loop3A_772 : vector<16xf32> to vector<16xi32>
        %parallel_loop3A_774 = arith.constant 16 : i32
        %parallel_loop3A_775 = vector.broadcast %parallel_loop3A_774 : i32 to vector<16xi32>
        %parallel_loop3A_776 = arith.shrui %parallel_loop3A_764, %parallel_loop3A_775 : vector<16xi32>
        %parallel_loop3A_777 = arith.constant 1 : i32
        %parallel_loop3A_778 = vector.broadcast %parallel_loop3A_777 : i32 to vector<16xi32>
        %parallel_loop3A_779 = arith.andi %parallel_loop3A_776, %parallel_loop3A_778 : vector<16xi32>
        %parallel_loop3A_780 = arith.constant 32767 : i32
        %parallel_loop3A_781 = vector.broadcast %parallel_loop3A_780 : i32 to vector<16xi32>
        %parallel_loop3A_782 = arith.addi %parallel_loop3A_764, %parallel_loop3A_781 : vector<16xi32>
        %parallel_loop3A_783 = arith.addi %parallel_loop3A_782, %parallel_loop3A_779 : vector<16xi32>
        %parallel_loop3A_784 = arith.constant 16 : i32
        %parallel_loop3A_785 = vector.broadcast %parallel_loop3A_784 : i32 to vector<16xi32>
        %parallel_loop3A_786 = arith.shrui %parallel_loop3A_783, %parallel_loop3A_785 : vector<16xi32>
        %parallel_loop3A_787 = arith.constant 16 : i32
        %parallel_loop3A_788 = vector.broadcast %parallel_loop3A_787 : i32 to vector<16xi32>
        %parallel_loop3A_789 = arith.shrui %parallel_loop3A_773, %parallel_loop3A_788 : vector<16xi32>
        %parallel_loop3A_790 = arith.constant 1 : i32
        %parallel_loop3A_791 = vector.broadcast %parallel_loop3A_790 : i32 to vector<16xi32>
        %parallel_loop3A_792 = arith.andi %parallel_loop3A_789, %parallel_loop3A_791 : vector<16xi32>
        %parallel_loop3A_793 = arith.constant 32767 : i32
        %parallel_loop3A_794 = vector.broadcast %parallel_loop3A_793 : i32 to vector<16xi32>
        %parallel_loop3A_795 = arith.addi %parallel_loop3A_773, %parallel_loop3A_794 : vector<16xi32>
        %parallel_loop3A_796 = arith.addi %parallel_loop3A_795, %parallel_loop3A_792 : vector<16xi32>
        %parallel_loop3A_797 = arith.constant 16 : i32
        %parallel_loop3A_798 = vector.broadcast %parallel_loop3A_797 : i32 to vector<16xi32>
        %parallel_loop3A_799 = arith.shrui %parallel_loop3A_796, %parallel_loop3A_798 : vector<16xi32>
        %parallel_loop3A_800 = arith.constant 16 : i32
        %parallel_loop3A_801 = vector.broadcast %parallel_loop3A_800 : i32 to vector<16xi32>
        %parallel_loop3A_802 = arith.shli %parallel_loop3A_799, %parallel_loop3A_801 : vector<16xi32>
        %parallel_loop3A_803 = arith.ori %parallel_loop3A_786, %parallel_loop3A_802 : vector<16xi32>
        %parallel_loop3A_804 = vector.bitcast %parallel_loop3A_803 : vector<16xi32> to vector<32xbf16>
        %parallel_loop3A_805 = arith.constant 0 : i32
        %parallel_loop3A_806 = arith.constant 0 : i32
        %parallel_loop3A_807 = tpu.memref_slice %arg7[%parallel_loop3A_557, %parallel_loop3A_805, %parallel_loop3A_806] : memref<8x50x32xbf16, #tpu.memory_space<vmem>> -> memref<1x50x32xbf16, #tpu.memory_space<vmem>>
        %parallel_loop3A_808 = tpu.memref_squeeze %parallel_loop3A_807 : memref<1x50x32xbf16, #tpu.memory_space<vmem>> -> memref<50x32xbf16, #tpu.memory_space<vmem>>
        %parallel_loop3A_809 = arith.constant 0 : i32
        %parallel_loop3A_810 = tpu.memref_slice %parallel_loop3A_808[%parallel_loop3A_755, %parallel_loop3A_809] : memref<50x32xbf16, #tpu.memory_space<vmem>> -> memref<1x32xbf16, #tpu.memory_space<vmem>>
        %parallel_loop3A_811 = tpu.memref_squeeze %parallel_loop3A_810 : memref<1x32xbf16, #tpu.memory_space<vmem>> -> memref<32xbf16, #tpu.memory_space<vmem>>
        %parallel_loop3A_812 = arith.constant 0 : index
        %parallel_loop3A_813 = tpu.vector_load %parallel_loop3A_811[%parallel_loop3A_812] {strides = array<i32>} : memref<32xbf16, #tpu.memory_space<vmem>>, vector<32xbf16>,
        tpu.vector_store %parallel_loop3A_811[%parallel_loop3A_812], %parallel_loop3A_804 {strides = array<i32>} : memref<32xbf16, #tpu.memory_space<vmem>>, vector<32xbf16>,
      } {sc.loop_unroll_factor = 2 : i64, sc.parallel_access}
      %add3A_558 = arith.addi %mul3A_2, %add3A_533 : i32
      %dma_start3A_559 = arith.constant 4 : i32
      %dma_start3A_560 = arith.constant 4 : i32
      %dma_start3A_561 = arith.constant 0 : i32
      %dma_start3A_562 = arith.constant 0 : i32
      %dma_start3A_563 = tpu.memref_slice %arg7[%dma_start3A_559, %dma_start3A_561, %dma_start3A_562] : memref<8x50x32xbf16, #tpu.memory_space<vmem>> -> memref<1x50x32xbf16, #tpu.memory_space<vmem>>
      %dma_start3A_564 = tpu.memref_squeeze %dma_start3A_563 : memref<1x50x32xbf16, #tpu.memory_space<vmem>> -> memref<50x32xbf16, #tpu.memory_space<vmem>>
      %dma_start3A_565 = arith.constant 0 : i32
      %dma_start3A_566 = arith.constant 0 : i32
      %dma_start3A_567 = tpu.memref_slice %arg4[%add3A_558, %dma_start3A_565, %dma_start3A_566] : memref<16384x50x32xbf16, #tpu.memory_space<hbm>> -> memref<1x50x32xbf16, #tpu.memory_space<hbm>>
      %dma_start3A_568 = tpu.memref_squeeze %dma_start3A_567 : memref<1x50x32xbf16, #tpu.memory_space<hbm>> -> memref<50x32xbf16, #tpu.memory_space<hbm>>
      %dma_start3A_569 = tpu.memref_slice %arg9[%dma_start3A_560] : memref<8x!tpu.dma_semaphore, #tpu.memory_space<semaphore_mem>> -> memref<1x!tpu.dma_semaphore, #tpu.memory_space<semaphore_mem>>
      %dma_start3A_570 = tpu.memref_squeeze %dma_start3A_569 : memref<1x!tpu.dma_semaphore, #tpu.memory_space<semaphore_mem>> -> memref<!tpu.dma_semaphore, #tpu.memory_space<semaphore_mem>>
      %dma_start3A_571 = arith.constant 0 : i32
      %dma_start3A_572 = arith.constant 0 : i32
      %dma_start3A_573 = tpu.memref_slice %arg4[%add3A_558, %dma_start3A_571, %dma_start3A_572] : memref<16384x50x32xbf16, #tpu.memory_space<hbm>> -> memref<1x50x32xbf16, #tpu.memory_space<hbm>>
      %dma_start3A_574 = tpu.memref_squeeze %dma_start3A_573 : memref<1x50x32xbf16, #tpu.memory_space<hbm>> -> memref<50x32xbf16, #tpu.memory_space<hbm>>
      %dma_start3A_575 = arith.constant 0 : i32
      %dma_start3A_576 = arith.constant 0 : i32
      %dma_start3A_577 = tpu.memref_slice %arg7[%dma_start3A_559, %dma_start3A_575, %dma_start3A_576] : memref<8x50x32xbf16, #tpu.memory_space<vmem>> -> memref<1x50x32xbf16, #tpu.memory_space<vmem>>
      %dma_start3A_578 = tpu.memref_squeeze %dma_start3A_577 : memref<1x50x32xbf16, #tpu.memory_space<vmem>> -> memref<50x32xbf16, #tpu.memory_space<vmem>>
      tpu.enqueue_dma source(%dma_start3A_578 : memref<50x32xbf16, #tpu.memory_space<vmem>>) target(%dma_start3A_574 : memref<50x32xbf16, #tpu.memory_space<hbm>>) target_semaphore(%dma_start3A_570 : memref<!tpu.dma_semaphore, #tpu.memory_space<semaphore_mem>>)
      %add3A_579 = arith.constant 8 : i32
      %add3A_580 = arith.addi %add3A_533, %add3A_579 : i32
      %lt3A_581 = arith.constant 512 : i32
      %lt3A_582 = arith.cmpi slt, %add3A_580, %lt3A_581 : i32
      %convert_element_type3A_583 = arith.extui %lt3A_582 : i1 to i32
      %cond3A_584 = arith.constant 0 : i32
      %cond3A_585 = arith.cmpi ne, %convert_element_type3A_583, %cond3A_584 : i32
      scf.if %cond3A_585 {
        %add3A_755 = arith.constant 8 : i32
        %add3A_756 = arith.addi %add3A_533, %add3A_755 : i32
        %dma_start3A_757 = arith.constant 4 : i32
        %dma_start3A_758 = arith.constant 4 : i32
        %dma_start3A_759 = arith.constant 0 : i32
        %dma_start3A_760 = arith.constant 0 : i32
        %dma_start3A_761 = tpu.memref_slice %arg6[%dma_start3A_757, %dma_start3A_759, %dma_start3A_760] : memref<8x50x32xf32, #tpu.memory_space<vmem>> -> memref<1x50x32xf32, #tpu.memory_space<vmem>>
        %dma_start3A_762 = tpu.memref_squeeze %dma_start3A_761 : memref<1x50x32xf32, #tpu.memory_space<vmem>> -> memref<50x32xf32, #tpu.memory_space<vmem>>
        %dma_start3A_763 = arith.constant 0 : i32
        %dma_start3A_764 = tpu.memref_slice %arg5[%add3A_756, %dma_start3A_763] : memref<512x50xi32, #tpu.memory_space<vmem>> -> memref<1x50xi32, #tpu.memory_space<vmem>>
        %dma_start3A_765 = tpu.memref_squeeze %dma_start3A_764 : memref<1x50xi32, #tpu.memory_space<vmem>> -> memref<50xi32, #tpu.memory_space<vmem>>
        %dma_start3A_766 = arith.constant 0 : i32
        %dma_start3A_767 = arith.constant 0 : i32
        %dma_start3A_768 = tpu.memref_slice %arg2[%dma_start3A_766, %dma_start3A_767] : memref<1000000x32xf32, #tpu.memory_space<hbm>> -> memref<1000000x32xf32, #tpu.memory_space<hbm>>
        %dma_start3A_769 = tpu.memref_slice %arg8[%dma_start3A_758] : memref<8x!tpu.dma_semaphore, #tpu.memory_space<semaphore_mem>> -> memref<1x!tpu.dma_semaphore, #tpu.memory_space<semaphore_mem>>
        %dma_start3A_770 = tpu.memref_squeeze %dma_start3A_769 : memref<1x!tpu.dma_semaphore, #tpu.memory_space<semaphore_mem>> -> memref<!tpu.dma_semaphore, #tpu.memory_space<semaphore_mem>>
        tpu.enqueue_indirect_dma source(%dma_start3A_768 : memref<1000000x32xf32, #tpu.memory_space<hbm>>) target(%dma_start3A_762 : memref<50x32xf32, #tpu.memory_space<vmem>>) offsets(%dma_start3A_765 : memref<50xi32, #tpu.memory_space<vmem>>) semaphore(%dma_start3A_770 : memref<!tpu.dma_semaphore, #tpu.memory_space<semaphore_mem>>)
      } else {
      }
      %mul3A_586 = arith.constant 8 : i32
      %mul3A_587 = arith.muli %scan3A_309, %mul3A_586 : i32
      %add3A_588 = arith.constant 5 : i32
      %add3A_589 = arith.addi %mul3A_587, %add3A_588 : i32
      %dma_wait3A_590 = arith.constant 5 : i32
      %dma_wait3A_591 = arith.constant 5 : i32
      %dma_wait3A_592 = arith.constant 0 : i32
      %dma_wait3A_593 = arith.constant 0 : i32
      %dma_wait3A_594 = tpu.memref_slice %arg6[%dma_wait3A_590, %dma_wait3A_592, %dma_wait3A_593] : memref<8x50x32xf32, #tpu.memory_space<vmem>> -> memref<1x50x32xf32, #tpu.memory_space<vmem>>
      %dma_wait3A_595 = tpu.memref_squeeze %dma_wait3A_594 : memref<1x50x32xf32, #tpu.memory_space<vmem>> -> memref<50x32xf32, #tpu.memory_space<vmem>>
      %dma_wait3A_596 = arith.constant 0 : i32
      %dma_wait3A_597 = tpu.memref_slice %arg5[%add3A_589, %dma_wait3A_596] : memref<512x50xi32, #tpu.memory_space<vmem>> -> memref<1x50xi32, #tpu.memory_space<vmem>>
      %dma_wait3A_598 = tpu.memref_squeeze %dma_wait3A_597 : memref<1x50xi32, #tpu.memory_space<vmem>> -> memref<50xi32, #tpu.memory_space<vmem>>
      %dma_wait3A_599 = arith.constant 0 : i32
      %dma_wait3A_600 = arith.constant 0 : i32
      %dma_wait3A_601 = tpu.memref_slice %arg2[%dma_wait3A_599, %dma_wait3A_600] : memref<1000000x32xf32, #tpu.memory_space<hbm>> -> memref<1000000x32xf32, #tpu.memory_space<hbm>>
      %dma_wait3A_602 = tpu.memref_slice %arg8[%dma_wait3A_591] : memref<8x!tpu.dma_semaphore, #tpu.memory_space<semaphore_mem>> -> memref<1x!tpu.dma_semaphore, #tpu.memory_space<semaphore_mem>>
      %dma_wait3A_603 = tpu.memref_squeeze %dma_wait3A_602 : memref<1x!tpu.dma_semaphore, #tpu.memory_space<semaphore_mem>> -> memref<!tpu.dma_semaphore, #tpu.memory_space<semaphore_mem>>
      tpu.wait_indirect_dma semaphore(%dma_wait3A_603 : memref<!tpu.dma_semaphore, #tpu.memory_space<semaphore_mem>>) src(%dma_wait3A_601 : memref<1000000x32xf32, #tpu.memory_space<hbm>>) dst(%dma_wait3A_595 : memref<50x32xf32, #tpu.memory_space<vmem>>)
      %ge3A_604 = arith.constant 8 : i32
      %ge3A_605 = arith.cmpi sge, %add3A_589, %ge3A_604 : i32
      %convert_element_type3A_606 = arith.extui %ge3A_605 : i1 to i32
      %cond3A_607 = arith.constant 0 : i32
      %cond3A_608 = arith.cmpi ne, %convert_element_type3A_606, %cond3A_607 : i32
      scf.if %cond3A_608 {
        %sub3A = arith.constant 8 : i32
        %sub3A_755 = arith.subi %add3A_589, %sub3A : i32
        %add3A_756 = arith.addi %mul3A_2, %sub3A_755 : i32
        %dma_wait3A_757 = arith.constant 5 : i32
        %dma_wait3A_758 = arith.constant 5 : i32
        %dma_wait3A_759 = arith.constant 0 : i32
        %dma_wait3A_760 = arith.constant 0 : i32
        %dma_wait3A_761 = tpu.memref_slice %arg7[%dma_wait3A_757, %dma_wait3A_759, %dma_wait3A_760] : memref<8x50x32xbf16, #tpu.memory_space<vmem>> -> memref<1x50x32xbf16, #tpu.memory_space<vmem>>
        %dma_wait3A_762 = tpu.memref_squeeze %dma_wait3A_761 : memref<1x50x32xbf16, #tpu.memory_space<vmem>> -> memref<50x32xbf16, #tpu.memory_space<vmem>>
        %dma_wait3A_763 = arith.constant 0 : i32
        %dma_wait3A_764 = arith.constant 0 : i32
        %dma_wait3A_765 = tpu.memref_slice %arg4[%add3A_756, %dma_wait3A_763, %dma_wait3A_764] : memref<16384x50x32xbf16, #tpu.memory_space<hbm>> -> memref<1x50x32xbf16, #tpu.memory_space<hbm>>
        %dma_wait3A_766 = tpu.memref_squeeze %dma_wait3A_765 : memref<1x50x32xbf16, #tpu.memory_space<hbm>> -> memref<50x32xbf16, #tpu.memory_space<hbm>>
        %dma_wait3A_767 = tpu.memref_slice %arg9[%dma_wait3A_758] : memref<8x!tpu.dma_semaphore, #tpu.memory_space<semaphore_mem>> -> memref<1x!tpu.dma_semaphore, #tpu.memory_space<semaphore_mem>>
        %dma_wait3A_768 = tpu.memref_squeeze %dma_wait3A_767 : memref<1x!tpu.dma_semaphore, #tpu.memory_space<semaphore_mem>> -> memref<!tpu.dma_semaphore, #tpu.memory_space<semaphore_mem>>
        %dma_wait3A_769 = arith.constant 0 : i32
        %dma_wait3A_770 = arith.constant 0 : i32
        %dma_wait3A_771 = tpu.memref_slice %arg4[%add3A_756, %dma_wait3A_769, %dma_wait3A_770] : memref<16384x50x32xbf16, #tpu.memory_space<hbm>> -> memref<1x50x32xbf16, #tpu.memory_space<hbm>>
        %dma_wait3A_772 = tpu.memref_squeeze %dma_wait3A_771 : memref<1x50x32xbf16, #tpu.memory_space<hbm>> -> memref<50x32xbf16, #tpu.memory_space<hbm>>
        %dma_wait3A_773 = arith.constant 0 : i32
        %dma_wait3A_774 = arith.constant 0 : i32
        %dma_wait3A_775 = tpu.memref_slice %arg7[%dma_wait3A_757, %dma_wait3A_773, %dma_wait3A_774] : memref<8x50x32xbf16, #tpu.memory_space<vmem>> -> memref<1x50x32xbf16, #tpu.memory_space<vmem>>
        %dma_wait3A_776 = tpu.memref_squeeze %dma_wait3A_775 : memref<1x50x32xbf16, #tpu.memory_space<vmem>> -> memref<50x32xbf16, #tpu.memory_space<vmem>>
        tpu.wait_dma2 semaphore(%dma_wait3A_768 : memref<!tpu.dma_semaphore, #tpu.memory_space<semaphore_mem>>) src(%dma_wait3A_776 : memref<50x32xbf16, #tpu.memory_space<vmem>>) dst(%dma_wait3A_772 : memref<50x32xbf16, #tpu.memory_space<hbm>>)
      } else {
      }
      %parallel_loop3A_609 = arith.constant 0 : i32
      %parallel_loop3A_610 = arith.constant 50 : i32
      %parallel_loop3A_611 = arith.constant 1 : i32
      %parallel_loop3A_612 = arith.constant 5 : i32
      %parallel_loop3A_613 = arith.constant 5 : i32
      scf.for %parallel_loop3A_755 = %parallel_loop3A_609 to %parallel_loop3A_610 step %parallel_loop3A_611  : i32 {
        %parallel_loop3A_756 = arith.constant 0 : i32
        %parallel_loop3A_757 = arith.constant 0 : i32
        %parallel_loop3A_758 = tpu.memref_slice %arg6[%parallel_loop3A_612, %parallel_loop3A_756, %parallel_loop3A_757] : memref<8x50x32xf32, #tpu.memory_space<vmem>> -> memref<1x50x32xf32, #tpu.memory_space<vmem>>
        %parallel_loop3A_759 = tpu.memref_squeeze %parallel_loop3A_758 : memref<1x50x32xf32, #tpu.memory_space<vmem>> -> memref<50x32xf32, #tpu.memory_space<vmem>>
        %parallel_loop3A_760 = arith.constant 0 : i32
        %parallel_loop3A_761 = tpu.memref_slice %parallel_loop3A_759[%parallel_loop3A_755, %parallel_loop3A_760] : memref<50x32xf32, #tpu.memory_space<vmem>> -> memref<1x32xf32, #tpu.memory_space<vmem>>
        %parallel_loop3A_762 = tpu.memref_squeeze %parallel_loop3A_761 : memref<1x32xf32, #tpu.memory_space<vmem>> -> memref<32xf32, #tpu.memory_space<vmem>>
        %parallel_loop3A_763 = tpu.vector_load_idx %parallel_loop3A_762[%mul3A_5] : memref<32xf32, #tpu.memory_space<vmem>>[vector<16xi32>], vector<16xf32>,
        %parallel_loop3A_764 = vector.bitcast %parallel_loop3A_763 : vector<16xf32> to vector<16xi32>
        %parallel_loop3A_765 = arith.constant 0 : i32
        %parallel_loop3A_766 = arith.constant 0 : i32
        %parallel_loop3A_767 = tpu.memref_slice %arg6[%parallel_loop3A_612, %parallel_loop3A_765, %parallel_loop3A_766] : memref<8x50x32xf32, #tpu.memory_space<vmem>> -> memref<1x50x32xf32, #tpu.memory_space<vmem>>
        %parallel_loop3A_768 = tpu.memref_squeeze %parallel_loop3A_767 : memref<1x50x32xf32, #tpu.memory_space<vmem>> -> memref<50x32xf32, #tpu.memory_space<vmem>>
        %parallel_loop3A_769 = arith.constant 0 : i32
        %parallel_loop3A_770 = tpu.memref_slice %parallel_loop3A_768[%parallel_loop3A_755, %parallel_loop3A_769] : memref<50x32xf32, #tpu.memory_space<vmem>> -> memref<1x32xf32, #tpu.memory_space<vmem>>
        %parallel_loop3A_771 = tpu.memref_squeeze %parallel_loop3A_770 : memref<1x32xf32, #tpu.memory_space<vmem>> -> memref<32xf32, #tpu.memory_space<vmem>>
        %parallel_loop3A_772 = tpu.vector_load_idx %parallel_loop3A_771[%add3A_8] : memref<32xf32, #tpu.memory_space<vmem>>[vector<16xi32>], vector<16xf32>,
        %parallel_loop3A_773 = vector.bitcast %parallel_loop3A_772 : vector<16xf32> to vector<16xi32>
        %parallel_loop3A_774 = arith.constant 16 : i32
        %parallel_loop3A_775 = vector.broadcast %parallel_loop3A_774 : i32 to vector<16xi32>
        %parallel_loop3A_776 = arith.shrui %parallel_loop3A_764, %parallel_loop3A_775 : vector<16xi32>
        %parallel_loop3A_777 = arith.constant 1 : i32
        %parallel_loop3A_778 = vector.broadcast %parallel_loop3A_777 : i32 to vector<16xi32>
        %parallel_loop3A_779 = arith.andi %parallel_loop3A_776, %parallel_loop3A_778 : vector<16xi32>
        %parallel_loop3A_780 = arith.constant 32767 : i32
        %parallel_loop3A_781 = vector.broadcast %parallel_loop3A_780 : i32 to vector<16xi32>
        %parallel_loop3A_782 = arith.addi %parallel_loop3A_764, %parallel_loop3A_781 : vector<16xi32>
        %parallel_loop3A_783 = arith.addi %parallel_loop3A_782, %parallel_loop3A_779 : vector<16xi32>
        %parallel_loop3A_784 = arith.constant 16 : i32
        %parallel_loop3A_785 = vector.broadcast %parallel_loop3A_784 : i32 to vector<16xi32>
        %parallel_loop3A_786 = arith.shrui %parallel_loop3A_783, %parallel_loop3A_785 : vector<16xi32>
        %parallel_loop3A_787 = arith.constant 16 : i32
        %parallel_loop3A_788 = vector.broadcast %parallel_loop3A_787 : i32 to vector<16xi32>
        %parallel_loop3A_789 = arith.shrui %parallel_loop3A_773, %parallel_loop3A_788 : vector<16xi32>
        %parallel_loop3A_790 = arith.constant 1 : i32
        %parallel_loop3A_791 = vector.broadcast %parallel_loop3A_790 : i32 to vector<16xi32>
        %parallel_loop3A_792 = arith.andi %parallel_loop3A_789, %parallel_loop3A_791 : vector<16xi32>
        %parallel_loop3A_793 = arith.constant 32767 : i32
        %parallel_loop3A_794 = vector.broadcast %parallel_loop3A_793 : i32 to vector<16xi32>
        %parallel_loop3A_795 = arith.addi %parallel_loop3A_773, %parallel_loop3A_794 : vector<16xi32>
        %parallel_loop3A_796 = arith.addi %parallel_loop3A_795, %parallel_loop3A_792 : vector<16xi32>
        %parallel_loop3A_797 = arith.constant 16 : i32
        %parallel_loop3A_798 = vector.broadcast %parallel_loop3A_797 : i32 to vector<16xi32>
        %parallel_loop3A_799 = arith.shrui %parallel_loop3A_796, %parallel_loop3A_798 : vector<16xi32>
        %parallel_loop3A_800 = arith.constant 16 : i32
        %parallel_loop3A_801 = vector.broadcast %parallel_loop3A_800 : i32 to vector<16xi32>
        %parallel_loop3A_802 = arith.shli %parallel_loop3A_799, %parallel_loop3A_801 : vector<16xi32>
        %parallel_loop3A_803 = arith.ori %parallel_loop3A_786, %parallel_loop3A_802 : vector<16xi32>
        %parallel_loop3A_804 = vector.bitcast %parallel_loop3A_803 : vector<16xi32> to vector<32xbf16>
        %parallel_loop3A_805 = arith.constant 0 : i32
        %parallel_loop3A_806 = arith.constant 0 : i32
        %parallel_loop3A_807 = tpu.memref_slice %arg7[%parallel_loop3A_613, %parallel_loop3A_805, %parallel_loop3A_806] : memref<8x50x32xbf16, #tpu.memory_space<vmem>> -> memref<1x50x32xbf16, #tpu.memory_space<vmem>>
        %parallel_loop3A_808 = tpu.memref_squeeze %parallel_loop3A_807 : memref<1x50x32xbf16, #tpu.memory_space<vmem>> -> memref<50x32xbf16, #tpu.memory_space<vmem>>
        %parallel_loop3A_809 = arith.constant 0 : i32
        %parallel_loop3A_810 = tpu.memref_slice %parallel_loop3A_808[%parallel_loop3A_755, %parallel_loop3A_809] : memref<50x32xbf16, #tpu.memory_space<vmem>> -> memref<1x32xbf16, #tpu.memory_space<vmem>>
        %parallel_loop3A_811 = tpu.memref_squeeze %parallel_loop3A_810 : memref<1x32xbf16, #tpu.memory_space<vmem>> -> memref<32xbf16, #tpu.memory_space<vmem>>
        %parallel_loop3A_812 = arith.constant 0 : index
        %parallel_loop3A_813 = tpu.vector_load %parallel_loop3A_811[%parallel_loop3A_812] {strides = array<i32>} : memref<32xbf16, #tpu.memory_space<vmem>>, vector<32xbf16>,
        tpu.vector_store %parallel_loop3A_811[%parallel_loop3A_812], %parallel_loop3A_804 {strides = array<i32>} : memref<32xbf16, #tpu.memory_space<vmem>>, vector<32xbf16>,
      } {sc.loop_unroll_factor = 2 : i64, sc.parallel_access}
      %add3A_614 = arith.addi %mul3A_2, %add3A_589 : i32
      %dma_start3A_615 = arith.constant 5 : i32
      %dma_start3A_616 = arith.constant 5 : i32
      %dma_start3A_617 = arith.constant 0 : i32
      %dma_start3A_618 = arith.constant 0 : i32
      %dma_start3A_619 = tpu.memref_slice %arg7[%dma_start3A_615, %dma_start3A_617, %dma_start3A_618] : memref<8x50x32xbf16, #tpu.memory_space<vmem>> -> memref<1x50x32xbf16, #tpu.memory_space<vmem>>
      %dma_start3A_620 = tpu.memref_squeeze %dma_start3A_619 : memref<1x50x32xbf16, #tpu.memory_space<vmem>> -> memref<50x32xbf16, #tpu.memory_space<vmem>>
      %dma_start3A_621 = arith.constant 0 : i32
      %dma_start3A_622 = arith.constant 0 : i32
      %dma_start3A_623 = tpu.memref_slice %arg4[%add3A_614, %dma_start3A_621, %dma_start3A_622] : memref<16384x50x32xbf16, #tpu.memory_space<hbm>> -> memref<1x50x32xbf16, #tpu.memory_space<hbm>>
      %dma_start3A_624 = tpu.memref_squeeze %dma_start3A_623 : memref<1x50x32xbf16, #tpu.memory_space<hbm>> -> memref<50x32xbf16, #tpu.memory_space<hbm>>
      %dma_start3A_625 = tpu.memref_slice %arg9[%dma_start3A_616] : memref<8x!tpu.dma_semaphore, #tpu.memory_space<semaphore_mem>> -> memref<1x!tpu.dma_semaphore, #tpu.memory_space<semaphore_mem>>
      %dma_start3A_626 = tpu.memref_squeeze %dma_start3A_625 : memref<1x!tpu.dma_semaphore, #tpu.memory_space<semaphore_mem>> -> memref<!tpu.dma_semaphore, #tpu.memory_space<semaphore_mem>>
      %dma_start3A_627 = arith.constant 0 : i32
      %dma_start3A_628 = arith.constant 0 : i32
      %dma_start3A_629 = tpu.memref_slice %arg4[%add3A_614, %dma_start3A_627, %dma_start3A_628] : memref<16384x50x32xbf16, #tpu.memory_space<hbm>> -> memref<1x50x32xbf16, #tpu.memory_space<hbm>>
      %dma_start3A_630 = tpu.memref_squeeze %dma_start3A_629 : memref<1x50x32xbf16, #tpu.memory_space<hbm>> -> memref<50x32xbf16, #tpu.memory_space<hbm>>
      %dma_start3A_631 = arith.constant 0 : i32
      %dma_start3A_632 = arith.constant 0 : i32
      %dma_start3A_633 = tpu.memref_slice %arg7[%dma_start3A_615, %dma_start3A_631, %dma_start3A_632] : memref<8x50x32xbf16, #tpu.memory_space<vmem>> -> memref<1x50x32xbf16, #tpu.memory_space<vmem>>
      %dma_start3A_634 = tpu.memref_squeeze %dma_start3A_633 : memref<1x50x32xbf16, #tpu.memory_space<vmem>> -> memref<50x32xbf16, #tpu.memory_space<vmem>>
      tpu.enqueue_dma source(%dma_start3A_634 : memref<50x32xbf16, #tpu.memory_space<vmem>>) target(%dma_start3A_630 : memref<50x32xbf16, #tpu.memory_space<hbm>>) target_semaphore(%dma_start3A_626 : memref<!tpu.dma_semaphore, #tpu.memory_space<semaphore_mem>>)
      %add3A_635 = arith.constant 8 : i32
      %add3A_636 = arith.addi %add3A_589, %add3A_635 : i32
      %lt3A_637 = arith.constant 512 : i32
      %lt3A_638 = arith.cmpi slt, %add3A_636, %lt3A_637 : i32
      %convert_element_type3A_639 = arith.extui %lt3A_638 : i1 to i32
      %cond3A_640 = arith.constant 0 : i32
      %cond3A_641 = arith.cmpi ne, %convert_element_type3A_639, %cond3A_640 : i32
      scf.if %cond3A_641 {
        %add3A_755 = arith.constant 8 : i32
        %add3A_756 = arith.addi %add3A_589, %add3A_755 : i32
        %dma_start3A_757 = arith.constant 5 : i32
        %dma_start3A_758 = arith.constant 5 : i32
        %dma_start3A_759 = arith.constant 0 : i32
        %dma_start3A_760 = arith.constant 0 : i32
        %dma_start3A_761 = tpu.memref_slice %arg6[%dma_start3A_757, %dma_start3A_759, %dma_start3A_760] : memref<8x50x32xf32, #tpu.memory_space<vmem>> -> memref<1x50x32xf32, #tpu.memory_space<vmem>>
        %dma_start3A_762 = tpu.memref_squeeze %dma_start3A_761 : memref<1x50x32xf32, #tpu.memory_space<vmem>> -> memref<50x32xf32, #tpu.memory_space<vmem>>
        %dma_start3A_763 = arith.constant 0 : i32
        %dma_start3A_764 = tpu.memref_slice %arg5[%add3A_756, %dma_start3A_763] : memref<512x50xi32, #tpu.memory_space<vmem>> -> memref<1x50xi32, #tpu.memory_space<vmem>>
        %dma_start3A_765 = tpu.memref_squeeze %dma_start3A_764 : memref<1x50xi32, #tpu.memory_space<vmem>> -> memref<50xi32, #tpu.memory_space<vmem>>
        %dma_start3A_766 = arith.constant 0 : i32
        %dma_start3A_767 = arith.constant 0 : i32
        %dma_start3A_768 = tpu.memref_slice %arg2[%dma_start3A_766, %dma_start3A_767] : memref<1000000x32xf32, #tpu.memory_space<hbm>> -> memref<1000000x32xf32, #tpu.memory_space<hbm>>
        %dma_start3A_769 = tpu.memref_slice %arg8[%dma_start3A_758] : memref<8x!tpu.dma_semaphore, #tpu.memory_space<semaphore_mem>> -> memref<1x!tpu.dma_semaphore, #tpu.memory_space<semaphore_mem>>
        %dma_start3A_770 = tpu.memref_squeeze %dma_start3A_769 : memref<1x!tpu.dma_semaphore, #tpu.memory_space<semaphore_mem>> -> memref<!tpu.dma_semaphore, #tpu.memory_space<semaphore_mem>>
        tpu.enqueue_indirect_dma source(%dma_start3A_768 : memref<1000000x32xf32, #tpu.memory_space<hbm>>) target(%dma_start3A_762 : memref<50x32xf32, #tpu.memory_space<vmem>>) offsets(%dma_start3A_765 : memref<50xi32, #tpu.memory_space<vmem>>) semaphore(%dma_start3A_770 : memref<!tpu.dma_semaphore, #tpu.memory_space<semaphore_mem>>)
      } else {
      }
      %mul3A_642 = arith.constant 8 : i32
      %mul3A_643 = arith.muli %scan3A_309, %mul3A_642 : i32
      %add3A_644 = arith.constant 6 : i32
      %add3A_645 = arith.addi %mul3A_643, %add3A_644 : i32
      %dma_wait3A_646 = arith.constant 6 : i32
      %dma_wait3A_647 = arith.constant 6 : i32
      %dma_wait3A_648 = arith.constant 0 : i32
      %dma_wait3A_649 = arith.constant 0 : i32
      %dma_wait3A_650 = tpu.memref_slice %arg6[%dma_wait3A_646, %dma_wait3A_648, %dma_wait3A_649] : memref<8x50x32xf32, #tpu.memory_space<vmem>> -> memref<1x50x32xf32, #tpu.memory_space<vmem>>
      %dma_wait3A_651 = tpu.memref_squeeze %dma_wait3A_650 : memref<1x50x32xf32, #tpu.memory_space<vmem>> -> memref<50x32xf32, #tpu.memory_space<vmem>>
      %dma_wait3A_652 = arith.constant 0 : i32
      %dma_wait3A_653 = tpu.memref_slice %arg5[%add3A_645, %dma_wait3A_652] : memref<512x50xi32, #tpu.memory_space<vmem>> -> memref<1x50xi32, #tpu.memory_space<vmem>>
      %dma_wait3A_654 = tpu.memref_squeeze %dma_wait3A_653 : memref<1x50xi32, #tpu.memory_space<vmem>> -> memref<50xi32, #tpu.memory_space<vmem>>
      %dma_wait3A_655 = arith.constant 0 : i32
      %dma_wait3A_656 = arith.constant 0 : i32
      %dma_wait3A_657 = tpu.memref_slice %arg2[%dma_wait3A_655, %dma_wait3A_656] : memref<1000000x32xf32, #tpu.memory_space<hbm>> -> memref<1000000x32xf32, #tpu.memory_space<hbm>>
      %dma_wait3A_658 = tpu.memref_slice %arg8[%dma_wait3A_647] : memref<8x!tpu.dma_semaphore, #tpu.memory_space<semaphore_mem>> -> memref<1x!tpu.dma_semaphore, #tpu.memory_space<semaphore_mem>>
      %dma_wait3A_659 = tpu.memref_squeeze %dma_wait3A_658 : memref<1x!tpu.dma_semaphore, #tpu.memory_space<semaphore_mem>> -> memref<!tpu.dma_semaphore, #tpu.memory_space<semaphore_mem>>
      tpu.wait_indirect_dma semaphore(%dma_wait3A_659 : memref<!tpu.dma_semaphore, #tpu.memory_space<semaphore_mem>>) src(%dma_wait3A_657 : memref<1000000x32xf32, #tpu.memory_space<hbm>>) dst(%dma_wait3A_651 : memref<50x32xf32, #tpu.memory_space<vmem>>)
      %ge3A_660 = arith.constant 8 : i32
      %ge3A_661 = arith.cmpi sge, %add3A_645, %ge3A_660 : i32
      %convert_element_type3A_662 = arith.extui %ge3A_661 : i1 to i32
      %cond3A_663 = arith.constant 0 : i32
      %cond3A_664 = arith.cmpi ne, %convert_element_type3A_662, %cond3A_663 : i32
      scf.if %cond3A_664 {
        %sub3A = arith.constant 8 : i32
        %sub3A_755 = arith.subi %add3A_645, %sub3A : i32
        %add3A_756 = arith.addi %mul3A_2, %sub3A_755 : i32
        %dma_wait3A_757 = arith.constant 6 : i32
        %dma_wait3A_758 = arith.constant 6 : i32
        %dma_wait3A_759 = arith.constant 0 : i32
        %dma_wait3A_760 = arith.constant 0 : i32
        %dma_wait3A_761 = tpu.memref_slice %arg7[%dma_wait3A_757, %dma_wait3A_759, %dma_wait3A_760] : memref<8x50x32xbf16, #tpu.memory_space<vmem>> -> memref<1x50x32xbf16, #tpu.memory_space<vmem>>
        %dma_wait3A_762 = tpu.memref_squeeze %dma_wait3A_761 : memref<1x50x32xbf16, #tpu.memory_space<vmem>> -> memref<50x32xbf16, #tpu.memory_space<vmem>>
        %dma_wait3A_763 = arith.constant 0 : i32
        %dma_wait3A_764 = arith.constant 0 : i32
        %dma_wait3A_765 = tpu.memref_slice %arg4[%add3A_756, %dma_wait3A_763, %dma_wait3A_764] : memref<16384x50x32xbf16, #tpu.memory_space<hbm>> -> memref<1x50x32xbf16, #tpu.memory_space<hbm>>
        %dma_wait3A_766 = tpu.memref_squeeze %dma_wait3A_765 : memref<1x50x32xbf16, #tpu.memory_space<hbm>> -> memref<50x32xbf16, #tpu.memory_space<hbm>>
        %dma_wait3A_767 = tpu.memref_slice %arg9[%dma_wait3A_758] : memref<8x!tpu.dma_semaphore, #tpu.memory_space<semaphore_mem>> -> memref<1x!tpu.dma_semaphore, #tpu.memory_space<semaphore_mem>>
        %dma_wait3A_768 = tpu.memref_squeeze %dma_wait3A_767 : memref<1x!tpu.dma_semaphore, #tpu.memory_space<semaphore_mem>> -> memref<!tpu.dma_semaphore, #tpu.memory_space<semaphore_mem>>
        %dma_wait3A_769 = arith.constant 0 : i32
        %dma_wait3A_770 = arith.constant 0 : i32
        %dma_wait3A_771 = tpu.memref_slice %arg4[%add3A_756, %dma_wait3A_769, %dma_wait3A_770] : memref<16384x50x32xbf16, #tpu.memory_space<hbm>> -> memref<1x50x32xbf16, #tpu.memory_space<hbm>>
        %dma_wait3A_772 = tpu.memref_squeeze %dma_wait3A_771 : memref<1x50x32xbf16, #tpu.memory_space<hbm>> -> memref<50x32xbf16, #tpu.memory_space<hbm>>
        %dma_wait3A_773 = arith.constant 0 : i32
        %dma_wait3A_774 = arith.constant 0 : i32
        %dma_wait3A_775 = tpu.memref_slice %arg7[%dma_wait3A_757, %dma_wait3A_773, %dma_wait3A_774] : memref<8x50x32xbf16, #tpu.memory_space<vmem>> -> memref<1x50x32xbf16, #tpu.memory_space<vmem>>
        %dma_wait3A_776 = tpu.memref_squeeze %dma_wait3A_775 : memref<1x50x32xbf16, #tpu.memory_space<vmem>> -> memref<50x32xbf16, #tpu.memory_space<vmem>>
        tpu.wait_dma2 semaphore(%dma_wait3A_768 : memref<!tpu.dma_semaphore, #tpu.memory_space<semaphore_mem>>) src(%dma_wait3A_776 : memref<50x32xbf16, #tpu.memory_space<vmem>>) dst(%dma_wait3A_772 : memref<50x32xbf16, #tpu.memory_space<hbm>>)
      } else {
      }
      %parallel_loop3A_665 = arith.constant 0 : i32
      %parallel_loop3A_666 = arith.constant 50 : i32
      %parallel_loop3A_667 = arith.constant 1 : i32
      %parallel_loop3A_668 = arith.constant 6 : i32
      %parallel_loop3A_669 = arith.constant 6 : i32
      scf.for %parallel_loop3A_755 = %parallel_loop3A_665 to %parallel_loop3A_666 step %parallel_loop3A_667  : i32 {
        %parallel_loop3A_756 = arith.constant 0 : i32
        %parallel_loop3A_757 = arith.constant 0 : i32
        %parallel_loop3A_758 = tpu.memref_slice %arg6[%parallel_loop3A_668, %parallel_loop3A_756, %parallel_loop3A_757] : memref<8x50x32xf32, #tpu.memory_space<vmem>> -> memref<1x50x32xf32, #tpu.memory_space<vmem>>
        %parallel_loop3A_759 = tpu.memref_squeeze %parallel_loop3A_758 : memref<1x50x32xf32, #tpu.memory_space<vmem>> -> memref<50x32xf32, #tpu.memory_space<vmem>>
        %parallel_loop3A_760 = arith.constant 0 : i32
        %parallel_loop3A_761 = tpu.memref_slice %parallel_loop3A_759[%parallel_loop3A_755, %parallel_loop3A_760] : memref<50x32xf32, #tpu.memory_space<vmem>> -> memref<1x32xf32, #tpu.memory_space<vmem>>
        %parallel_loop3A_762 = tpu.memref_squeeze %parallel_loop3A_761 : memref<1x32xf32, #tpu.memory_space<vmem>> -> memref<32xf32, #tpu.memory_space<vmem>>
        %parallel_loop3A_763 = tpu.vector_load_idx %parallel_loop3A_762[%mul3A_5] : memref<32xf32, #tpu.memory_space<vmem>>[vector<16xi32>], vector<16xf32>,
        %parallel_loop3A_764 = vector.bitcast %parallel_loop3A_763 : vector<16xf32> to vector<16xi32>
        %parallel_loop3A_765 = arith.constant 0 : i32
        %parallel_loop3A_766 = arith.constant 0 : i32
        %parallel_loop3A_767 = tpu.memref_slice %arg6[%parallel_loop3A_668, %parallel_loop3A_765, %parallel_loop3A_766] : memref<8x50x32xf32, #tpu.memory_space<vmem>> -> memref<1x50x32xf32, #tpu.memory_space<vmem>>
        %parallel_loop3A_768 = tpu.memref_squeeze %parallel_loop3A_767 : memref<1x50x32xf32, #tpu.memory_space<vmem>> -> memref<50x32xf32, #tpu.memory_space<vmem>>
        %parallel_loop3A_769 = arith.constant 0 : i32
        %parallel_loop3A_770 = tpu.memref_slice %parallel_loop3A_768[%parallel_loop3A_755, %parallel_loop3A_769] : memref<50x32xf32, #tpu.memory_space<vmem>> -> memref<1x32xf32, #tpu.memory_space<vmem>>
        %parallel_loop3A_771 = tpu.memref_squeeze %parallel_loop3A_770 : memref<1x32xf32, #tpu.memory_space<vmem>> -> memref<32xf32, #tpu.memory_space<vmem>>
        %parallel_loop3A_772 = tpu.vector_load_idx %parallel_loop3A_771[%add3A_8] : memref<32xf32, #tpu.memory_space<vmem>>[vector<16xi32>], vector<16xf32>,
        %parallel_loop3A_773 = vector.bitcast %parallel_loop3A_772 : vector<16xf32> to vector<16xi32>
        %parallel_loop3A_774 = arith.constant 16 : i32
        %parallel_loop3A_775 = vector.broadcast %parallel_loop3A_774 : i32 to vector<16xi32>
        %parallel_loop3A_776 = arith.shrui %parallel_loop3A_764, %parallel_loop3A_775 : vector<16xi32>
        %parallel_loop3A_777 = arith.constant 1 : i32
        %parallel_loop3A_778 = vector.broadcast %parallel_loop3A_777 : i32 to vector<16xi32>
        %parallel_loop3A_779 = arith.andi %parallel_loop3A_776, %parallel_loop3A_778 : vector<16xi32>
        %parallel_loop3A_780 = arith.constant 32767 : i32
        %parallel_loop3A_781 = vector.broadcast %parallel_loop3A_780 : i32 to vector<16xi32>
        %parallel_loop3A_782 = arith.addi %parallel_loop3A_764, %parallel_loop3A_781 : vector<16xi32>
        %parallel_loop3A_783 = arith.addi %parallel_loop3A_782, %parallel_loop3A_779 : vector<16xi32>
        %parallel_loop3A_784 = arith.constant 16 : i32
        %parallel_loop3A_785 = vector.broadcast %parallel_loop3A_784 : i32 to vector<16xi32>
        %parallel_loop3A_786 = arith.shrui %parallel_loop3A_783, %parallel_loop3A_785 : vector<16xi32>
        %parallel_loop3A_787 = arith.constant 16 : i32
        %parallel_loop3A_788 = vector.broadcast %parallel_loop3A_787 : i32 to vector<16xi32>
        %parallel_loop3A_789 = arith.shrui %parallel_loop3A_773, %parallel_loop3A_788 : vector<16xi32>
        %parallel_loop3A_790 = arith.constant 1 : i32
        %parallel_loop3A_791 = vector.broadcast %parallel_loop3A_790 : i32 to vector<16xi32>
        %parallel_loop3A_792 = arith.andi %parallel_loop3A_789, %parallel_loop3A_791 : vector<16xi32>
        %parallel_loop3A_793 = arith.constant 32767 : i32
        %parallel_loop3A_794 = vector.broadcast %parallel_loop3A_793 : i32 to vector<16xi32>
        %parallel_loop3A_795 = arith.addi %parallel_loop3A_773, %parallel_loop3A_794 : vector<16xi32>
        %parallel_loop3A_796 = arith.addi %parallel_loop3A_795, %parallel_loop3A_792 : vector<16xi32>
        %parallel_loop3A_797 = arith.constant 16 : i32
        %parallel_loop3A_798 = vector.broadcast %parallel_loop3A_797 : i32 to vector<16xi32>
        %parallel_loop3A_799 = arith.shrui %parallel_loop3A_796, %parallel_loop3A_798 : vector<16xi32>
        %parallel_loop3A_800 = arith.constant 16 : i32
        %parallel_loop3A_801 = vector.broadcast %parallel_loop3A_800 : i32 to vector<16xi32>
        %parallel_loop3A_802 = arith.shli %parallel_loop3A_799, %parallel_loop3A_801 : vector<16xi32>
        %parallel_loop3A_803 = arith.ori %parallel_loop3A_786, %parallel_loop3A_802 : vector<16xi32>
        %parallel_loop3A_804 = vector.bitcast %parallel_loop3A_803 : vector<16xi32> to vector<32xbf16>
        %parallel_loop3A_805 = arith.constant 0 : i32
        %parallel_loop3A_806 = arith.constant 0 : i32
        %parallel_loop3A_807 = tpu.memref_slice %arg7[%parallel_loop3A_669, %parallel_loop3A_805, %parallel_loop3A_806] : memref<8x50x32xbf16, #tpu.memory_space<vmem>> -> memref<1x50x32xbf16, #tpu.memory_space<vmem>>
        %parallel_loop3A_808 = tpu.memref_squeeze %parallel_loop3A_807 : memref<1x50x32xbf16, #tpu.memory_space<vmem>> -> memref<50x32xbf16, #tpu.memory_space<vmem>>
        %parallel_loop3A_809 = arith.constant 0 : i32
        %parallel_loop3A_810 = tpu.memref_slice %parallel_loop3A_808[%parallel_loop3A_755, %parallel_loop3A_809] : memref<50x32xbf16, #tpu.memory_space<vmem>> -> memref<1x32xbf16, #tpu.memory_space<vmem>>
        %parallel_loop3A_811 = tpu.memref_squeeze %parallel_loop3A_810 : memref<1x32xbf16, #tpu.memory_space<vmem>> -> memref<32xbf16, #tpu.memory_space<vmem>>
        %parallel_loop3A_812 = arith.constant 0 : index
        %parallel_loop3A_813 = tpu.vector_load %parallel_loop3A_811[%parallel_loop3A_812] {strides = array<i32>} : memref<32xbf16, #tpu.memory_space<vmem>>, vector<32xbf16>,
        tpu.vector_store %parallel_loop3A_811[%parallel_loop3A_812], %parallel_loop3A_804 {strides = array<i32>} : memref<32xbf16, #tpu.memory_space<vmem>>, vector<32xbf16>,
      } {sc.loop_unroll_factor = 2 : i64, sc.parallel_access}
      %add3A_670 = arith.addi %mul3A_2, %add3A_645 : i32
      %dma_start3A_671 = arith.constant 6 : i32
      %dma_start3A_672 = arith.constant 6 : i32
      %dma_start3A_673 = arith.constant 0 : i32
      %dma_start3A_674 = arith.constant 0 : i32
      %dma_start3A_675 = tpu.memref_slice %arg7[%dma_start3A_671, %dma_start3A_673, %dma_start3A_674] : memref<8x50x32xbf16, #tpu.memory_space<vmem>> -> memref<1x50x32xbf16, #tpu.memory_space<vmem>>
      %dma_start3A_676 = tpu.memref_squeeze %dma_start3A_675 : memref<1x50x32xbf16, #tpu.memory_space<vmem>> -> memref<50x32xbf16, #tpu.memory_space<vmem>>
      %dma_start3A_677 = arith.constant 0 : i32
      %dma_start3A_678 = arith.constant 0 : i32
      %dma_start3A_679 = tpu.memref_slice %arg4[%add3A_670, %dma_start3A_677, %dma_start3A_678] : memref<16384x50x32xbf16, #tpu.memory_space<hbm>> -> memref<1x50x32xbf16, #tpu.memory_space<hbm>>
      %dma_start3A_680 = tpu.memref_squeeze %dma_start3A_679 : memref<1x50x32xbf16, #tpu.memory_space<hbm>> -> memref<50x32xbf16, #tpu.memory_space<hbm>>
      %dma_start3A_681 = tpu.memref_slice %arg9[%dma_start3A_672] : memref<8x!tpu.dma_semaphore, #tpu.memory_space<semaphore_mem>> -> memref<1x!tpu.dma_semaphore, #tpu.memory_space<semaphore_mem>>
      %dma_start3A_682 = tpu.memref_squeeze %dma_start3A_681 : memref<1x!tpu.dma_semaphore, #tpu.memory_space<semaphore_mem>> -> memref<!tpu.dma_semaphore, #tpu.memory_space<semaphore_mem>>
      %dma_start3A_683 = arith.constant 0 : i32
      %dma_start3A_684 = arith.constant 0 : i32
      %dma_start3A_685 = tpu.memref_slice %arg4[%add3A_670, %dma_start3A_683, %dma_start3A_684] : memref<16384x50x32xbf16, #tpu.memory_space<hbm>> -> memref<1x50x32xbf16, #tpu.memory_space<hbm>>
      %dma_start3A_686 = tpu.memref_squeeze %dma_start3A_685 : memref<1x50x32xbf16, #tpu.memory_space<hbm>> -> memref<50x32xbf16, #tpu.memory_space<hbm>>
      %dma_start3A_687 = arith.constant 0 : i32
      %dma_start3A_688 = arith.constant 0 : i32
      %dma_start3A_689 = tpu.memref_slice %arg7[%dma_start3A_671, %dma_start3A_687, %dma_start3A_688] : memref<8x50x32xbf16, #tpu.memory_space<vmem>> -> memref<1x50x32xbf16, #tpu.memory_space<vmem>>
      %dma_start3A_690 = tpu.memref_squeeze %dma_start3A_689 : memref<1x50x32xbf16, #tpu.memory_space<vmem>> -> memref<50x32xbf16, #tpu.memory_space<vmem>>
      tpu.enqueue_dma source(%dma_start3A_690 : memref<50x32xbf16, #tpu.memory_space<vmem>>) target(%dma_start3A_686 : memref<50x32xbf16, #tpu.memory_space<hbm>>) target_semaphore(%dma_start3A_682 : memref<!tpu.dma_semaphore, #tpu.memory_space<semaphore_mem>>)
      %add3A_691 = arith.constant 8 : i32
      %add3A_692 = arith.addi %add3A_645, %add3A_691 : i32
      %lt3A_693 = arith.constant 512 : i32
      %lt3A_694 = arith.cmpi slt, %add3A_692, %lt3A_693 : i32
      %convert_element_type3A_695 = arith.extui %lt3A_694 : i1 to i32
      %cond3A_696 = arith.constant 0 : i32
      %cond3A_697 = arith.cmpi ne, %convert_element_type3A_695, %cond3A_696 : i32
      scf.if %cond3A_697 {
        %add3A_755 = arith.constant 8 : i32
        %add3A_756 = arith.addi %add3A_645, %add3A_755 : i32
        %dma_start3A_757 = arith.constant 6 : i32
        %dma_start3A_758 = arith.constant 6 : i32
        %dma_start3A_759 = arith.constant 0 : i32
        %dma_start3A_760 = arith.constant 0 : i32
        %dma_start3A_761 = tpu.memref_slice %arg6[%dma_start3A_757, %dma_start3A_759, %dma_start3A_760] : memref<8x50x32xf32, #tpu.memory_space<vmem>> -> memref<1x50x32xf32, #tpu.memory_space<vmem>>
        %dma_start3A_762 = tpu.memref_squeeze %dma_start3A_761 : memref<1x50x32xf32, #tpu.memory_space<vmem>> -> memref<50x32xf32, #tpu.memory_space<vmem>>
        %dma_start3A_763 = arith.constant 0 : i32
        %dma_start3A_764 = tpu.memref_slice %arg5[%add3A_756, %dma_start3A_763] : memref<512x50xi32, #tpu.memory_space<vmem>> -> memref<1x50xi32, #tpu.memory_space<vmem>>
        %dma_start3A_765 = tpu.memref_squeeze %dma_start3A_764 : memref<1x50xi32, #tpu.memory_space<vmem>> -> memref<50xi32, #tpu.memory_space<vmem>>
        %dma_start3A_766 = arith.constant 0 : i32
        %dma_start3A_767 = arith.constant 0 : i32
        %dma_start3A_768 = tpu.memref_slice %arg2[%dma_start3A_766, %dma_start3A_767] : memref<1000000x32xf32, #tpu.memory_space<hbm>> -> memref<1000000x32xf32, #tpu.memory_space<hbm>>
        %dma_start3A_769 = tpu.memref_slice %arg8[%dma_start3A_758] : memref<8x!tpu.dma_semaphore, #tpu.memory_space<semaphore_mem>> -> memref<1x!tpu.dma_semaphore, #tpu.memory_space<semaphore_mem>>
        %dma_start3A_770 = tpu.memref_squeeze %dma_start3A_769 : memref<1x!tpu.dma_semaphore, #tpu.memory_space<semaphore_mem>> -> memref<!tpu.dma_semaphore, #tpu.memory_space<semaphore_mem>>
        tpu.enqueue_indirect_dma source(%dma_start3A_768 : memref<1000000x32xf32, #tpu.memory_space<hbm>>) target(%dma_start3A_762 : memref<50x32xf32, #tpu.memory_space<vmem>>) offsets(%dma_start3A_765 : memref<50xi32, #tpu.memory_space<vmem>>) semaphore(%dma_start3A_770 : memref<!tpu.dma_semaphore, #tpu.memory_space<semaphore_mem>>)
      } else {
      }
      %mul3A_698 = arith.constant 8 : i32
      %mul3A_699 = arith.muli %scan3A_309, %mul3A_698 : i32
      %add3A_700 = arith.constant 7 : i32
      %add3A_701 = arith.addi %mul3A_699, %add3A_700 : i32
      %dma_wait3A_702 = arith.constant 7 : i32
      %dma_wait3A_703 = arith.constant 7 : i32
      %dma_wait3A_704 = arith.constant 0 : i32
      %dma_wait3A_705 = arith.constant 0 : i32
      %dma_wait3A_706 = tpu.memref_slice %arg6[%dma_wait3A_702, %dma_wait3A_704, %dma_wait3A_705] : memref<8x50x32xf32, #tpu.memory_space<vmem>> -> memref<1x50x32xf32, #tpu.memory_space<vmem>>
      %dma_wait3A_707 = tpu.memref_squeeze %dma_wait3A_706 : memref<1x50x32xf32, #tpu.memory_space<vmem>> -> memref<50x32xf32, #tpu.memory_space<vmem>>
      %dma_wait3A_708 = arith.constant 0 : i32
      %dma_wait3A_709 = tpu.memref_slice %arg5[%add3A_701, %dma_wait3A_708] : memref<512x50xi32, #tpu.memory_space<vmem>> -> memref<1x50xi32, #tpu.memory_space<vmem>>
      %dma_wait3A_710 = tpu.memref_squeeze %dma_wait3A_709 : memref<1x50xi32, #tpu.memory_space<vmem>> -> memref<50xi32, #tpu.memory_space<vmem>>
      %dma_wait3A_711 = arith.constant 0 : i32
      %dma_wait3A_712 = arith.constant 0 : i32
      %dma_wait3A_713 = tpu.memref_slice %arg2[%dma_wait3A_711, %dma_wait3A_712] : memref<1000000x32xf32, #tpu.memory_space<hbm>> -> memref<1000000x32xf32, #tpu.memory_space<hbm>>
      %dma_wait3A_714 = tpu.memref_slice %arg8[%dma_wait3A_703] : memref<8x!tpu.dma_semaphore, #tpu.memory_space<semaphore_mem>> -> memref<1x!tpu.dma_semaphore, #tpu.memory_space<semaphore_mem>>
      %dma_wait3A_715 = tpu.memref_squeeze %dma_wait3A_714 : memref<1x!tpu.dma_semaphore, #tpu.memory_space<semaphore_mem>> -> memref<!tpu.dma_semaphore, #tpu.memory_space<semaphore_mem>>
      tpu.wait_indirect_dma semaphore(%dma_wait3A_715 : memref<!tpu.dma_semaphore, #tpu.memory_space<semaphore_mem>>) src(%dma_wait3A_713 : memref<1000000x32xf32, #tpu.memory_space<hbm>>) dst(%dma_wait3A_707 : memref<50x32xf32, #tpu.memory_space<vmem>>)
      %ge3A_716 = arith.constant 8 : i32
      %ge3A_717 = arith.cmpi sge, %add3A_701, %ge3A_716 : i32
      %convert_element_type3A_718 = arith.extui %ge3A_717 : i1 to i32
      %cond3A_719 = arith.constant 0 : i32
      %cond3A_720 = arith.cmpi ne, %convert_element_type3A_718, %cond3A_719 : i32
      scf.if %cond3A_720 {
        %sub3A = arith.constant 8 : i32
        %sub3A_755 = arith.subi %add3A_701, %sub3A : i32
        %add3A_756 = arith.addi %mul3A_2, %sub3A_755 : i32
        %dma_wait3A_757 = arith.constant 7 : i32
        %dma_wait3A_758 = arith.constant 7 : i32
        %dma_wait3A_759 = arith.constant 0 : i32
        %dma_wait3A_760 = arith.constant 0 : i32
        %dma_wait3A_761 = tpu.memref_slice %arg7[%dma_wait3A_757, %dma_wait3A_759, %dma_wait3A_760] : memref<8x50x32xbf16, #tpu.memory_space<vmem>> -> memref<1x50x32xbf16, #tpu.memory_space<vmem>>
        %dma_wait3A_762 = tpu.memref_squeeze %dma_wait3A_761 : memref<1x50x32xbf16, #tpu.memory_space<vmem>> -> memref<50x32xbf16, #tpu.memory_space<vmem>>
        %dma_wait3A_763 = arith.constant 0 : i32
        %dma_wait3A_764 = arith.constant 0 : i32
        %dma_wait3A_765 = tpu.memref_slice %arg4[%add3A_756, %dma_wait3A_763, %dma_wait3A_764] : memref<16384x50x32xbf16, #tpu.memory_space<hbm>> -> memref<1x50x32xbf16, #tpu.memory_space<hbm>>
        %dma_wait3A_766 = tpu.memref_squeeze %dma_wait3A_765 : memref<1x50x32xbf16, #tpu.memory_space<hbm>> -> memref<50x32xbf16, #tpu.memory_space<hbm>>
        %dma_wait3A_767 = tpu.memref_slice %arg9[%dma_wait3A_758] : memref<8x!tpu.dma_semaphore, #tpu.memory_space<semaphore_mem>> -> memref<1x!tpu.dma_semaphore, #tpu.memory_space<semaphore_mem>>
        %dma_wait3A_768 = tpu.memref_squeeze %dma_wait3A_767 : memref<1x!tpu.dma_semaphore, #tpu.memory_space<semaphore_mem>> -> memref<!tpu.dma_semaphore, #tpu.memory_space<semaphore_mem>>
        %dma_wait3A_769 = arith.constant 0 : i32
        %dma_wait3A_770 = arith.constant 0 : i32
        %dma_wait3A_771 = tpu.memref_slice %arg4[%add3A_756, %dma_wait3A_769, %dma_wait3A_770] : memref<16384x50x32xbf16, #tpu.memory_space<hbm>> -> memref<1x50x32xbf16, #tpu.memory_space<hbm>>
        %dma_wait3A_772 = tpu.memref_squeeze %dma_wait3A_771 : memref<1x50x32xbf16, #tpu.memory_space<hbm>> -> memref<50x32xbf16, #tpu.memory_space<hbm>>
        %dma_wait3A_773 = arith.constant 0 : i32
        %dma_wait3A_774 = arith.constant 0 : i32
        %dma_wait3A_775 = tpu.memref_slice %arg7[%dma_wait3A_757, %dma_wait3A_773, %dma_wait3A_774] : memref<8x50x32xbf16, #tpu.memory_space<vmem>> -> memref<1x50x32xbf16, #tpu.memory_space<vmem>>
        %dma_wait3A_776 = tpu.memref_squeeze %dma_wait3A_775 : memref<1x50x32xbf16, #tpu.memory_space<vmem>> -> memref<50x32xbf16, #tpu.memory_space<vmem>>
        tpu.wait_dma2 semaphore(%dma_wait3A_768 : memref<!tpu.dma_semaphore, #tpu.memory_space<semaphore_mem>>) src(%dma_wait3A_776 : memref<50x32xbf16, #tpu.memory_space<vmem>>) dst(%dma_wait3A_772 : memref<50x32xbf16, #tpu.memory_space<hbm>>)
      } else {
      }
      %parallel_loop3A_721 = arith.constant 0 : i32
      %parallel_loop3A_722 = arith.constant 50 : i32
      %parallel_loop3A_723 = arith.constant 1 : i32
      %parallel_loop3A_724 = arith.constant 7 : i32
      %parallel_loop3A_725 = arith.constant 7 : i32
      scf.for %parallel_loop3A_755 = %parallel_loop3A_721 to %parallel_loop3A_722 step %parallel_loop3A_723  : i32 {
        %parallel_loop3A_756 = arith.constant 0 : i32
        %parallel_loop3A_757 = arith.constant 0 : i32
        %parallel_loop3A_758 = tpu.memref_slice %arg6[%parallel_loop3A_724, %parallel_loop3A_756, %parallel_loop3A_757] : memref<8x50x32xf32, #tpu.memory_space<vmem>> -> memref<1x50x32xf32, #tpu.memory_space<vmem>>
        %parallel_loop3A_759 = tpu.memref_squeeze %parallel_loop3A_758 : memref<1x50x32xf32, #tpu.memory_space<vmem>> -> memref<50x32xf32, #tpu.memory_space<vmem>>
        %parallel_loop3A_760 = arith.constant 0 : i32
        %parallel_loop3A_761 = tpu.memref_slice %parallel_loop3A_759[%parallel_loop3A_755, %parallel_loop3A_760] : memref<50x32xf32, #tpu.memory_space<vmem>> -> memref<1x32xf32, #tpu.memory_space<vmem>>
        %parallel_loop3A_762 = tpu.memref_squeeze %parallel_loop3A_761 : memref<1x32xf32, #tpu.memory_space<vmem>> -> memref<32xf32, #tpu.memory_space<vmem>>
        %parallel_loop3A_763 = tpu.vector_load_idx %parallel_loop3A_762[%mul3A_5] : memref<32xf32, #tpu.memory_space<vmem>>[vector<16xi32>], vector<16xf32>,
        %parallel_loop3A_764 = vector.bitcast %parallel_loop3A_763 : vector<16xf32> to vector<16xi32>
        %parallel_loop3A_765 = arith.constant 0 : i32
        %parallel_loop3A_766 = arith.constant 0 : i32
        %parallel_loop3A_767 = tpu.memref_slice %arg6[%parallel_loop3A_724, %parallel_loop3A_765, %parallel_loop3A_766] : memref<8x50x32xf32, #tpu.memory_space<vmem>> -> memref<1x50x32xf32, #tpu.memory_space<vmem>>
        %parallel_loop3A_768 = tpu.memref_squeeze %parallel_loop3A_767 : memref<1x50x32xf32, #tpu.memory_space<vmem>> -> memref<50x32xf32, #tpu.memory_space<vmem>>
        %parallel_loop3A_769 = arith.constant 0 : i32
        %parallel_loop3A_770 = tpu.memref_slice %parallel_loop3A_768[%parallel_loop3A_755, %parallel_loop3A_769] : memref<50x32xf32, #tpu.memory_space<vmem>> -> memref<1x32xf32, #tpu.memory_space<vmem>>
        %parallel_loop3A_771 = tpu.memref_squeeze %parallel_loop3A_770 : memref<1x32xf32, #tpu.memory_space<vmem>> -> memref<32xf32, #tpu.memory_space<vmem>>
        %parallel_loop3A_772 = tpu.vector_load_idx %parallel_loop3A_771[%add3A_8] : memref<32xf32, #tpu.memory_space<vmem>>[vector<16xi32>], vector<16xf32>,
        %parallel_loop3A_773 = vector.bitcast %parallel_loop3A_772 : vector<16xf32> to vector<16xi32>
        %parallel_loop3A_774 = arith.constant 16 : i32
        %parallel_loop3A_775 = vector.broadcast %parallel_loop3A_774 : i32 to vector<16xi32>
        %parallel_loop3A_776 = arith.shrui %parallel_loop3A_764, %parallel_loop3A_775 : vector<16xi32>
        %parallel_loop3A_777 = arith.constant 1 : i32
        %parallel_loop3A_778 = vector.broadcast %parallel_loop3A_777 : i32 to vector<16xi32>
        %parallel_loop3A_779 = arith.andi %parallel_loop3A_776, %parallel_loop3A_778 : vector<16xi32>
        %parallel_loop3A_780 = arith.constant 32767 : i32
        %parallel_loop3A_781 = vector.broadcast %parallel_loop3A_780 : i32 to vector<16xi32>
        %parallel_loop3A_782 = arith.addi %parallel_loop3A_764, %parallel_loop3A_781 : vector<16xi32>
        %parallel_loop3A_783 = arith.addi %parallel_loop3A_782, %parallel_loop3A_779 : vector<16xi32>
        %parallel_loop3A_784 = arith.constant 16 : i32
        %parallel_loop3A_785 = vector.broadcast %parallel_loop3A_784 : i32 to vector<16xi32>
        %parallel_loop3A_786 = arith.shrui %parallel_loop3A_783, %parallel_loop3A_785 : vector<16xi32>
        %parallel_loop3A_787 = arith.constant 16 : i32
        %parallel_loop3A_788 = vector.broadcast %parallel_loop3A_787 : i32 to vector<16xi32>
        %parallel_loop3A_789 = arith.shrui %parallel_loop3A_773, %parallel_loop3A_788 : vector<16xi32>
        %parallel_loop3A_790 = arith.constant 1 : i32
        %parallel_loop3A_791 = vector.broadcast %parallel_loop3A_790 : i32 to vector<16xi32>
        %parallel_loop3A_792 = arith.andi %parallel_loop3A_789, %parallel_loop3A_791 : vector<16xi32>
        %parallel_loop3A_793 = arith.constant 32767 : i32
        %parallel_loop3A_794 = vector.broadcast %parallel_loop3A_793 : i32 to vector<16xi32>
        %parallel_loop3A_795 = arith.addi %parallel_loop3A_773, %parallel_loop3A_794 : vector<16xi32>
        %parallel_loop3A_796 = arith.addi %parallel_loop3A_795, %parallel_loop3A_792 : vector<16xi32>
        %parallel_loop3A_797 = arith.constant 16 : i32
        %parallel_loop3A_798 = vector.broadcast %parallel_loop3A_797 : i32 to vector<16xi32>
        %parallel_loop3A_799 = arith.shrui %parallel_loop3A_796, %parallel_loop3A_798 : vector<16xi32>
        %parallel_loop3A_800 = arith.constant 16 : i32
        %parallel_loop3A_801 = vector.broadcast %parallel_loop3A_800 : i32 to vector<16xi32>
        %parallel_loop3A_802 = arith.shli %parallel_loop3A_799, %parallel_loop3A_801 : vector<16xi32>
        %parallel_loop3A_803 = arith.ori %parallel_loop3A_786, %parallel_loop3A_802 : vector<16xi32>
        %parallel_loop3A_804 = vector.bitcast %parallel_loop3A_803 : vector<16xi32> to vector<32xbf16>
        %parallel_loop3A_805 = arith.constant 0 : i32
        %parallel_loop3A_806 = arith.constant 0 : i32
        %parallel_loop3A_807 = tpu.memref_slice %arg7[%parallel_loop3A_725, %parallel_loop3A_805, %parallel_loop3A_806] : memref<8x50x32xbf16, #tpu.memory_space<vmem>> -> memref<1x50x32xbf16, #tpu.memory_space<vmem>>
        %parallel_loop3A_808 = tpu.memref_squeeze %parallel_loop3A_807 : memref<1x50x32xbf16, #tpu.memory_space<vmem>> -> memref<50x32xbf16, #tpu.memory_space<vmem>>
        %parallel_loop3A_809 = arith.constant 0 : i32
        %parallel_loop3A_810 = tpu.memref_slice %parallel_loop3A_808[%parallel_loop3A_755, %parallel_loop3A_809] : memref<50x32xbf16, #tpu.memory_space<vmem>> -> memref<1x32xbf16, #tpu.memory_space<vmem>>
        %parallel_loop3A_811 = tpu.memref_squeeze %parallel_loop3A_810 : memref<1x32xbf16, #tpu.memory_space<vmem>> -> memref<32xbf16, #tpu.memory_space<vmem>>
        %parallel_loop3A_812 = arith.constant 0 : index
        %parallel_loop3A_813 = tpu.vector_load %parallel_loop3A_811[%parallel_loop3A_812] {strides = array<i32>} : memref<32xbf16, #tpu.memory_space<vmem>>, vector<32xbf16>,
        tpu.vector_store %parallel_loop3A_811[%parallel_loop3A_812], %parallel_loop3A_804 {strides = array<i32>} : memref<32xbf16, #tpu.memory_space<vmem>>, vector<32xbf16>,
      } {sc.loop_unroll_factor = 2 : i64, sc.parallel_access}
      %add3A_726 = arith.addi %mul3A_2, %add3A_701 : i32
      %dma_start3A_727 = arith.constant 7 : i32
      %dma_start3A_728 = arith.constant 7 : i32
      %dma_start3A_729 = arith.constant 0 : i32
      %dma_start3A_730 = arith.constant 0 : i32
      %dma_start3A_731 = tpu.memref_slice %arg7[%dma_start3A_727, %dma_start3A_729, %dma_start3A_730] : memref<8x50x32xbf16, #tpu.memory_space<vmem>> -> memref<1x50x32xbf16, #tpu.memory_space<vmem>>
      %dma_start3A_732 = tpu.memref_squeeze %dma_start3A_731 : memref<1x50x32xbf16, #tpu.memory_space<vmem>> -> memref<50x32xbf16, #tpu.memory_space<vmem>>
      %dma_start3A_733 = arith.constant 0 : i32
      %dma_start3A_734 = arith.constant 0 : i32
      %dma_start3A_735 = tpu.memref_slice %arg4[%add3A_726, %dma_start3A_733, %dma_start3A_734] : memref<16384x50x32xbf16, #tpu.memory_space<hbm>> -> memref<1x50x32xbf16, #tpu.memory_space<hbm>>
      %dma_start3A_736 = tpu.memref_squeeze %dma_start3A_735 : memref<1x50x32xbf16, #tpu.memory_space<hbm>> -> memref<50x32xbf16, #tpu.memory_space<hbm>>
      %dma_start3A_737 = tpu.memref_slice %arg9[%dma_start3A_728] : memref<8x!tpu.dma_semaphore, #tpu.memory_space<semaphore_mem>> -> memref<1x!tpu.dma_semaphore, #tpu.memory_space<semaphore_mem>>
      %dma_start3A_738 = tpu.memref_squeeze %dma_start3A_737 : memref<1x!tpu.dma_semaphore, #tpu.memory_space<semaphore_mem>> -> memref<!tpu.dma_semaphore, #tpu.memory_space<semaphore_mem>>
      %dma_start3A_739 = arith.constant 0 : i32
      %dma_start3A_740 = arith.constant 0 : i32
      %dma_start3A_741 = tpu.memref_slice %arg4[%add3A_726, %dma_start3A_739, %dma_start3A_740] : memref<16384x50x32xbf16, #tpu.memory_space<hbm>> -> memref<1x50x32xbf16, #tpu.memory_space<hbm>>
      %dma_start3A_742 = tpu.memref_squeeze %dma_start3A_741 : memref<1x50x32xbf16, #tpu.memory_space<hbm>> -> memref<50x32xbf16, #tpu.memory_space<hbm>>
      %dma_start3A_743 = arith.constant 0 : i32
      %dma_start3A_744 = arith.constant 0 : i32
      %dma_start3A_745 = tpu.memref_slice %arg7[%dma_start3A_727, %dma_start3A_743, %dma_start3A_744] : memref<8x50x32xbf16, #tpu.memory_space<vmem>> -> memref<1x50x32xbf16, #tpu.memory_space<vmem>>
      %dma_start3A_746 = tpu.memref_squeeze %dma_start3A_745 : memref<1x50x32xbf16, #tpu.memory_space<vmem>> -> memref<50x32xbf16, #tpu.memory_space<vmem>>
      tpu.enqueue_dma source(%dma_start3A_746 : memref<50x32xbf16, #tpu.memory_space<vmem>>) target(%dma_start3A_742 : memref<50x32xbf16, #tpu.memory_space<hbm>>) target_semaphore(%dma_start3A_738 : memref<!tpu.dma_semaphore, #tpu.memory_space<semaphore_mem>>)
      %add3A_747 = arith.constant 8 : i32
      %add3A_748 = arith.addi %add3A_701, %add3A_747 : i32
      %lt3A_749 = arith.constant 512 : i32
      %lt3A_750 = arith.cmpi slt, %add3A_748, %lt3A_749 : i32
      %convert_element_type3A_751 = arith.extui %lt3A_750 : i1 to i32
      %cond3A_752 = arith.constant 0 : i32
      %cond3A_753 = arith.cmpi ne, %convert_element_type3A_751, %cond3A_752 : i32
      scf.if %cond3A_753 {
        %add3A_755 = arith.constant 8 : i32
        %add3A_756 = arith.addi %add3A_701, %add3A_755 : i32
        %dma_start3A_757 = arith.constant 7 : i32
        %dma_start3A_758 = arith.constant 7 : i32
        %dma_start3A_759 = arith.constant 0 : i32
        %dma_start3A_760 = arith.constant 0 : i32
        %dma_start3A_761 = tpu.memref_slice %arg6[%dma_start3A_757, %dma_start3A_759, %dma_start3A_760] : memref<8x50x32xf32, #tpu.memory_space<vmem>> -> memref<1x50x32xf32, #tpu.memory_space<vmem>>
        %dma_start3A_762 = tpu.memref_squeeze %dma_start3A_761 : memref<1x50x32xf32, #tpu.memory_space<vmem>> -> memref<50x32xf32, #tpu.memory_space<vmem>>
        %dma_start3A_763 = arith.constant 0 : i32
        %dma_start3A_764 = tpu.memref_slice %arg5[%add3A_756, %dma_start3A_763] : memref<512x50xi32, #tpu.memory_space<vmem>> -> memref<1x50xi32, #tpu.memory_space<vmem>>
        %dma_start3A_765 = tpu.memref_squeeze %dma_start3A_764 : memref<1x50xi32, #tpu.memory_space<vmem>> -> memref<50xi32, #tpu.memory_space<vmem>>
        %dma_start3A_766 = arith.constant 0 : i32
        %dma_start3A_767 = arith.constant 0 : i32
        %dma_start3A_768 = tpu.memref_slice %arg2[%dma_start3A_766, %dma_start3A_767] : memref<1000000x32xf32, #tpu.memory_space<hbm>> -> memref<1000000x32xf32, #tpu.memory_space<hbm>>
        %dma_start3A_769 = tpu.memref_slice %arg8[%dma_start3A_758] : memref<8x!tpu.dma_semaphore, #tpu.memory_space<semaphore_mem>> -> memref<1x!tpu.dma_semaphore, #tpu.memory_space<semaphore_mem>>
        %dma_start3A_770 = tpu.memref_squeeze %dma_start3A_769 : memref<1x!tpu.dma_semaphore, #tpu.memory_space<semaphore_mem>> -> memref<!tpu.dma_semaphore, #tpu.memory_space<semaphore_mem>>
        tpu.enqueue_indirect_dma source(%dma_start3A_768 : memref<1000000x32xf32, #tpu.memory_space<hbm>>) target(%dma_start3A_762 : memref<50x32xf32, #tpu.memory_space<vmem>>) offsets(%dma_start3A_765 : memref<50xi32, #tpu.memory_space<vmem>>) semaphore(%dma_start3A_770 : memref<!tpu.dma_semaphore, #tpu.memory_space<semaphore_mem>>)
      } else {
      }
      %scan3A_754 = arith.constant 0 : i32
      scf.yield %scan3A_754 : i32
    }
    %scan3A_133 = arith.constant 64 : i32
    %add3A_134 = arith.constant 504 : i32
    %add3A_135 = arith.addi %mul3A_2, %add3A_134 : i32
    %dma_wait3A = arith.constant 0 : i32
    %dma_wait3A_136 = arith.constant 0 : i32
    %dma_wait3A_137 = arith.constant 0 : i32
    %dma_wait3A_138 = arith.constant 0 : i32
    %dma_wait3A_139 = tpu.memref_slice %arg7[%dma_wait3A, %dma_wait3A_137, %dma_wait3A_138] : memref<8x50x32xbf16, #tpu.memory_space<vmem>> -> memref<1x50x32xbf16, #tpu.memory_space<vmem>>
    %dma_wait3A_140 = tpu.memref_squeeze %dma_wait3A_139 : memref<1x50x32xbf16, #tpu.memory_space<vmem>> -> memref<50x32xbf16, #tpu.memory_space<vmem>>
    %dma_wait3A_141 = arith.constant 0 : i32
    %dma_wait3A_142 = arith.constant 0 : i32
    %dma_wait3A_143 = tpu.memref_slice %arg4[%add3A_135, %dma_wait3A_141, %dma_wait3A_142] : memref<16384x50x32xbf16, #tpu.memory_space<hbm>> -> memref<1x50x32xbf16, #tpu.memory_space<hbm>>
    %dma_wait3A_144 = tpu.memref_squeeze %dma_wait3A_143 : memref<1x50x32xbf16, #tpu.memory_space<hbm>> -> memref<50x32xbf16, #tpu.memory_space<hbm>>
    %dma_wait3A_145 = tpu.memref_slice %arg9[%dma_wait3A_136] : memref<8x!tpu.dma_semaphore, #tpu.memory_space<semaphore_mem>> -> memref<1x!tpu.dma_semaphore, #tpu.memory_space<semaphore_mem>>
    %dma_wait3A_146 = tpu.memref_squeeze %dma_wait3A_145 : memref<1x!tpu.dma_semaphore, #tpu.memory_space<semaphore_mem>> -> memref<!tpu.dma_semaphore, #tpu.memory_space<semaphore_mem>>
    %dma_wait3A_147 = arith.constant 0 : i32
    %dma_wait3A_148 = arith.constant 0 : i32
    %dma_wait3A_149 = tpu.memref_slice %arg4[%add3A_135, %dma_wait3A_147, %dma_wait3A_148] : memref<16384x50x32xbf16, #tpu.memory_space<hbm>> -> memref<1x50x32xbf16, #tpu.memory_space<hbm>>
    %dma_wait3A_150 = tpu.memref_squeeze %dma_wait3A_149 : memref<1x50x32xbf16, #tpu.memory_space<hbm>> -> memref<50x32xbf16, #tpu.memory_space<hbm>>
    %dma_wait3A_151 = arith.constant 0 : i32
    %dma_wait3A_152 = arith.constant 0 : i32
    %dma_wait3A_153 = tpu.memref_slice %arg7[%dma_wait3A, %dma_wait3A_151, %dma_wait3A_152] : memref<8x50x32xbf16, #tpu.memory_space<vmem>> -> memref<1x50x32xbf16, #tpu.memory_space<vmem>>
    %dma_wait3A_154 = tpu.memref_squeeze %dma_wait3A_153 : memref<1x50x32xbf16, #tpu.memory_space<vmem>> -> memref<50x32xbf16, #tpu.memory_space<vmem>>
    tpu.wait_dma2 semaphore(%dma_wait3A_146 : memref<!tpu.dma_semaphore, #tpu.memory_space<semaphore_mem>>) src(%dma_wait3A_154 : memref<50x32xbf16, #tpu.memory_space<vmem>>) dst(%dma_wait3A_150 : memref<50x32xbf16, #tpu.memory_space<hbm>>)
    %add3A_155 = arith.constant 505 : i32
    %add3A_156 = arith.addi %mul3A_2, %add3A_155 : i32
    %dma_wait3A_157 = arith.constant 1 : i32
    %dma_wait3A_158 = arith.constant 1 : i32
    %dma_wait3A_159 = arith.constant 0 : i32
    %dma_wait3A_160 = arith.constant 0 : i32
    %dma_wait3A_161 = tpu.memref_slice %arg7[%dma_wait3A_157, %dma_wait3A_159, %dma_wait3A_160] : memref<8x50x32xbf16, #tpu.memory_space<vmem>> -> memref<1x50x32xbf16, #tpu.memory_space<vmem>>
    %dma_wait3A_162 = tpu.memref_squeeze %dma_wait3A_161 : memref<1x50x32xbf16, #tpu.memory_space<vmem>> -> memref<50x32xbf16, #tpu.memory_space<vmem>>
    %dma_wait3A_163 = arith.constant 0 : i32
    %dma_wait3A_164 = arith.constant 0 : i32
    %dma_wait3A_165 = tpu.memref_slice %arg4[%add3A_156, %dma_wait3A_163, %dma_wait3A_164] : memref<16384x50x32xbf16, #tpu.memory_space<hbm>> -> memref<1x50x32xbf16, #tpu.memory_space<hbm>>
    %dma_wait3A_166 = tpu.memref_squeeze %dma_wait3A_165 : memref<1x50x32xbf16, #tpu.memory_space<hbm>> -> memref<50x32xbf16, #tpu.memory_space<hbm>>
    %dma_wait3A_167 = tpu.memref_slice %arg9[%dma_wait3A_158] : memref<8x!tpu.dma_semaphore, #tpu.memory_space<semaphore_mem>> -> memref<1x!tpu.dma_semaphore, #tpu.memory_space<semaphore_mem>>
    %dma_wait3A_168 = tpu.memref_squeeze %dma_wait3A_167 : memref<1x!tpu.dma_semaphore, #tpu.memory_space<semaphore_mem>> -> memref<!tpu.dma_semaphore, #tpu.memory_space<semaphore_mem>>
    %dma_wait3A_169 = arith.constant 0 : i32
    %dma_wait3A_170 = arith.constant 0 : i32
    %dma_wait3A_171 = tpu.memref_slice %arg4[%add3A_156, %dma_wait3A_169, %dma_wait3A_170] : memref<16384x50x32xbf16, #tpu.memory_space<hbm>> -> memref<1x50x32xbf16, #tpu.memory_space<hbm>>
    %dma_wait3A_172 = tpu.memref_squeeze %dma_wait3A_171 : memref<1x50x32xbf16, #tpu.memory_space<hbm>> -> memref<50x32xbf16, #tpu.memory_space<hbm>>
    %dma_wait3A_173 = arith.constant 0 : i32
    %dma_wait3A_174 = arith.constant 0 : i32
    %dma_wait3A_175 = tpu.memref_slice %arg7[%dma_wait3A_157, %dma_wait3A_173, %dma_wait3A_174] : memref<8x50x32xbf16, #tpu.memory_space<vmem>> -> memref<1x50x32xbf16, #tpu.memory_space<vmem>>
    %dma_wait3A_176 = tpu.memref_squeeze %dma_wait3A_175 : memref<1x50x32xbf16, #tpu.memory_space<vmem>> -> memref<50x32xbf16, #tpu.memory_space<vmem>>
    tpu.wait_dma2 semaphore(%dma_wait3A_168 : memref<!tpu.dma_semaphore, #tpu.memory_space<semaphore_mem>>) src(%dma_wait3A_176 : memref<50x32xbf16, #tpu.memory_space<vmem>>) dst(%dma_wait3A_172 : memref<50x32xbf16, #tpu.memory_space<hbm>>)
    %add3A_177 = arith.constant 506 : i32
    %add3A_178 = arith.addi %mul3A_2, %add3A_177 : i32
    %dma_wait3A_179 = arith.constant 2 : i32
    %dma_wait3A_180 = arith.constant 2 : i32
    %dma_wait3A_181 = arith.constant 0 : i32
    %dma_wait3A_182 = arith.constant 0 : i32
    %dma_wait3A_183 = tpu.memref_slice %arg7[%dma_wait3A_179, %dma_wait3A_181, %dma_wait3A_182] : memref<8x50x32xbf16, #tpu.memory_space<vmem>> -> memref<1x50x32xbf16, #tpu.memory_space<vmem>>
    %dma_wait3A_184 = tpu.memref_squeeze %dma_wait3A_183 : memref<1x50x32xbf16, #tpu.memory_space<vmem>> -> memref<50x32xbf16, #tpu.memory_space<vmem>>
    %dma_wait3A_185 = arith.constant 0 : i32
    %dma_wait3A_186 = arith.constant 0 : i32
    %dma_wait3A_187 = tpu.memref_slice %arg4[%add3A_178, %dma_wait3A_185, %dma_wait3A_186] : memref<16384x50x32xbf16, #tpu.memory_space<hbm>> -> memref<1x50x32xbf16, #tpu.memory_space<hbm>>
    %dma_wait3A_188 = tpu.memref_squeeze %dma_wait3A_187 : memref<1x50x32xbf16, #tpu.memory_space<hbm>> -> memref<50x32xbf16, #tpu.memory_space<hbm>>
    %dma_wait3A_189 = tpu.memref_slice %arg9[%dma_wait3A_180] : memref<8x!tpu.dma_semaphore, #tpu.memory_space<semaphore_mem>> -> memref<1x!tpu.dma_semaphore, #tpu.memory_space<semaphore_mem>>
    %dma_wait3A_190 = tpu.memref_squeeze %dma_wait3A_189 : memref<1x!tpu.dma_semaphore, #tpu.memory_space<semaphore_mem>> -> memref<!tpu.dma_semaphore, #tpu.memory_space<semaphore_mem>>
    %dma_wait3A_191 = arith.constant 0 : i32
    %dma_wait3A_192 = arith.constant 0 : i32
    %dma_wait3A_193 = tpu.memref_slice %arg4[%add3A_178, %dma_wait3A_191, %dma_wait3A_192] : memref<16384x50x32xbf16, #tpu.memory_space<hbm>> -> memref<1x50x32xbf16, #tpu.memory_space<hbm>>
    %dma_wait3A_194 = tpu.memref_squeeze %dma_wait3A_193 : memref<1x50x32xbf16, #tpu.memory_space<hbm>> -> memref<50x32xbf16, #tpu.memory_space<hbm>>
    %dma_wait3A_195 = arith.constant 0 : i32
    %dma_wait3A_196 = arith.constant 0 : i32
    %dma_wait3A_197 = tpu.memref_slice %arg7[%dma_wait3A_179, %dma_wait3A_195, %dma_wait3A_196] : memref<8x50x32xbf16, #tpu.memory_space<vmem>> -> memref<1x50x32xbf16, #tpu.memory_space<vmem>>
    %dma_wait3A_198 = tpu.memref_squeeze %dma_wait3A_197 : memref<1x50x32xbf16, #tpu.memory_space<vmem>> -> memref<50x32xbf16, #tpu.memory_space<vmem>>
    tpu.wait_dma2 semaphore(%dma_wait3A_190 : memref<!tpu.dma_semaphore, #tpu.memory_space<semaphore_mem>>) src(%dma_wait3A_198 : memref<50x32xbf16, #tpu.memory_space<vmem>>) dst(%dma_wait3A_194 : memref<50x32xbf16, #tpu.memory_space<hbm>>)
    %add3A_199 = arith.constant 507 : i32
    %add3A_200 = arith.addi %mul3A_2, %add3A_199 : i32
    %dma_wait3A_201 = arith.constant 3 : i32
    %dma_wait3A_202 = arith.constant 3 : i32
    %dma_wait3A_203 = arith.constant 0 : i32
    %dma_wait3A_204 = arith.constant 0 : i32
    %dma_wait3A_205 = tpu.memref_slice %arg7[%dma_wait3A_201, %dma_wait3A_203, %dma_wait3A_204] : memref<8x50x32xbf16, #tpu.memory_space<vmem>> -> memref<1x50x32xbf16, #tpu.memory_space<vmem>>
    %dma_wait3A_206 = tpu.memref_squeeze %dma_wait3A_205 : memref<1x50x32xbf16, #tpu.memory_space<vmem>> -> memref<50x32xbf16, #tpu.memory_space<vmem>>
    %dma_wait3A_207 = arith.constant 0 : i32
    %dma_wait3A_208 = arith.constant 0 : i32
    %dma_wait3A_209 = tpu.memref_slice %arg4[%add3A_200, %dma_wait3A_207, %dma_wait3A_208] : memref<16384x50x32xbf16, #tpu.memory_space<hbm>> -> memref<1x50x32xbf16, #tpu.memory_space<hbm>>
    %dma_wait3A_210 = tpu.memref_squeeze %dma_wait3A_209 : memref<1x50x32xbf16, #tpu.memory_space<hbm>> -> memref<50x32xbf16, #tpu.memory_space<hbm>>
    %dma_wait3A_211 = tpu.memref_slice %arg9[%dma_wait3A_202] : memref<8x!tpu.dma_semaphore, #tpu.memory_space<semaphore_mem>> -> memref<1x!tpu.dma_semaphore, #tpu.memory_space<semaphore_mem>>
    %dma_wait3A_212 = tpu.memref_squeeze %dma_wait3A_211 : memref<1x!tpu.dma_semaphore, #tpu.memory_space<semaphore_mem>> -> memref<!tpu.dma_semaphore, #tpu.memory_space<semaphore_mem>>
    %dma_wait3A_213 = arith.constant 0 : i32
    %dma_wait3A_214 = arith.constant 0 : i32
    %dma_wait3A_215 = tpu.memref_slice %arg4[%add3A_200, %dma_wait3A_213, %dma_wait3A_214] : memref<16384x50x32xbf16, #tpu.memory_space<hbm>> -> memref<1x50x32xbf16, #tpu.memory_space<hbm>>
    %dma_wait3A_216 = tpu.memref_squeeze %dma_wait3A_215 : memref<1x50x32xbf16, #tpu.memory_space<hbm>> -> memref<50x32xbf16, #tpu.memory_space<hbm>>
    %dma_wait3A_217 = arith.constant 0 : i32
    %dma_wait3A_218 = arith.constant 0 : i32
    %dma_wait3A_219 = tpu.memref_slice %arg7[%dma_wait3A_201, %dma_wait3A_217, %dma_wait3A_218] : memref<8x50x32xbf16, #tpu.memory_space<vmem>> -> memref<1x50x32xbf16, #tpu.memory_space<vmem>>
    %dma_wait3A_220 = tpu.memref_squeeze %dma_wait3A_219 : memref<1x50x32xbf16, #tpu.memory_space<vmem>> -> memref<50x32xbf16, #tpu.memory_space<vmem>>
    tpu.wait_dma2 semaphore(%dma_wait3A_212 : memref<!tpu.dma_semaphore, #tpu.memory_space<semaphore_mem>>) src(%dma_wait3A_220 : memref<50x32xbf16, #tpu.memory_space<vmem>>) dst(%dma_wait3A_216 : memref<50x32xbf16, #tpu.memory_space<hbm>>)
    %add3A_221 = arith.constant 508 : i32
    %add3A_222 = arith.addi %mul3A_2, %add3A_221 : i32
    %dma_wait3A_223 = arith.constant 4 : i32
    %dma_wait3A_224 = arith.constant 4 : i32
    %dma_wait3A_225 = arith.constant 0 : i32
    %dma_wait3A_226 = arith.constant 0 : i32
    %dma_wait3A_227 = tpu.memref_slice %arg7[%dma_wait3A_223, %dma_wait3A_225, %dma_wait3A_226] : memref<8x50x32xbf16, #tpu.memory_space<vmem>> -> memref<1x50x32xbf16, #tpu.memory_space<vmem>>
    %dma_wait3A_228 = tpu.memref_squeeze %dma_wait3A_227 : memref<1x50x32xbf16, #tpu.memory_space<vmem>> -> memref<50x32xbf16, #tpu.memory_space<vmem>>
    %dma_wait3A_229 = arith.constant 0 : i32
    %dma_wait3A_230 = arith.constant 0 : i32
    %dma_wait3A_231 = tpu.memref_slice %arg4[%add3A_222, %dma_wait3A_229, %dma_wait3A_230] : memref<16384x50x32xbf16, #tpu.memory_space<hbm>> -> memref<1x50x32xbf16, #tpu.memory_space<hbm>>
    %dma_wait3A_232 = tpu.memref_squeeze %dma_wait3A_231 : memref<1x50x32xbf16, #tpu.memory_space<hbm>> -> memref<50x32xbf16, #tpu.memory_space<hbm>>
    %dma_wait3A_233 = tpu.memref_slice %arg9[%dma_wait3A_224] : memref<8x!tpu.dma_semaphore, #tpu.memory_space<semaphore_mem>> -> memref<1x!tpu.dma_semaphore, #tpu.memory_space<semaphore_mem>>
    %dma_wait3A_234 = tpu.memref_squeeze %dma_wait3A_233 : memref<1x!tpu.dma_semaphore, #tpu.memory_space<semaphore_mem>> -> memref<!tpu.dma_semaphore, #tpu.memory_space<semaphore_mem>>
    %dma_wait3A_235 = arith.constant 0 : i32
    %dma_wait3A_236 = arith.constant 0 : i32
    %dma_wait3A_237 = tpu.memref_slice %arg4[%add3A_222, %dma_wait3A_235, %dma_wait3A_236] : memref<16384x50x32xbf16, #tpu.memory_space<hbm>> -> memref<1x50x32xbf16, #tpu.memory_space<hbm>>
    %dma_wait3A_238 = tpu.memref_squeeze %dma_wait3A_237 : memref<1x50x32xbf16, #tpu.memory_space<hbm>> -> memref<50x32xbf16, #tpu.memory_space<hbm>>
    %dma_wait3A_239 = arith.constant 0 : i32
    %dma_wait3A_240 = arith.constant 0 : i32
    %dma_wait3A_241 = tpu.memref_slice %arg7[%dma_wait3A_223, %dma_wait3A_239, %dma_wait3A_240] : memref<8x50x32xbf16, #tpu.memory_space<vmem>> -> memref<1x50x32xbf16, #tpu.memory_space<vmem>>
    %dma_wait3A_242 = tpu.memref_squeeze %dma_wait3A_241 : memref<1x50x32xbf16, #tpu.memory_space<vmem>> -> memref<50x32xbf16, #tpu.memory_space<vmem>>
    tpu.wait_dma2 semaphore(%dma_wait3A_234 : memref<!tpu.dma_semaphore, #tpu.memory_space<semaphore_mem>>) src(%dma_wait3A_242 : memref<50x32xbf16, #tpu.memory_space<vmem>>) dst(%dma_wait3A_238 : memref<50x32xbf16, #tpu.memory_space<hbm>>)
    %add3A_243 = arith.constant 509 : i32
    %add3A_244 = arith.addi %mul3A_2, %add3A_243 : i32
    %dma_wait3A_245 = arith.constant 5 : i32
    %dma_wait3A_246 = arith.constant 5 : i32
    %dma_wait3A_247 = arith.constant 0 : i32
    %dma_wait3A_248 = arith.constant 0 : i32
    %dma_wait3A_249 = tpu.memref_slice %arg7[%dma_wait3A_245, %dma_wait3A_247, %dma_wait3A_248] : memref<8x50x32xbf16, #tpu.memory_space<vmem>> -> memref<1x50x32xbf16, #tpu.memory_space<vmem>>
    %dma_wait3A_250 = tpu.memref_squeeze %dma_wait3A_249 : memref<1x50x32xbf16, #tpu.memory_space<vmem>> -> memref<50x32xbf16, #tpu.memory_space<vmem>>
    %dma_wait3A_251 = arith.constant 0 : i32
    %dma_wait3A_252 = arith.constant 0 : i32
    %dma_wait3A_253 = tpu.memref_slice %arg4[%add3A_244, %dma_wait3A_251, %dma_wait3A_252] : memref<16384x50x32xbf16, #tpu.memory_space<hbm>> -> memref<1x50x32xbf16, #tpu.memory_space<hbm>>
    %dma_wait3A_254 = tpu.memref_squeeze %dma_wait3A_253 : memref<1x50x32xbf16, #tpu.memory_space<hbm>> -> memref<50x32xbf16, #tpu.memory_space<hbm>>
    %dma_wait3A_255 = tpu.memref_slice %arg9[%dma_wait3A_246] : memref<8x!tpu.dma_semaphore, #tpu.memory_space<semaphore_mem>> -> memref<1x!tpu.dma_semaphore, #tpu.memory_space<semaphore_mem>>
    %dma_wait3A_256 = tpu.memref_squeeze %dma_wait3A_255 : memref<1x!tpu.dma_semaphore, #tpu.memory_space<semaphore_mem>> -> memref<!tpu.dma_semaphore, #tpu.memory_space<semaphore_mem>>
    %dma_wait3A_257 = arith.constant 0 : i32
    %dma_wait3A_258 = arith.constant 0 : i32
    %dma_wait3A_259 = tpu.memref_slice %arg4[%add3A_244, %dma_wait3A_257, %dma_wait3A_258] : memref<16384x50x32xbf16, #tpu.memory_space<hbm>> -> memref<1x50x32xbf16, #tpu.memory_space<hbm>>
    %dma_wait3A_260 = tpu.memref_squeeze %dma_wait3A_259 : memref<1x50x32xbf16, #tpu.memory_space<hbm>> -> memref<50x32xbf16, #tpu.memory_space<hbm>>
    %dma_wait3A_261 = arith.constant 0 : i32
    %dma_wait3A_262 = arith.constant 0 : i32
    %dma_wait3A_263 = tpu.memref_slice %arg7[%dma_wait3A_245, %dma_wait3A_261, %dma_wait3A_262] : memref<8x50x32xbf16, #tpu.memory_space<vmem>> -> memref<1x50x32xbf16, #tpu.memory_space<vmem>>
    %dma_wait3A_264 = tpu.memref_squeeze %dma_wait3A_263 : memref<1x50x32xbf16, #tpu.memory_space<vmem>> -> memref<50x32xbf16, #tpu.memory_space<vmem>>
    tpu.wait_dma2 semaphore(%dma_wait3A_256 : memref<!tpu.dma_semaphore, #tpu.memory_space<semaphore_mem>>) src(%dma_wait3A_264 : memref<50x32xbf16, #tpu.memory_space<vmem>>) dst(%dma_wait3A_260 : memref<50x32xbf16, #tpu.memory_space<hbm>>)
    %add3A_265 = arith.constant 510 : i32
    %add3A_266 = arith.addi %mul3A_2, %add3A_265 : i32
    %dma_wait3A_267 = arith.constant 6 : i32
    %dma_wait3A_268 = arith.constant 6 : i32
    %dma_wait3A_269 = arith.constant 0 : i32
    %dma_wait3A_270 = arith.constant 0 : i32
    %dma_wait3A_271 = tpu.memref_slice %arg7[%dma_wait3A_267, %dma_wait3A_269, %dma_wait3A_270] : memref<8x50x32xbf16, #tpu.memory_space<vmem>> -> memref<1x50x32xbf16, #tpu.memory_space<vmem>>
    %dma_wait3A_272 = tpu.memref_squeeze %dma_wait3A_271 : memref<1x50x32xbf16, #tpu.memory_space<vmem>> -> memref<50x32xbf16, #tpu.memory_space<vmem>>
    %dma_wait3A_273 = arith.constant 0 : i32
    %dma_wait3A_274 = arith.constant 0 : i32
    %dma_wait3A_275 = tpu.memref_slice %arg4[%add3A_266, %dma_wait3A_273, %dma_wait3A_274] : memref<16384x50x32xbf16, #tpu.memory_space<hbm>> -> memref<1x50x32xbf16, #tpu.memory_space<hbm>>
    %dma_wait3A_276 = tpu.memref_squeeze %dma_wait3A_275 : memref<1x50x32xbf16, #tpu.memory_space<hbm>> -> memref<50x32xbf16, #tpu.memory_space<hbm>>
    %dma_wait3A_277 = tpu.memref_slice %arg9[%dma_wait3A_268] : memref<8x!tpu.dma_semaphore, #tpu.memory_space<semaphore_mem>> -> memref<1x!tpu.dma_semaphore, #tpu.memory_space<semaphore_mem>>
    %dma_wait3A_278 = tpu.memref_squeeze %dma_wait3A_277 : memref<1x!tpu.dma_semaphore, #tpu.memory_space<semaphore_mem>> -> memref<!tpu.dma_semaphore, #tpu.memory_space<semaphore_mem>>
    %dma_wait3A_279 = arith.constant 0 : i32
    %dma_wait3A_280 = arith.constant 0 : i32
    %dma_wait3A_281 = tpu.memref_slice %arg4[%add3A_266, %dma_wait3A_279, %dma_wait3A_280] : memref<16384x50x32xbf16, #tpu.memory_space<hbm>> -> memref<1x50x32xbf16, #tpu.memory_space<hbm>>
    %dma_wait3A_282 = tpu.memref_squeeze %dma_wait3A_281 : memref<1x50x32xbf16, #tpu.memory_space<hbm>> -> memref<50x32xbf16, #tpu.memory_space<hbm>>
    %dma_wait3A_283 = arith.constant 0 : i32
    %dma_wait3A_284 = arith.constant 0 : i32
    %dma_wait3A_285 = tpu.memref_slice %arg7[%dma_wait3A_267, %dma_wait3A_283, %dma_wait3A_284] : memref<8x50x32xbf16, #tpu.memory_space<vmem>> -> memref<1x50x32xbf16, #tpu.memory_space<vmem>>
    %dma_wait3A_286 = tpu.memref_squeeze %dma_wait3A_285 : memref<1x50x32xbf16, #tpu.memory_space<vmem>> -> memref<50x32xbf16, #tpu.memory_space<vmem>>
    tpu.wait_dma2 semaphore(%dma_wait3A_278 : memref<!tpu.dma_semaphore, #tpu.memory_space<semaphore_mem>>) src(%dma_wait3A_286 : memref<50x32xbf16, #tpu.memory_space<vmem>>) dst(%dma_wait3A_282 : memref<50x32xbf16, #tpu.memory_space<hbm>>)
    %add3A_287 = arith.constant 511 : i32
    %add3A_288 = arith.addi %mul3A_2, %add3A_287 : i32
    %dma_wait3A_289 = arith.constant 7 : i32
    %dma_wait3A_290 = arith.constant 7 : i32
    %dma_wait3A_291 = arith.constant 0 : i32
    %dma_wait3A_292 = arith.constant 0 : i32
    %dma_wait3A_293 = tpu.memref_slice %arg7[%dma_wait3A_289, %dma_wait3A_291, %dma_wait3A_292] : memref<8x50x32xbf16, #tpu.memory_space<vmem>> -> memref<1x50x32xbf16, #tpu.memory_space<vmem>>
    %dma_wait3A_294 = tpu.memref_squeeze %dma_wait3A_293 : memref<1x50x32xbf16, #tpu.memory_space<vmem>> -> memref<50x32xbf16, #tpu.memory_space<vmem>>
    %dma_wait3A_295 = arith.constant 0 : i32
    %dma_wait3A_296 = arith.constant 0 : i32
    %dma_wait3A_297 = tpu.memref_slice %arg4[%add3A_288, %dma_wait3A_295, %dma_wait3A_296] : memref<16384x50x32xbf16, #tpu.memory_space<hbm>> -> memref<1x50x32xbf16, #tpu.memory_space<hbm>>
    %dma_wait3A_298 = tpu.memref_squeeze %dma_wait3A_297 : memref<1x50x32xbf16, #tpu.memory_space<hbm>> -> memref<50x32xbf16, #tpu.memory_space<hbm>>
    %dma_wait3A_299 = tpu.memref_slice %arg9[%dma_wait3A_290] : memref<8x!tpu.dma_semaphore, #tpu.memory_space<semaphore_mem>> -> memref<1x!tpu.dma_semaphore, #tpu.memory_space<semaphore_mem>>
    %dma_wait3A_300 = tpu.memref_squeeze %dma_wait3A_299 : memref<1x!tpu.dma_semaphore, #tpu.memory_space<semaphore_mem>> -> memref<!tpu.dma_semaphore, #tpu.memory_space<semaphore_mem>>
    %dma_wait3A_301 = arith.constant 0 : i32
    %dma_wait3A_302 = arith.constant 0 : i32
    %dma_wait3A_303 = tpu.memref_slice %arg4[%add3A_288, %dma_wait3A_301, %dma_wait3A_302] : memref<16384x50x32xbf16, #tpu.memory_space<hbm>> -> memref<1x50x32xbf16, #tpu.memory_space<hbm>>
    %dma_wait3A_304 = tpu.memref_squeeze %dma_wait3A_303 : memref<1x50x32xbf16, #tpu.memory_space<hbm>> -> memref<50x32xbf16, #tpu.memory_space<hbm>>
    %dma_wait3A_305 = arith.constant 0 : i32
    %dma_wait3A_306 = arith.constant 0 : i32
    %dma_wait3A_307 = tpu.memref_slice %arg7[%dma_wait3A_289, %dma_wait3A_305, %dma_wait3A_306] : memref<8x50x32xbf16, #tpu.memory_space<vmem>> -> memref<1x50x32xbf16, #tpu.memory_space<vmem>>
    %dma_wait3A_308 = tpu.memref_squeeze %dma_wait3A_307 : memref<1x50x32xbf16, #tpu.memory_space<vmem>> -> memref<50x32xbf16, #tpu.memory_space<vmem>>
    tpu.wait_dma2 semaphore(%dma_wait3A_300 : memref<!tpu.dma_semaphore, #tpu.memory_space<semaphore_mem>>) src(%dma_wait3A_308 : memref<50x32xbf16, #tpu.memory_space<vmem>>) dst(%dma_wait3A_304 : memref<50x32xbf16, #tpu.memory_space<hbm>>)
    return
  }
}

</mosaic_0001>

<sc_bundles>
// kernel: kernel.3.cloned.1.call-start
scs
__scs_entry_jumppad:
0x0: {  	(pc) =	sbr.rel $0x88, $3  }
0x1: {  	(tag) =	ssettag $0x0;
	lr =	simm.s32 $0x1  }
0x2: {  	[smem:$0x3F9F] =	sst lr;
	_ =	strace $0xD0000000  }
0x3: {  	_ = 	snop  }
0x4: {  	_ = 	snop  }
0x5: {  	_ = 	snop  }
0x6: {  	_ = 	snop  }
0x7: {  	_ = 	snop  }
__scs_overlays_trampoline_lowered:
0x8: {  	[smem:$0x3FAE] =	sst s0  }
0x9: {  	[smem:$0x3FAF] =	sst s1  }
0xa: {  	[smem:$0x3FB0] =	sst s2  }
0xb: {  	[smem:$0x3FB1] =	sst s3  }
0xc: {  	[smem:$0x3FB2] =	sst s4  }
0xd: {  	[smem:$0x3FB3] =	sst s5  }
0xe: {  	[smem:$0x3FB4] =	sst s6  }
0xf: {  	[smem:$0x3FB5] =	sst s7  }
0x10: {  	[smem:$0x3FB6] =	sst s8  }
0x11: {  	[smem:$0x3FB7] =	sst s9;
	s0 =	simm.s32 @!p0 $0x0  }
0x12: {  	s1 =	sld [smem:$0x3F9D];
	s0 =	simm.s32 @p0 $0x1  }
0x13: {  	[smem:$0x3FB8] =	sst s0;
	s0 =	simm.s32 @!p1 $0x0  }
0x14: {  	s2 =	sld [smem:$0x3F9C];
	s0 =	simm.s32 @p1 $0x1  }
0x15: {  	[smem:$0x3FB9] =	sst s0;
	s0 =	simm.s32 @!p2 $0x0  }
0x16: {  	s3 =	sld [smem:$0x3FDB];
	s0 =	simm.s32 @p2 $0x1  }
0x17: {  	s4 =	simm.s32 $0x1BF5;
	[smem:$0x3FBB] =	sst s0  }
0x18: {  	s0 =	sld [smem:$0x3F9E];
	_ =	swait.ge [sflag:s4], $0x0  }
0x19: {  	s7 =	sld [smem:$0x3F9F]  }
0x1a: {  	s8 =	sadd.s32 $0xFFFFE003, lr  }
0x1b: {  	s9 =	sadd.s32 $0xFFFFFEF7, lr;
	s5 =	simm.s32 $0xFFFFFFFF;
	p2 =	slt.u32 s8, $0xFFFFF086  }
0x1c: {  	p1 =	slt.u32 s9, $0xF7A;
	s5 =	simm.s32 @!p2 $0x0  }
0x1d: {  	s5 =	simm.s32 @p1 $0x1;
	p0 =	seq.s32 s7, s2  }
0x1e: {  	s7 =	smul.u32 @!p0 $0xF7A, s2;
	p2 =	seq.s32 @!p0 s5, $0x0  }
0x1f: {  	s9 =	smul.u32 $0xF7A, s1;
	s8 =	simm.s32 @!p0 $0x1BF5;
	p2 =	por !p2, p0  }
0x20: {  	[sflag:s8] =	ssyncset.s32 @!p0 $0xFFFFF086;
	s6 =	sadd.s32 @!p0 s3, s7;
	s7 =	simm.s32 @!p0 $0x108  }
0x21: {  	s3 =	sadd.s32 s3, s9;
	s6 =	sadd.s32 @!p0 $0x88, s6;
	s7 =	simm.s32 @p2 $0x1082  }
0x22: {  	[simem:s7], [sflag:s8] =	dma.local @!p0 [hbm:s6], $0xF7A  }
0x23: {  	s9 =	sor.u32 $0xD0000000, s2;
	s6 =	simm.s32 $0x108;
	_ =	swait.ge @!p0 [sflag:s8], $0x0  }
0x24: {  	s3 =	sadd.s32 $0x88, s3;
	s6 =	simm.s32 @!p1 $0x1082;
	[sflag:s4] =	ssyncset.s32 $0xFFFFF086  }
0x25: {  	[simem:s6], [sflag:s4] =	dma.local [hbm:s3], $0xF7A  }
0x26: {  	[smem:$0x3F9F] =	sst s1;
	(tag) =	ssettag s2;
	_ =	strace s9  }
0x27: {  	s1 =	sld [smem:$0x3FAF]  }
0x28: {  	s2 =	sld [smem:$0x3FB0]  }
0x29: {  	s4 =	sld [smem:$0x3FB2]  }
0x2a: {  	p0 =	seq.s32 s5, $0x0;
	s5 =	sld [smem:$0x3FB3]  }
0x2b: {  	s6 =	sld [smem:$0x3FB4]  }
0x2c: {  	s7 =	sld [smem:$0x3FB5]  }
0x2d: {  	s3 =	simm.s32 $0x108;
	s8 =	sld [smem:$0x3FB6]  }
0x2e: {  	s3 =	simm.s32 @!p0 $0x1082;
	s9 =	sld [smem:$0x3FB7]  }
0x2f: {  	lr =	sadd.s32 s0, s3;
	s0 =	sld [smem:$0x3FAE]  }
0x30: {  	s3 =	sld [smem:$0x3FB1]  }
0x31: {  	[smem:$0x3FBA] =	sst s10  }
0x32: {  	s10 =	sld [smem:$0x3FB8];
	_ =	sdelay $0x3  }
0x33: {  	p0 =	seq.s32 s10, $0x1;
	s10 =	sld [smem:$0x3FBA];
	_ =	sdelay $0x3  }
0x34: {  	[smem:$0x3FBA] =	sst s10  }
0x35: {  	s10 =	sld [smem:$0x3FB9];
	_ =	sdelay $0x3  }
0x36: {  	p1 =	seq.s32 s10, $0x1;
	s10 =	sld [smem:$0x3FBA];
	_ =	sdelay $0x3  }
0x37: {  	[smem:$0x3FBA] =	sst s10  }
0x38: {  	s10 =	sld [smem:$0x3FBB]  }
0x39: {  	_ = 	snop;
	(pc) =	sbr.ind lr, $3  }
0x3a: {  	_ = 	snop  }
0x3b: {  	_ = 	snop  }
0x3c: {  	p2 =	seq.s32 s10, $0x1;
	s10 =	sld [smem:$0x3FBA]  }
0x3d: {  	_ =	shalt  }
0x3e: {  	_ =	shalt  }
0x3f: {  	_ =	shalt  }
0x40: {  	_ =	shalt  }
0x41: {  	_ =	shalt  }
0x42: {  	_ =	shalt  }
0x43: {  	_ =	shalt  }
0x44: {  	_ =	shalt  }
0x45: {  	_ =	shalt  }
0x46: {  	_ =	shalt  }
0x47: {  	_ =	shalt  }
0x48: {  	_ =	shalt  }
0x49: {  	_ =	shalt  }
0x4a: {  	_ =	shalt  }
0x4b: {  	_ =	shalt  }
0x4c: {  	_ =	shalt  }
0x4d: {  	_ =	shalt  }
0x4e: {  	_ =	shalt  }
0x4f: {  	_ =	shalt  }
0x50: {  	_ =	shalt  }
0x51: {  	_ =	shalt  }
0x52: {  	_ =	shalt  }
0x53: {  	_ =	shalt  }
0x54: {  	_ =	shalt  }
0x55: {  	_ =	shalt  }
0x56: {  	_ =	shalt  }
0x57: {  	_ =	shalt  }
0x58: {  	_ =	shalt  }
0x59: {  	_ =	shalt  }
0x5a: {  	_ =	shalt  }
0x5b: {  	_ =	shalt  }
0x5c: {  	_ =	shalt  }
0x5d: {  	_ =	shalt  }
0x5e: {  	_ =	shalt  }
0x5f: {  	_ =	shalt  }
0x60: {  	_ =	shalt  }
0x61: {  	_ =	shalt  }
0x62: {  	_ =	shalt  }
0x63: {  	_ =	shalt  }
0x64: {  	_ =	shalt  }
0x65: {  	_ =	shalt  }
0x66: {  	_ =	shalt  }
0x67: {  	_ =	shalt  }
0x68: {  	_ =	shalt  }
0x69: {  	_ =	shalt  }
0x6a: {  	_ =	shalt  }
0x6b: {  	_ =	shalt  }
0x6c: {  	_ =	shalt  }
0x6d: {  	_ =	shalt  }
0x6e: {  	_ =	shalt  }
0x6f: {  	_ =	shalt  }
0x70: {  	_ =	shalt  }
0x71: {  	_ =	shalt  }
0x72: {  	_ =	shalt  }
0x73: {  	_ =	shalt  }
0x74: {  	_ =	shalt  }
0x75: {  	_ =	shalt  }
0x76: {  	_ =	shalt  }
0x77: {  	_ =	shalt  }
0x78: {  	_ =	shalt  }
0x79: {  	_ =	shalt  }
0x7a: {  	_ =	shalt  }
0x7b: {  	_ =	shalt  }
0x7c: {  	_ =	shalt  }
0x7d: {  	_ =	shalt  }
0x7e: {  	_ =	shalt  }
0x7f: {  	_ =	shalt  }
0x80: {  	_ =	shalt  }
0x81: {  	_ =	shalt  }
0x82: {  	_ =	shalt  }
0x83: {  	_ =	shalt  }
0x84: {  	_ =	shalt  }
0x85: {  	_ =	shalt  }
0x86: {  	_ =	shalt  }
0x87: {  	_ =	shalt  }
.Lfunc_end0:
.L_simem_size_0:
called_computation.1_lowered:
.L_overlay_start_0:
0x88: {  	s2 =	sld [smem:$0x3FD9]  }
0x89: {  	s3 =	sld [smem:$0x3FFE];
	_ =	sdelay $0x1  }
0x8a: {  	s1 =	srdreg.scid  }
0x8b: {  	s0 =	sand.u32 $0x1, s1  }
0x8c: {  	s17 =	sshll.u32 s0, $0xA;
	s2 =	sadd.s32 s3, s2  }
0x8d: {  	s2 =	sadd.s32 s2, s17  }
0x8e: {  	[smem:$0x3FC6] =	sst s2  }
0x8f: {  	_ = 	snop  }
0x90: {  	s2 =	sld [smem:$0x3FD0];
	(tm) =	ssettm $0x1  }
0x91: {  	s18 =	sld [smem:$0x3FFB];
	_ =	sdelay $0x3  }
0x92: {  	_ =	strace s18  }
0x93: {  	s3 =	sld [smem:$0x3FFC];
	_ =	sdelay $0x3  }
0x94: {  	_ =	strace s3  }
0x95: {  	s3 =	sld [smem:$0x3FFD];
	_ =	sdelay $0x3  }
0x96: {  	_ =	strace s3  }
0x97: {  	_ =	strace $0x8FFFFFFF  }
0x98: {  	s19 =	sld [smem:$0x3FDB];
	_ =	sdelay $0x1  }
0x99: {  	s4 =	simm.s32 $_scs_section_size  }
0x9a: {  	s5 =	simm.s32 $_size__tile_overlayer_lowered;
	s6 =	simm.s32 $_tile_overlayer_lowered  }
0x9b: {  	s22 =	simm.s32 $0x1BFF;
	s21 =	sshll.u32 s6, $0x1;
	s3 =	sadd.s32 s4, s19  }
0x9c: {  	s7 =	simm.s32 $0x0;
	s20 =	sshll.u32 s5, $0x1;
	s5 =	sadd.s32 s21, s3  }
0x9d: {  	[timem:s7], [sflag:s22] =	dma.local [hbm:s5], s20  }
0x9e: {  	_ =	swait.ge [sflag:s22], s20  }
0x9f: {  	s4 =	ssub.s32 $0x0, s20;
	[sflag:s22] =	ssyncset.done $0x0  }
0xa0: {  	[sflag:s22] =	ssyncadd.s32 s4;
	_ =	sdelay $0x1  }
0xa1: {  	s23 =	simm.s32 $0x1B8B  }
0xa2: {  	_ =	swait.ge [sflag:s23], $0x1  }
0xa3: {  	[sflag:s23] =	ssyncset.done $0x0  }
0xa4: {  	s25 =	simm.s32 $0x1B8E;
	s24 =	sld [smem:$0x3FFE];
	[sflag:s23] =	ssyncadd.s32 $0xFFFFFFFF  }
0xa5: {  	s26 =	simm.s32 $execute0_lowered;
	[smem:$0x3FD2] =	sst s25  }
0xa6: {  	s5 =	sshll.u32 s26, $0x1;
	_ =	strace $0x80000046;
	[dreg:$0x1] =	wrdreg $0xFFFFFFFF  }
0xa7: {  	s28 =	simm.s32 $_size_execute0_lowered;
	s3 =	sadd.s32 s3, s5;
	[dreg:$0x0] =	wrdreg $0x0  }
0xa8: {  	s5 =	sshll.u32 s28, $0x1;
	[dreg:$0x2] =	wrdreg s3  }
0xa9: {  	[dreg:$0x3] =	wrdreg s5  }
0xaa: {  	[dreg:$0x4] =	wrdreg $0xC0  }
0xab: {  	_ =	task [dreg:s7], $0x5FFFF  }
0xac: {  	[dreg:$0x1] =	wrdreg $0xFFFFFFFF  }
0xad: {  	[dreg:$0x0] =	wrdreg $0x60  }
0xae: {  	[dreg:$0x2] =	wrdreg s24  }
0xaf: {  	[dreg:$0x3] =	wrdreg s2  }
0xb0: {  	[dreg:$0x4] =	wrdreg $0x9  }
0xb1: {  	_ =	task.clear_ibuf [dreg:s7], $0x5FFFF;
	_ =	strace $0x90000046  }
0xb2: {  	s29 =	simm.s32 $0x9;
	_ =	strace $0x80000048  }
0xb3: {  	_ =	swait.ge [sflag:s29], $0x1  }
0xb4: {  	[sflag:s29] =	ssyncadd.s32 $0xFFFFFFFF  }
0xb5: {  	_ =	strace $0x90000048  }
0xb6: {  	_ =	sfence  }
0xb7: {  	s30 =	sld [smem:$0x0];
	_ =	sdelay $0x2  }
0xb8: {  	s31 =	sshll.u32 s1, $0xD;
	s1 =	sshrl.u32 s1, $0x2  }
0xb9: {  	s3 =	sand.u32 $0x4000, s31;
	s1 =	sadd.s32 s1, s30  }
0xba: {  	s0 =	sor.u32 s3, s0;
	s1 =	sshll.u32 s1, $0x11  }
0xbb: {  	s0 =	sor.u32 s1, s0  }
0xbc: {  	s0 =	sadd.s32 $0x8F2B, s0  }
0xbd: {  	[sflag:s0] =	ssyncadd.remote.s32 $0x1  }
0xbe: {  	_ =	sfence.sel $0xFFFF  }
0xbf: {  	[dreg:$0x0] =	wrdreg $0xFFFFFFFF;
	(pc) =	sbr.abs _section_cstart, $3  }
0xc0: {  	[dreg:$0x1] =	wrdreg $0xFFFFFFFF  }
0xc1: {  	_ =	task.clear_ibuf [dreg:s7], $0x2FFFF;
	_ =	strace $0x9FFFFFFF  }
0xc2: {  	(tm) =	ssettm $0x7FFFFFFF  }
0xc3: {  	_ =	shalt  }
tec
execute0_lowered:
.L_overlay_start_1:
0x0: {  	(tag) =	ssettag $0x1  }
0x1: {  	s0 =	rddreg [dreg:$0x0]  }
0x2: {  	s1 =	srdreg.scid;
	s6 =	rddreg [dreg:$0x1]  }
0x3: {  	s2 =	stileid.u32;
	s9 =	simm.s32 $0x32;
	s24 =	simm.s32 $0x9BC0  }
0x4: {  	s28 =	simm.s32 $0x2;
	s29 =	simm.s32 $0xA520;
	s30 =	simm.s32 $0x3  }
0x5: {  	s31 =	simm.s32 $0xA840;
	s10 =	simm.s32 $0x5;
	s11 =	simm.s32 $0xAE80  }
0x6: {  	s12 =	simm.s32 $0x6;
	s13 =	simm.s32 $0xB1A0;
	s14 =	simm.s32 $0x7  }
0x7: {  	s15 =	simm.s32 $0xB4C0;
	s16 =	simm.s32 $0x8;
	s17 =	simm.s32 $0xB7E0  }
0x8: {  	s1 =	sand.u32 $0x1, s1;
	s3 =	sshll.u32 s2, $0xA;
	s2 =	simm.s32 $0x0  }
0x9: {  	v0 =	vlaneseq.u32;
	s8 =	simm.s32 $0x0;
	s4 =	sshll.u32 s1, $0x9;
	[smem:$0x7FF] =	sst s2  }
0xa: {  	v0 =	vmul.u32 $0x2, v0;
	s1 =	ssub.s32 $0x2, s1;
	s3 =	sor.u32 s4, s3;
	_ =	strace $0x80000047  }
.Ltmp0:
0xb: {  	s5 =	sshrl.u32 s1, $0x1;
	s4 =	sadd.s32 $0xF42E00, s0;
	(pc) =	sbr.rel .LBB2_1-.Ltmp0, $4  }
0xc: {  	v1 =	vor.u32 $0x1, v0;
	s7 =	smul.u32 $0x7, s3;
	s1 =	ssub.s32 s1, s5;
	s5 =	sadd.s32 $0xA00, s0  }
0xd: {  	s0 =	simm.s32 $0x4;
	s26 =	smax.u32 s1, $0x1;
	s1 =	simm.s32 $0xAB60  }
0xe: {  	s25 =	sadd.s32 s6, s7;
	[dreg:$0x4] =	wrdreg s26;
	s26 =	simm.s32 $0xA200  }
0xf: {  	s7 =	simm.s32 $0x10;
	[dreg:$0x3] =	wrdreg s25;
	s25 =	simm.s32 $0x1  }
.LBB2_20:
0x10: {  	s6 =	simm.s32 $0x9  }
0x11: {  	_ =	swait.ge [sflag:s6], $0x320  }
0x12: {  	[sflag:s6] =	ssyncset.done $0x0  }
0x13: {  	s23 =	simm.s32 $0xA;
	[sflag:s6] =	ssyncadd.s32 $0xFFFFFCE0  }
0x14: {  	_ =	swait.ge [sflag:s23], $0x320  }
0x15: {  	[sflag:s23] =	ssyncset.done $0x0  }
0x16: {  	s18 =	simm.s32 $0xB;
	[sflag:s23] =	ssyncadd.s32 $0xFFFFFCE0  }
0x17: {  	_ =	swait.ge [sflag:s18], $0x320  }
0x18: {  	[sflag:s18] =	ssyncset.done $0x0  }
0x19: {  	s19 =	simm.s32 $0xC;
	[sflag:s18] =	ssyncadd.s32 $0xFFFFFCE0  }
0x1a: {  	_ =	swait.ge [sflag:s19], $0x320  }
0x1b: {  	[sflag:s19] =	ssyncset.done $0x0  }
0x1c: {  	s20 =	simm.s32 $0xD;
	[sflag:s19] =	ssyncadd.s32 $0xFFFFFCE0  }
0x1d: {  	_ =	swait.ge [sflag:s20], $0x320  }
0x1e: {  	[sflag:s20] =	ssyncset.done $0x0  }
0x1f: {  	s21 =	simm.s32 $0xE;
	[sflag:s20] =	ssyncadd.s32 $0xFFFFFCE0  }
0x20: {  	_ =	swait.ge [sflag:s21], $0x320  }
0x21: {  	[sflag:s21] =	ssyncset.done $0x0  }
0x22: {  	s22 =	simm.s32 $0xF;
	[sflag:s21] =	ssyncadd.s32 $0xFFFFFCE0  }
0x23: {  	_ =	swait.ge [sflag:s22], $0x320  }
0x24: {  	[sflag:s22] =	ssyncset.done $0x0  }
0x25: {  	[sflag:s22] =	ssyncadd.s32 $0xFFFFFCE0  }
0x26: {  	_ =	swait.ge [sflag:s7], $0x320  }
0x27: {  	s8 =	sadd.s32 $0x1, s8;
	s23 =	rddreg [dreg:$0x4]  }
0x28: {  	p0 =	sne.s32 s8, s23  }
.Ltmp1:
0x29: {  	_ = 	snop;
	(pc) =	sbr.rel @!p0 .LBB2_21-.Ltmp1, $3  }
0x2a: {  	_ =	sdelay $0x1  }
0x2b: {  	[sflag:s7] =	ssyncset.done $0x0  }
0x2c: {  	[sflag:s7] =	ssyncadd.s32 $0xFFFFFCE0  }
.LBB2_1:
0x2d: {  	s6 =	rddreg [dreg:$0x3];
	s21 =	simm.s32 $0x11  }
0x2e: {  	[tilespmem:s2], [sflag:$0x11] =	stream.linear.gather [hbm4b:s6+s2], $0x7000, $0x38;
	[tilespmem:$0xBB00] =	vst v63  }
0x2f: {  	_ =	swait.ge [sflag:s21], $0x7000  }
0x30: {  	[sflag:s21] =	ssyncset.done $0x0  }
0x31: {  	s22 =	simm.s32 $0x7000;
	[sflag:s21] =	ssyncadd.s32 $0xFFFF9000  }
0x32: {  	[tilespmem:s22], [sflag:$0x1] =	stream.indirect.gather [hbm4b:s4+s9], $0x20, s2, s9, $0xb8;
	[tilespmem:$0xBB00] =	vst v63  }
0x33: {  	s23 =	simm.s32 $0x38;
	s18 =	simm.s32 $0x7640  }
0x34: {  	[tilespmem:s18], [sflag:$0x2] =	stream.indirect.gather [hbm4b:s4+s9], $0x20, s23, s9, $0xb8;
	[tilespmem:$0xBB00] =	vst v63  }
0x35: {  	s19 =	simm.s32 $0x7C80;
	s18 =	simm.s32 $0x70  }
0x36: {  	[tilespmem:s19], [sflag:$0x3] =	stream.indirect.gather [hbm4b:s4+s9], $0x20, s18, s9, $0xb8;
	[tilespmem:$0xBB00] =	vst v63  }
0x37: {  	s20 =	simm.s32 $0xA8;
	s21 =	simm.s32 $0x82C0  }
0x38: {  	[tilespmem:s21], [sflag:$0x4] =	stream.indirect.gather [hbm4b:s4+s9], $0x20, s20, s9, $0xb8;
	[tilespmem:$0xBB00] =	vst v63  }
0x39: {  	s22 =	simm.s32 $0xE0;
	s23 =	simm.s32 $0x8900  }
0x3a: {  	[tilespmem:s23], [sflag:$0x5] =	stream.indirect.gather [hbm4b:s4+s9], $0x20, s22, s9, $0xb8;
	[tilespmem:$0xBB00] =	vst v63  }
0x3b: {  	s19 =	simm.s32 $0x118;
	s20 =	simm.s32 $0x8F40  }
0x3c: {  	[tilespmem:s20], [sflag:$0x6] =	stream.indirect.gather [hbm4b:s4+s9], $0x20, s19, s9, $0xb8;
	[tilespmem:$0xBB00] =	vst v63  }
0x3d: {  	s21 =	simm.s32 $0x150;
	s22 =	simm.s32 $0x9580  }
0x3e: {  	[tilespmem:s22], [sflag:$0x7] =	stream.indirect.gather [hbm4b:s4+s9], $0x20, s21, s9, $0xb8;
	[tilespmem:$0xBB00] =	vst v63  }
0x3f: {  	s18 =	simm.s32 $0x0;
	s23 =	simm.s32 $0x188  }
0x40: {  	[tilespmem:s24], [sflag:$0x8] =	stream.indirect.gather [hbm4b:s4+s9], $0x20, s23, s9, $0xb8;
	[tilespmem:$0xBB00] =	vst v63  }
.LBB2_2:
0x41: {  	_ =	swait.ge [sflag:s25], $0x640  }
0x42: {  	p0 =	seq.s32 s18, $0x0;
	[sflag:s25] =	ssyncset.done $0x0  }
0x43: {  	s6 =	simm.s32 @!p0 $0x9;
	[sflag:s25] =	ssyncadd.s32 $0xFFFFF9C0  }
0x44: {  	_ =	swait.ge @!p0 [sflag:s6], $0x320  }
0x45: {  	[sflag:s6] =	ssyncset.done @!p0 $0x0  }
0x46: {  	s22 =	simm.s32 $0x7020;
	[sflag:s6] =	ssyncadd.s32 @!p0 $0xFFFFFCE0  }
0x47: {  	v3 =	vld.idx.msk [tilespmem:v0+s22+$0x0], $0xffff  }
0x48: {  	v4 =	vld.idx.msk [tilespmem:v1+s22+$0x0], $0xffff  }
0x49: {  	v6 =	vld.idx.msk [tilespmem:v1+s22+$0xFFFFFFE0], $0xffff  }
0x4a: {  	v7 =	vld.idx.msk [tilespmem:v0+s22+$0xFFFFFFE0], $0xffff;
	_ =	sdelay $0x2  }
0x4b: {  	v2 =	vshrl.u32 v3, $0x10  }
0x4c: {  	v8 =	vshrl.u32 v4, $0x10;
	v9 =	vshrl.u32 v6, $0x10;
	v10 =	vand.u32 $0x1, v2  }
0x4d: {  	s23 =	simm.s32 $0x7060;
	v11 =	vshrl.u32 v7, $0x10;
	v8 =	vand.u32 $0x1, v8;
	v3 =	vadd.s32 v10, v3  }
0x4e: {  	v5 =	vld.idx.msk [tilespmem:v0+s23+$0x0], $0xffff;
	v4 =	vadd.s32 v8, v4;
	v8 =	vand.u32 $0x1, v11;
	v3 =	vadd.s32 $0x7FFF, v3  }
0x4f: {  	v2 =	vld.idx.msk [tilespmem:v1+s23+$0x0], $0xffff;
	v4 =	vadd.s32 $0x7FFF, v4;
	v10 =	vshrl.u32 v3, $0x10;
	v3 =	vadd.s32 v8, v7  }
0x50: {  	v9 =	vand.u32 $0x1, v9;
	v4 =	vand.u32 $0xFFFF0000, v4;
	v7 =	vadd.s32 $0x7FFF, v3;
	v3 =	vld.idx.msk [tilespmem:v1+s23+$0xFFFFFFE0], $0xffff  }
0x51: {  	v6 =	vadd.s32 v9, v6;
	v8 =	vor.u32 v10, v4;
	v4 =	vld.idx.msk [tilespmem:v0+s23+$0xFFFFFFE0], $0xffff  }
0x52: {  	v6 =	vadd.s32 $0x7FFF, v6  }
0x53: {  	s20 =	simm.s32 $0xA210;
	v6 =	vand.u32 $0xFFFF0000, v6;
	v9 =	vshrl.u32 v7, $0x10  }
0x54: {  	s19 =	sshll.u32 s18, $0x3;
	s21 =	simm.s32 $0x2;
	s22 =	simm.s32 $0x70A0;
	[tilespmem:s20+$0x0] =	vst v8;
	v7 =	vshrl.u32 v5, $0x10;
	v8 =	vshrl.u32 v2, $0x10;
	v6 =	vor.u32 v9, v6  }
.LBB2_3:
0x55: {  	v9 =	vld.idx.msk [tilespmem:v0+s22+$0x0], $0xffff;
	v10 =	vshrl.u32 v3, $0x10;
	v7 =	vand.u32 $0x1, v7;
	v12 =	vand.u32 $0x1, v8;
	[tilespmem:s20+$0xFFFFFFF0] =	vst v6;
	v6 =	vmovc v3  }
0x56: {  	s21 =	sadd.s32 $0x2, s21;
	v11 =	vshrl.u32 v4, $0x10;
	v8 =	vmovc v4;
	v5 =	vadd.s32 v7, v5;
	v7 =	vadd.s32 v12, v2;
	v2 =	vld.idx.msk [tilespmem:v1+s22+$0x0], $0xffff  }
0x57: {  	p1 =	slt.u32 s21, $0x30;
	v11 =	vand.u32 $0x1, v11;
	v3 =	vld.idx.msk [tilespmem:v1+s22+$0xFFFFFFE0], $0xffff;
	v5 =	vadd.s32 $0x7FFF, v5;
	v7 =	vadd.s32 $0x7FFF, v7  }
.Ltmp2:
0x58: {  	v10 =	vand.u32 $0x1, v10;
	v4 =	vld.idx.msk [tilespmem:v0+s22+$0xFFFFFFE0], $0xffff;
	v5 =	vshrl.u32 v5, $0x10;
	v7 =	vand.u32 $0xFFFF0000, v7;
	(pc) =	sbr.rel @p1 .LBB2_3-.Ltmp2, $4  }
0x59: {  	s20 =	sadd.s32 $0x20, s20;
	v8 =	vadd.s32 v11, v8;
	v6 =	vadd.s32 v10, v6;
	v11 =	vor.u32 v5, v7  }
0x5a: {  	v6 =	vadd.s32 $0x7FFF, v6;
	v7 =	vadd.s32 $0x7FFF, v8;
	[tilespmem:s20+$0x0] =	vst v11  }
0x5b: {  	v6 =	vand.u32 $0xFFFF0000, v6;
	v10 =	vshrl.u32 v7, $0x10;
	v5 =	vmov v9  }
0x5c: {  	s22 =	sadd.s32 $0x40, s22;
	v8 =	vshrl.u32 v2, $0x10;
	v6 =	vor.u32 v10, v6;
	v7 =	vshrl.u32 v5, $0x10  }
0x5d: {  	v9 =	vshrl.u32 v3, $0x10  }
0x5e: {  	v7 =	vand.u32 $0x1, v7;
	v8 =	vand.u32 $0x1, v8;
	v10 =	vshrl.u32 v4, $0x10  }
0x5f: {  	v5 =	vadd.s32 v7, v5;
	v2 =	vadd.s32 v8, v2;
	v7 =	vand.u32 $0x1, v10  }
0x60: {  	v8 =	vand.u32 $0x1, v9;
	v5 =	vadd.s32 $0x7FFF, v5;
	v2 =	vadd.s32 $0x7FFF, v2  }
0x61: {  	s6 =	sadd.s32 s3, s19;
	v4 =	vadd.s32 v7, v4;
	v3 =	vadd.s32 v8, v3;
	v5 =	vshrl.u32 v5, $0x10  }
0x62: {  	p1 =	seq.s32 s18, $0x3F;
	s6 =	smul.u32 $0x64, s6;
	v2 =	vand.u32 $0xFFFF0000, v2;
	v4 =	vadd.s32 $0x7FFF, v4;
	v3 =	vadd.s32 $0x7FFF, v3  }
0x63: {  	[tilespmem:s20+$0xFFFFFFF0] =	vst v6;
	s22 =	sadd.s32 $0x20, s20;
	s20 =	smul.u32 @!p1 $0x700, s18;
	v2 =	vor.u32 v5, v2;
	v4 =	vshrl.u32 v4, $0x10;
	v3 =	vand.u32 $0xFFFF0000, v3  }
0x64: {  	[tilespmem:s22+$0x0] =	vst v2;
	v2 =	vor.u32 v4, v3  }
0x65: {  	s6 =	sadd.s32 s5, s6;
	s20 =	sshra.s32 @!p1 s20, $0x2;
	[tilespmem:s22+$0xFFFFFFF0] =	vst v2  }
0x66: {  	[hbm4b:s6+s2] =	stream.linear.scatter [tilespmem:s26], [sflag:$0x9], $0x320, $0x38;
	[tilespmem:$0xBB00] =	vst v63  }
0x67: {  	s21 =	simm.s32 @!p1 $0x32;
	s22 =	simm.s32 @!p1 $0x7000;
	s6 =	sadd.s32 @!p1 $0x1C0, s20  }
0x68: {  	[tilespmem:s22], [sflag:$0x1] =	stream.indirect.gather @!p1 [hbm4b:s4+s21], $0x20, s6, s21, $0xb8;
	[tilespmem:$0xBB00] =	vst v63  }
0x69: {  	_ =	swait.ge [sflag:s28], $0x640  }
0x6a: {  	[sflag:s28] =	ssyncset.done $0x0  }
0x6b: {  	s6 =	simm.s32 @!p0 $0xA;
	[sflag:s28] =	ssyncadd.s32 $0xFFFFF9C0  }
0x6c: {  	_ =	swait.ge @!p0 [sflag:s6], $0x320  }
0x6d: {  	[sflag:s6] =	ssyncset.done @!p0 $0x0  }
0x6e: {  	s23 =	simm.s32 $0x7660;
	[sflag:s6] =	ssyncadd.s32 @!p0 $0xFFFFFCE0  }
0x6f: {  	v3 =	vld.idx.msk [tilespmem:v0+s23+$0x0], $0xffff  }
0x70: {  	v4 =	vld.idx.msk [tilespmem:v1+s23+$0x0], $0xffff  }
0x71: {  	v6 =	vld.idx.msk [tilespmem:v1+s23+$0xFFFFFFE0], $0xffff  }
0x72: {  	v7 =	vld.idx.msk [tilespmem:v0+s23+$0xFFFFFFE0], $0xffff;
	_ =	sdelay $0x2  }
0x73: {  	v2 =	vshrl.u32 v3, $0x10  }
0x74: {  	v8 =	vshrl.u32 v4, $0x10;
	v9 =	vshrl.u32 v6, $0x10;
	v10 =	vand.u32 $0x1, v2  }
0x75: {  	s6 =	simm.s32 $0x76A0;
	v11 =	vshrl.u32 v7, $0x10;
	v8 =	vand.u32 $0x1, v8;
	v3 =	vadd.s32 v10, v3  }
0x76: {  	v5 =	vld.idx.msk [tilespmem:v0+s6+$0x0], $0xffff;
	v4 =	vadd.s32 v8, v4;
	v8 =	vand.u32 $0x1, v11;
	v3 =	vadd.s32 $0x7FFF, v3  }
0x77: {  	v2 =	vld.idx.msk [tilespmem:v1+s6+$0x0], $0xffff;
	v4 =	vadd.s32 $0x7FFF, v4;
	v10 =	vshrl.u32 v3, $0x10;
	v3 =	vadd.s32 v8, v7  }
0x78: {  	v9 =	vand.u32 $0x1, v9;
	v4 =	vand.u32 $0xFFFF0000, v4;
	v7 =	vadd.s32 $0x7FFF, v3;
	v3 =	vld.idx.msk [tilespmem:v1+s6+$0xFFFFFFE0], $0xffff  }
0x79: {  	v6 =	vadd.s32 v9, v6;
	v8 =	vor.u32 v10, v4;
	v4 =	vld.idx.msk [tilespmem:v0+s6+$0xFFFFFFE0], $0xffff  }
0x7a: {  	v6 =	vadd.s32 $0x7FFF, v6  }
0x7b: {  	s21 =	simm.s32 $0xA530;
	v6 =	vand.u32 $0xFFFF0000, v6;
	v9 =	vshrl.u32 v7, $0x10  }
0x7c: {  	s22 =	sor.u32 $0x1, s19;
	s23 =	simm.s32 $0x2;
	s6 =	simm.s32 $0x76E0;
	[tilespmem:s21+$0x0] =	vst v8;
	v7 =	vshrl.u32 v5, $0x10;
	v8 =	vshrl.u32 v2, $0x10;
	v6 =	vor.u32 v9, v6  }
.LBB2_5:
0x7d: {  	v9 =	vld.idx.msk [tilespmem:v0+s6+$0x0], $0xffff;
	v10 =	vshrl.u32 v3, $0x10;
	v7 =	vand.u32 $0x1, v7;
	v12 =	vand.u32 $0x1, v8;
	[tilespmem:s21+$0xFFFFFFF0] =	vst v6;
	v6 =	vmovc v3  }
0x7e: {  	s23 =	sadd.s32 $0x2, s23;
	v11 =	vshrl.u32 v4, $0x10;
	v8 =	vmovc v4;
	v5 =	vadd.s32 v7, v5;
	v7 =	vadd.s32 v12, v2;
	v2 =	vld.idx.msk [tilespmem:v1+s6+$0x0], $0xffff  }
0x7f: {  	p2 =	slt.u32 s23, $0x30;
	v11 =	vand.u32 $0x1, v11;
	v3 =	vld.idx.msk [tilespmem:v1+s6+$0xFFFFFFE0], $0xffff;
	v5 =	vadd.s32 $0x7FFF, v5;
	v7 =	vadd.s32 $0x7FFF, v7  }
.Ltmp3:
0x80: {  	v10 =	vand.u32 $0x1, v10;
	v4 =	vld.idx.msk [tilespmem:v0+s6+$0xFFFFFFE0], $0xffff;
	v5 =	vshrl.u32 v5, $0x10;
	v7 =	vand.u32 $0xFFFF0000, v7;
	(pc) =	sbr.rel @p2 .LBB2_5-.Ltmp3, $4  }
0x81: {  	s21 =	sadd.s32 $0x20, s21;
	v8 =	vadd.s32 v11, v8;
	v6 =	vadd.s32 v10, v6;
	v11 =	vor.u32 v5, v7  }
0x82: {  	v6 =	vadd.s32 $0x7FFF, v6;
	v7 =	vadd.s32 $0x7FFF, v8;
	[tilespmem:s21+$0x0] =	vst v11  }
0x83: {  	v6 =	vand.u32 $0xFFFF0000, v6;
	v10 =	vshrl.u32 v7, $0x10;
	v5 =	vmov v9  }
0x84: {  	s6 =	sadd.s32 $0x40, s6;
	v8 =	vshrl.u32 v2, $0x10;
	v6 =	vor.u32 v10, v6;
	v7 =	vshrl.u32 v5, $0x10  }
0x85: {  	v9 =	vshrl.u32 v3, $0x10  }
0x86: {  	v7 =	vand.u32 $0x1, v7;
	v8 =	vand.u32 $0x1, v8;
	v10 =	vshrl.u32 v4, $0x10  }
0x87: {  	v5 =	vadd.s32 v7, v5;
	v2 =	vadd.s32 v8, v2;
	v7 =	vand.u32 $0x1, v10  }
0x88: {  	v8 =	vand.u32 $0x1, v9;
	v5 =	vadd.s32 $0x7FFF, v5;
	v2 =	vadd.s32 $0x7FFF, v2  }
0x89: {  	v4 =	vadd.s32 v7, v4;
	v3 =	vadd.s32 v8, v3;
	v5 =	vshrl.u32 v5, $0x10  }
0x8a: {  	s6 =	sadd.s32 s3, s22;
	v2 =	vand.u32 $0xFFFF0000, v2;
	v4 =	vadd.s32 $0x7FFF, v4;
	v3 =	vadd.s32 $0x7FFF, v3  }
0x8b: {  	[tilespmem:s21+$0xFFFFFFF0] =	vst v6;
	s22 =	sadd.s32 $0x20, s21;
	s6 =	smul.u32 $0x64, s6;
	v2 =	vor.u32 v5, v2;
	v4 =	vshrl.u32 v4, $0x10;
	v3 =	vand.u32 $0xFFFF0000, v3  }
0x8c: {  	[tilespmem:s22+$0x0] =	vst v2;
	v2 =	vor.u32 v4, v3  }
0x8d: {  	s6 =	sadd.s32 s5, s6;
	[tilespmem:s22+$0xFFFFFFF0] =	vst v2  }
0x8e: {  	[hbm4b:s6+s2] =	stream.linear.scatter [tilespmem:s29], [sflag:$0xA], $0x320, $0x38;
	[tilespmem:$0xBB00] =	vst v63  }
0x8f: {  	s21 =	simm.s32 @!p1 $0x32;
	s22 =	simm.s32 @!p1 $0x7640;
	s6 =	sadd.s32 @!p1 $0x1F8, s20  }
0x90: {  	[tilespmem:s22], [sflag:$0x2] =	stream.indirect.gather @!p1 [hbm4b:s4+s21], $0x20, s6, s21, $0xb8;
	[tilespmem:$0xBB00] =	vst v63  }
0x91: {  	_ =	swait.ge [sflag:s30], $0x640  }
0x92: {  	[sflag:s30] =	ssyncset.done $0x0  }
0x93: {  	s6 =	simm.s32 @!p0 $0xB;
	[sflag:s30] =	ssyncadd.s32 $0xFFFFF9C0  }
0x94: {  	_ =	swait.ge @!p0 [sflag:s6], $0x320  }
0x95: {  	[sflag:s6] =	ssyncset.done @!p0 $0x0  }
0x96: {  	s23 =	simm.s32 $0x7CA0;
	[sflag:s6] =	ssyncadd.s32 @!p0 $0xFFFFFCE0  }
0x97: {  	v3 =	vld.idx.msk [tilespmem:v0+s23+$0x0], $0xffff  }
0x98: {  	v4 =	vld.idx.msk [tilespmem:v1+s23+$0x0], $0xffff  }
0x99: {  	v6 =	vld.idx.msk [tilespmem:v1+s23+$0xFFFFFFE0], $0xffff  }
0x9a: {  	v7 =	vld.idx.msk [tilespmem:v0+s23+$0xFFFFFFE0], $0xffff;
	_ =	sdelay $0x2  }
0x9b: {  	v2 =	vshrl.u32 v3, $0x10  }
0x9c: {  	v8 =	vshrl.u32 v4, $0x10;
	v9 =	vshrl.u32 v6, $0x10;
	v10 =	vand.u32 $0x1, v2  }
0x9d: {  	s6 =	simm.s32 $0x7CE0;
	v11 =	vshrl.u32 v7, $0x10;
	v8 =	vand.u32 $0x1, v8;
	v3 =	vadd.s32 v10, v3  }
0x9e: {  	v5 =	vld.idx.msk [tilespmem:v0+s6+$0x0], $0xffff;
	v4 =	vadd.s32 v8, v4;
	v8 =	vand.u32 $0x1, v11;
	v3 =	vadd.s32 $0x7FFF, v3  }
0x9f: {  	v2 =	vld.idx.msk [tilespmem:v1+s6+$0x0], $0xffff;
	v4 =	vadd.s32 $0x7FFF, v4;
	v10 =	vshrl.u32 v3, $0x10;
	v3 =	vadd.s32 v8, v7  }
0xa0: {  	v9 =	vand.u32 $0x1, v9;
	v4 =	vand.u32 $0xFFFF0000, v4;
	v7 =	vadd.s32 $0x7FFF, v3;
	v3 =	vld.idx.msk [tilespmem:v1+s6+$0xFFFFFFE0], $0xffff  }
0xa1: {  	v6 =	vadd.s32 v9, v6;
	v8 =	vor.u32 v10, v4;
	v4 =	vld.idx.msk [tilespmem:v0+s6+$0xFFFFFFE0], $0xffff  }
0xa2: {  	v6 =	vadd.s32 $0x7FFF, v6  }
0xa3: {  	s21 =	simm.s32 $0xA850;
	v6 =	vand.u32 $0xFFFF0000, v6;
	v9 =	vshrl.u32 v7, $0x10  }
0xa4: {  	s22 =	sor.u32 $0x2, s19;
	s23 =	simm.s32 $0x2;
	s6 =	simm.s32 $0x7D20;
	[tilespmem:s21+$0x0] =	vst v8;
	v7 =	vshrl.u32 v5, $0x10;
	v8 =	vshrl.u32 v2, $0x10;
	v6 =	vor.u32 v9, v6  }
.LBB2_7:
0xa5: {  	v9 =	vld.idx.msk [tilespmem:v0+s6+$0x0], $0xffff;
	v10 =	vshrl.u32 v3, $0x10;
	v7 =	vand.u32 $0x1, v7;
	v12 =	vand.u32 $0x1, v8;
	[tilespmem:s21+$0xFFFFFFF0] =	vst v6;
	v6 =	vmovc v3  }
0xa6: {  	s23 =	sadd.s32 $0x2, s23;
	v11 =	vshrl.u32 v4, $0x10;
	v8 =	vmovc v4;
	v5 =	vadd.s32 v7, v5;
	v7 =	vadd.s32 v12, v2;
	v2 =	vld.idx.msk [tilespmem:v1+s6+$0x0], $0xffff  }
0xa7: {  	p2 =	slt.u32 s23, $0x30;
	v11 =	vand.u32 $0x1, v11;
	v3 =	vld.idx.msk [tilespmem:v1+s6+$0xFFFFFFE0], $0xffff;
	v5 =	vadd.s32 $0x7FFF, v5;
	v7 =	vadd.s32 $0x7FFF, v7  }
.Ltmp4:
0xa8: {  	v10 =	vand.u32 $0x1, v10;
	v4 =	vld.idx.msk [tilespmem:v0+s6+$0xFFFFFFE0], $0xffff;
	v5 =	vshrl.u32 v5, $0x10;
	v7 =	vand.u32 $0xFFFF0000, v7;
	(pc) =	sbr.rel @p2 .LBB2_7-.Ltmp4, $4  }
0xa9: {  	s21 =	sadd.s32 $0x20, s21;
	v8 =	vadd.s32 v11, v8;
	v6 =	vadd.s32 v10, v6;
	v11 =	vor.u32 v5, v7  }
0xaa: {  	v6 =	vadd.s32 $0x7FFF, v6;
	v7 =	vadd.s32 $0x7FFF, v8;
	[tilespmem:s21+$0x0] =	vst v11  }
0xab: {  	v6 =	vand.u32 $0xFFFF0000, v6;
	v10 =	vshrl.u32 v7, $0x10;
	v5 =	vmov v9  }
0xac: {  	s6 =	sadd.s32 $0x40, s6;
	v8 =	vshrl.u32 v2, $0x10;
	v6 =	vor.u32 v10, v6;
	v7 =	vshrl.u32 v5, $0x10  }
0xad: {  	v9 =	vshrl.u32 v3, $0x10  }
0xae: {  	v7 =	vand.u32 $0x1, v7;
	v8 =	vand.u32 $0x1, v8;
	v10 =	vshrl.u32 v4, $0x10  }
0xaf: {  	v5 =	vadd.s32 v7, v5;
	v2 =	vadd.s32 v8, v2;
	v7 =	vand.u32 $0x1, v10  }
0xb0: {  	v8 =	vand.u32 $0x1, v9;
	v5 =	vadd.s32 $0x7FFF, v5;
	v2 =	vadd.s32 $0x7FFF, v2  }
0xb1: {  	v4 =	vadd.s32 v7, v4;
	v3 =	vadd.s32 v8, v3;
	v5 =	vshrl.u32 v5, $0x10  }
0xb2: {  	s6 =	sadd.s32 s3, s22;
	v2 =	vand.u32 $0xFFFF0000, v2;
	v4 =	vadd.s32 $0x7FFF, v4;
	v3 =	vadd.s32 $0x7FFF, v3  }
0xb3: {  	[tilespmem:s21+$0xFFFFFFF0] =	vst v6;
	s22 =	sadd.s32 $0x20, s21;
	s6 =	smul.u32 $0x64, s6;
	v2 =	vor.u32 v5, v2;
	v4 =	vshrl.u32 v4, $0x10;
	v3 =	vand.u32 $0xFFFF0000, v3  }
0xb4: {  	[tilespmem:s22+$0x0] =	vst v2;
	v2 =	vor.u32 v4, v3  }
0xb5: {  	s6 =	sadd.s32 s5, s6;
	[tilespmem:s22+$0xFFFFFFF0] =	vst v2  }
0xb6: {  	[hbm4b:s6+s2] =	stream.linear.scatter [tilespmem:s31], [sflag:$0xB], $0x320, $0x38;
	[tilespmem:$0xBB00] =	vst v63  }
0xb7: {  	s21 =	simm.s32 @!p1 $0x32;
	s22 =	simm.s32 @!p1 $0x7C80;
	s6 =	sadd.s32 @!p1 $0x230, s20  }
0xb8: {  	[tilespmem:s22], [sflag:$0x3] =	stream.indirect.gather @!p1 [hbm4b:s4+s21], $0x20, s6, s21, $0xb8;
	[tilespmem:$0xBB00] =	vst v63  }
0xb9: {  	_ =	swait.ge [sflag:s0], $0x640  }
0xba: {  	[sflag:s0] =	ssyncset.done $0x0  }
0xbb: {  	s6 =	simm.s32 @!p0 $0xC;
	[sflag:s0] =	ssyncadd.s32 $0xFFFFF9C0  }
0xbc: {  	_ =	swait.ge @!p0 [sflag:s6], $0x320  }
0xbd: {  	[sflag:s6] =	ssyncset.done @!p0 $0x0  }
0xbe: {  	s23 =	simm.s32 $0x82E0;
	[sflag:s6] =	ssyncadd.s32 @!p0 $0xFFFFFCE0  }
0xbf: {  	v3 =	vld.idx.msk [tilespmem:v0+s23+$0x0], $0xffff  }
0xc0: {  	v4 =	vld.idx.msk [tilespmem:v1+s23+$0x0], $0xffff  }
0xc1: {  	v6 =	vld.idx.msk [tilespmem:v1+s23+$0xFFFFFFE0], $0xffff  }
0xc2: {  	v7 =	vld.idx.msk [tilespmem:v0+s23+$0xFFFFFFE0], $0xffff;
	_ =	sdelay $0x2  }
0xc3: {  	v2 =	vshrl.u32 v3, $0x10  }
0xc4: {  	v8 =	vshrl.u32 v4, $0x10;
	v9 =	vshrl.u32 v6, $0x10;
	v10 =	vand.u32 $0x1, v2  }
0xc5: {  	s6 =	simm.s32 $0x8320;
	v11 =	vshrl.u32 v7, $0x10;
	v8 =	vand.u32 $0x1, v8;
	v3 =	vadd.s32 v10, v3  }
0xc6: {  	v5 =	vld.idx.msk [tilespmem:v0+s6+$0x0], $0xffff;
	v4 =	vadd.s32 v8, v4;
	v8 =	vand.u32 $0x1, v11;
	v3 =	vadd.s32 $0x7FFF, v3  }
0xc7: {  	v2 =	vld.idx.msk [tilespmem:v1+s6+$0x0], $0xffff;
	v4 =	vadd.s32 $0x7FFF, v4;
	v10 =	vshrl.u32 v3, $0x10;
	v3 =	vadd.s32 v8, v7  }
0xc8: {  	v9 =	vand.u32 $0x1, v9;
	v4 =	vand.u32 $0xFFFF0000, v4;
	v7 =	vadd.s32 $0x7FFF, v3;
	v3 =	vld.idx.msk [tilespmem:v1+s6+$0xFFFFFFE0], $0xffff  }
0xc9: {  	v6 =	vadd.s32 v9, v6;
	v8 =	vor.u32 v10, v4;
	v4 =	vld.idx.msk [tilespmem:v0+s6+$0xFFFFFFE0], $0xffff  }
0xca: {  	v6 =	vadd.s32 $0x7FFF, v6  }
0xcb: {  	s21 =	simm.s32 $0xAB70;
	v6 =	vand.u32 $0xFFFF0000, v6;
	v9 =	vshrl.u32 v7, $0x10  }
0xcc: {  	s22 =	sor.u32 $0x3, s19;
	s23 =	simm.s32 $0x2;
	s6 =	simm.s32 $0x8360;
	[tilespmem:s21+$0x0] =	vst v8;
	v7 =	vshrl.u32 v5, $0x10;
	v8 =	vshrl.u32 v2, $0x10;
	v6 =	vor.u32 v9, v6  }
.LBB2_9:
0xcd: {  	v9 =	vld.idx.msk [tilespmem:v0+s6+$0x0], $0xffff;
	v10 =	vshrl.u32 v3, $0x10;
	v7 =	vand.u32 $0x1, v7;
	v12 =	vand.u32 $0x1, v8;
	[tilespmem:s21+$0xFFFFFFF0] =	vst v6;
	v6 =	vmovc v3  }
0xce: {  	s23 =	sadd.s32 $0x2, s23;
	v11 =	vshrl.u32 v4, $0x10;
	v8 =	vmovc v4;
	v5 =	vadd.s32 v7, v5;
	v7 =	vadd.s32 v12, v2;
	v2 =	vld.idx.msk [tilespmem:v1+s6+$0x0], $0xffff  }
0xcf: {  	p2 =	slt.u32 s23, $0x30;
	v11 =	vand.u32 $0x1, v11;
	v3 =	vld.idx.msk [tilespmem:v1+s6+$0xFFFFFFE0], $0xffff;
	v5 =	vadd.s32 $0x7FFF, v5;
	v7 =	vadd.s32 $0x7FFF, v7  }
.Ltmp5:
0xd0: {  	v10 =	vand.u32 $0x1, v10;
	v4 =	vld.idx.msk [tilespmem:v0+s6+$0xFFFFFFE0], $0xffff;
	v5 =	vshrl.u32 v5, $0x10;
	v7 =	vand.u32 $0xFFFF0000, v7;
	(pc) =	sbr.rel @p2 .LBB2_9-.Ltmp5, $4  }
0xd1: {  	s21 =	sadd.s32 $0x20, s21;
	v8 =	vadd.s32 v11, v8;
	v6 =	vadd.s32 v10, v6;
	v11 =	vor.u32 v5, v7  }
0xd2: {  	v6 =	vadd.s32 $0x7FFF, v6;
	v7 =	vadd.s32 $0x7FFF, v8;
	[tilespmem:s21+$0x0] =	vst v11  }
0xd3: {  	v6 =	vand.u32 $0xFFFF0000, v6;
	v10 =	vshrl.u32 v7, $0x10;
	v5 =	vmov v9  }
0xd4: {  	s6 =	sadd.s32 $0x40, s6;
	v8 =	vshrl.u32 v2, $0x10;
	v6 =	vor.u32 v10, v6;
	v7 =	vshrl.u32 v5, $0x10  }
0xd5: {  	v9 =	vshrl.u32 v3, $0x10  }
0xd6: {  	v7 =	vand.u32 $0x1, v7;
	v8 =	vand.u32 $0x1, v8;
	v10 =	vshrl.u32 v4, $0x10  }
0xd7: {  	v5 =	vadd.s32 v7, v5;
	v2 =	vadd.s32 v8, v2;
	v7 =	vand.u32 $0x1, v10  }
0xd8: {  	v8 =	vand.u32 $0x1, v9;
	v5 =	vadd.s32 $0x7FFF, v5;
	v2 =	vadd.s32 $0x7FFF, v2  }
0xd9: {  	v4 =	vadd.s32 v7, v4;
	v3 =	vadd.s32 v8, v3;
	v5 =	vshrl.u32 v5, $0x10  }
0xda: {  	s6 =	sadd.s32 s3, s22;
	v2 =	vand.u32 $0xFFFF0000, v2;
	v4 =	vadd.s32 $0x7FFF, v4;
	v3 =	vadd.s32 $0x7FFF, v3  }
0xdb: {  	[tilespmem:s21+$0xFFFFFFF0] =	vst v6;
	s22 =	sadd.s32 $0x20, s21;
	s6 =	smul.u32 $0x64, s6;
	v2 =	vor.u32 v5, v2;
	v4 =	vshrl.u32 v4, $0x10;
	v3 =	vand.u32 $0xFFFF0000, v3  }
0xdc: {  	[tilespmem:s22+$0x0] =	vst v2;
	v2 =	vor.u32 v4, v3  }
0xdd: {  	s6 =	sadd.s32 s5, s6;
	[tilespmem:s22+$0xFFFFFFF0] =	vst v2  }
0xde: {  	[hbm4b:s6+s2] =	stream.linear.scatter [tilespmem:s1], [sflag:$0xC], $0x320, $0x38;
	[tilespmem:$0xBB00] =	vst v63  }
0xdf: {  	s21 =	simm.s32 @!p1 $0x32;
	s22 =	simm.s32 @!p1 $0x82C0;
	s6 =	sadd.s32 @!p1 $0x268, s20  }
0xe0: {  	[tilespmem:s22], [sflag:$0x4] =	stream.indirect.gather @!p1 [hbm4b:s4+s21], $0x20, s6, s21, $0xb8;
	[tilespmem:$0xBB00] =	vst v63  }
0xe1: {  	_ =	swait.ge [sflag:s10], $0x640  }
0xe2: {  	[sflag:s10] =	ssyncset.done $0x0  }
0xe3: {  	s6 =	simm.s32 @!p0 $0xD;
	[sflag:s10] =	ssyncadd.s32 $0xFFFFF9C0  }
0xe4: {  	_ =	swait.ge @!p0 [sflag:s6], $0x320  }
0xe5: {  	[sflag:s6] =	ssyncset.done @!p0 $0x0  }
0xe6: {  	s23 =	simm.s32 $0x8920;
	[sflag:s6] =	ssyncadd.s32 @!p0 $0xFFFFFCE0  }
0xe7: {  	v3 =	vld.idx.msk [tilespmem:v0+s23+$0x0], $0xffff  }
0xe8: {  	v4 =	vld.idx.msk [tilespmem:v1+s23+$0x0], $0xffff  }
0xe9: {  	v6 =	vld.idx.msk [tilespmem:v1+s23+$0xFFFFFFE0], $0xffff  }
0xea: {  	v7 =	vld.idx.msk [tilespmem:v0+s23+$0xFFFFFFE0], $0xffff;
	_ =	sdelay $0x2  }
0xeb: {  	v2 =	vshrl.u32 v3, $0x10  }
0xec: {  	v8 =	vshrl.u32 v4, $0x10;
	v9 =	vshrl.u32 v6, $0x10;
	v10 =	vand.u32 $0x1, v2  }
0xed: {  	s6 =	simm.s32 $0x8960;
	v11 =	vshrl.u32 v7, $0x10;
	v8 =	vand.u32 $0x1, v8;
	v3 =	vadd.s32 v10, v3  }
0xee: {  	v5 =	vld.idx.msk [tilespmem:v0+s6+$0x0], $0xffff;
	v4 =	vadd.s32 v8, v4;
	v8 =	vand.u32 $0x1, v11;
	v3 =	vadd.s32 $0x7FFF, v3  }
0xef: {  	v2 =	vld.idx.msk [tilespmem:v1+s6+$0x0], $0xffff;
	v4 =	vadd.s32 $0x7FFF, v4;
	v10 =	vshrl.u32 v3, $0x10;
	v3 =	vadd.s32 v8, v7  }
0xf0: {  	v9 =	vand.u32 $0x1, v9;
	v4 =	vand.u32 $0xFFFF0000, v4;
	v7 =	vadd.s32 $0x7FFF, v3;
	v3 =	vld.idx.msk [tilespmem:v1+s6+$0xFFFFFFE0], $0xffff  }
0xf1: {  	v6 =	vadd.s32 v9, v6;
	v8 =	vor.u32 v10, v4;
	v4 =	vld.idx.msk [tilespmem:v0+s6+$0xFFFFFFE0], $0xffff  }
0xf2: {  	v6 =	vadd.s32 $0x7FFF, v6  }
0xf3: {  	s21 =	simm.s32 $0xAE90;
	v6 =	vand.u32 $0xFFFF0000, v6;
	v9 =	vshrl.u32 v7, $0x10  }
0xf4: {  	s22 =	sor.u32 $0x4, s19;
	s23 =	simm.s32 $0x2;
	s6 =	simm.s32 $0x89A0;
	[tilespmem:s21+$0x0] =	vst v8;
	v7 =	vshrl.u32 v5, $0x10;
	v8 =	vshrl.u32 v2, $0x10;
	v6 =	vor.u32 v9, v6  }
.LBB2_11:
0xf5: {  	v9 =	vld.idx.msk [tilespmem:v0+s6+$0x0], $0xffff;
	v10 =	vshrl.u32 v3, $0x10;
	v7 =	vand.u32 $0x1, v7;
	v12 =	vand.u32 $0x1, v8;
	[tilespmem:s21+$0xFFFFFFF0] =	vst v6;
	v6 =	vmovc v3  }
0xf6: {  	s23 =	sadd.s32 $0x2, s23;
	v11 =	vshrl.u32 v4, $0x10;
	v8 =	vmovc v4;
	v5 =	vadd.s32 v7, v5;
	v7 =	vadd.s32 v12, v2;
	v2 =	vld.idx.msk [tilespmem:v1+s6+$0x0], $0xffff  }
0xf7: {  	p2 =	slt.u32 s23, $0x30;
	v11 =	vand.u32 $0x1, v11;
	v3 =	vld.idx.msk [tilespmem:v1+s6+$0xFFFFFFE0], $0xffff;
	v5 =	vadd.s32 $0x7FFF, v5;
	v7 =	vadd.s32 $0x7FFF, v7  }
.Ltmp6:
0xf8: {  	v10 =	vand.u32 $0x1, v10;
	v4 =	vld.idx.msk [tilespmem:v0+s6+$0xFFFFFFE0], $0xffff;
	v5 =	vshrl.u32 v5, $0x10;
	v7 =	vand.u32 $0xFFFF0000, v7;
	(pc) =	sbr.rel @p2 .LBB2_11-.Ltmp6, $4  }
0xf9: {  	s21 =	sadd.s32 $0x20, s21;
	v8 =	vadd.s32 v11, v8;
	v6 =	vadd.s32 v10, v6;
	v11 =	vor.u32 v5, v7  }
0xfa: {  	v6 =	vadd.s32 $0x7FFF, v6;
	v7 =	vadd.s32 $0x7FFF, v8;
	[tilespmem:s21+$0x0] =	vst v11  }
0xfb: {  	v6 =	vand.u32 $0xFFFF0000, v6;
	v10 =	vshrl.u32 v7, $0x10;
	v5 =	vmov v9  }
0xfc: {  	s6 =	sadd.s32 $0x40, s6;
	v8 =	vshrl.u32 v2, $0x10;
	v6 =	vor.u32 v10, v6;
	v7 =	vshrl.u32 v5, $0x10  }
0xfd: {  	v9 =	vshrl.u32 v3, $0x10  }
0xfe: {  	v7 =	vand.u32 $0x1, v7;
	v8 =	vand.u32 $0x1, v8;
	v10 =	vshrl.u32 v4, $0x10  }
0xff: {  	v5 =	vadd.s32 v7, v5;
	v2 =	vadd.s32 v8, v2;
	v7 =	vand.u32 $0x1, v10  }
0x100: {  	v8 =	vand.u32 $0x1, v9;
	v5 =	vadd.s32 $0x7FFF, v5;
	v2 =	vadd.s32 $0x7FFF, v2  }
0x101: {  	v4 =	vadd.s32 v7, v4;
	v3 =	vadd.s32 v8, v3;
	v5 =	vshrl.u32 v5, $0x10  }
0x102: {  	s6 =	sadd.s32 s3, s22;
	v2 =	vand.u32 $0xFFFF0000, v2;
	v4 =	vadd.s32 $0x7FFF, v4;
	v3 =	vadd.s32 $0x7FFF, v3  }
0x103: {  	[tilespmem:s21+$0xFFFFFFF0] =	vst v6;
	s22 =	sadd.s32 $0x20, s21;
	s6 =	smul.u32 $0x64, s6;
	v2 =	vor.u32 v5, v2;
	v4 =	vshrl.u32 v4, $0x10;
	v3 =	vand.u32 $0xFFFF0000, v3  }
0x104: {  	[tilespmem:s22+$0x0] =	vst v2;
	v2 =	vor.u32 v4, v3  }
0x105: {  	s6 =	sadd.s32 s5, s6;
	[tilespmem:s22+$0xFFFFFFF0] =	vst v2  }
0x106: {  	[hbm4b:s6+s2] =	stream.linear.scatter [tilespmem:s11], [sflag:$0xD], $0x320, $0x38;
	[tilespmem:$0xBB00] =	vst v63  }
0x107: {  	s21 =	simm.s32 @!p1 $0x32;
	s22 =	simm.s32 @!p1 $0x8900;
	s6 =	sadd.s32 @!p1 $0x2A0, s20  }
0x108: {  	[tilespmem:s22], [sflag:$0x5] =	stream.indirect.gather @!p1 [hbm4b:s4+s21], $0x20, s6, s21, $0xb8;
	[tilespmem:$0xBB00] =	vst v63  }
0x109: {  	_ =	swait.ge [sflag:s12], $0x640  }
0x10a: {  	[sflag:s12] =	ssyncset.done $0x0  }
0x10b: {  	s6 =	simm.s32 @!p0 $0xE;
	[sflag:s12] =	ssyncadd.s32 $0xFFFFF9C0  }
0x10c: {  	_ =	swait.ge @!p0 [sflag:s6], $0x320  }
0x10d: {  	[sflag:s6] =	ssyncset.done @!p0 $0x0  }
0x10e: {  	s23 =	simm.s32 $0x8F60;
	[sflag:s6] =	ssyncadd.s32 @!p0 $0xFFFFFCE0  }
0x10f: {  	v3 =	vld.idx.msk [tilespmem:v0+s23+$0x0], $0xffff  }
0x110: {  	v4 =	vld.idx.msk [tilespmem:v1+s23+$0x0], $0xffff  }
0x111: {  	v6 =	vld.idx.msk [tilespmem:v1+s23+$0xFFFFFFE0], $0xffff  }
0x112: {  	v7 =	vld.idx.msk [tilespmem:v0+s23+$0xFFFFFFE0], $0xffff;
	_ =	sdelay $0x2  }
0x113: {  	v2 =	vshrl.u32 v3, $0x10  }
0x114: {  	v8 =	vshrl.u32 v4, $0x10;
	v9 =	vshrl.u32 v6, $0x10;
	v10 =	vand.u32 $0x1, v2  }
0x115: {  	s6 =	simm.s32 $0x8FA0;
	v11 =	vshrl.u32 v7, $0x10;
	v8 =	vand.u32 $0x1, v8;
	v3 =	vadd.s32 v10, v3  }
0x116: {  	v5 =	vld.idx.msk [tilespmem:v0+s6+$0x0], $0xffff;
	v4 =	vadd.s32 v8, v4;
	v8 =	vand.u32 $0x1, v11;
	v3 =	vadd.s32 $0x7FFF, v3  }
0x117: {  	v2 =	vld.idx.msk [tilespmem:v1+s6+$0x0], $0xffff;
	v4 =	vadd.s32 $0x7FFF, v4;
	v10 =	vshrl.u32 v3, $0x10;
	v3 =	vadd.s32 v8, v7  }
0x118: {  	v9 =	vand.u32 $0x1, v9;
	v4 =	vand.u32 $0xFFFF0000, v4;
	v7 =	vadd.s32 $0x7FFF, v3;
	v3 =	vld.idx.msk [tilespmem:v1+s6+$0xFFFFFFE0], $0xffff  }
0x119: {  	v6 =	vadd.s32 v9, v6;
	v8 =	vor.u32 v10, v4;
	v4 =	vld.idx.msk [tilespmem:v0+s6+$0xFFFFFFE0], $0xffff  }
0x11a: {  	v6 =	vadd.s32 $0x7FFF, v6  }
0x11b: {  	s21 =	simm.s32 $0xB1B0;
	v6 =	vand.u32 $0xFFFF0000, v6;
	v9 =	vshrl.u32 v7, $0x10  }
0x11c: {  	s22 =	sor.u32 $0x5, s19;
	s23 =	simm.s32 $0x2;
	s6 =	simm.s32 $0x8FE0;
	[tilespmem:s21+$0x0] =	vst v8;
	v7 =	vshrl.u32 v5, $0x10;
	v8 =	vshrl.u32 v2, $0x10;
	v6 =	vor.u32 v9, v6  }
.LBB2_13:
0x11d: {  	v9 =	vld.idx.msk [tilespmem:v0+s6+$0x0], $0xffff;
	v10 =	vshrl.u32 v3, $0x10;
	v7 =	vand.u32 $0x1, v7;
	v12 =	vand.u32 $0x1, v8;
	[tilespmem:s21+$0xFFFFFFF0] =	vst v6;
	v6 =	vmovc v3  }
0x11e: {  	s23 =	sadd.s32 $0x2, s23;
	v11 =	vshrl.u32 v4, $0x10;
	v8 =	vmovc v4;
	v5 =	vadd.s32 v7, v5;
	v7 =	vadd.s32 v12, v2;
	v2 =	vld.idx.msk [tilespmem:v1+s6+$0x0], $0xffff  }
0x11f: {  	p2 =	slt.u32 s23, $0x30;
	v11 =	vand.u32 $0x1, v11;
	v3 =	vld.idx.msk [tilespmem:v1+s6+$0xFFFFFFE0], $0xffff;
	v5 =	vadd.s32 $0x7FFF, v5;
	v7 =	vadd.s32 $0x7FFF, v7  }
.Ltmp7:
0x120: {  	v10 =	vand.u32 $0x1, v10;
	v4 =	vld.idx.msk [tilespmem:v0+s6+$0xFFFFFFE0], $0xffff;
	v5 =	vshrl.u32 v5, $0x10;
	v7 =	vand.u32 $0xFFFF0000, v7;
	(pc) =	sbr.rel @p2 .LBB2_13-.Ltmp7, $4  }
0x121: {  	s21 =	sadd.s32 $0x20, s21;
	v8 =	vadd.s32 v11, v8;
	v6 =	vadd.s32 v10, v6;
	v11 =	vor.u32 v5, v7  }
0x122: {  	v6 =	vadd.s32 $0x7FFF, v6;
	v7 =	vadd.s32 $0x7FFF, v8;
	[tilespmem:s21+$0x0] =	vst v11  }
0x123: {  	v6 =	vand.u32 $0xFFFF0000, v6;
	v10 =	vshrl.u32 v7, $0x10;
	v5 =	vmov v9  }
0x124: {  	s6 =	sadd.s32 $0x40, s6;
	v8 =	vshrl.u32 v2, $0x10;
	v6 =	vor.u32 v10, v6;
	v7 =	vshrl.u32 v5, $0x10  }
0x125: {  	v9 =	vshrl.u32 v3, $0x10  }
0x126: {  	v7 =	vand.u32 $0x1, v7;
	v8 =	vand.u32 $0x1, v8;
	v10 =	vshrl.u32 v4, $0x10  }
0x127: {  	v5 =	vadd.s32 v7, v5;
	v2 =	vadd.s32 v8, v2;
	v7 =	vand.u32 $0x1, v10  }
0x128: {  	v8 =	vand.u32 $0x1, v9;
	v5 =	vadd.s32 $0x7FFF, v5;
	v2 =	vadd.s32 $0x7FFF, v2  }
0x129: {  	v4 =	vadd.s32 v7, v4;
	v3 =	vadd.s32 v8, v3;
	v5 =	vshrl.u32 v5, $0x10  }
0x12a: {  	s6 =	sadd.s32 s3, s22;
	v2 =	vand.u32 $0xFFFF0000, v2;
	v4 =	vadd.s32 $0x7FFF, v4;
	v3 =	vadd.s32 $0x7FFF, v3  }
0x12b: {  	[tilespmem:s21+$0xFFFFFFF0] =	vst v6;
	s22 =	sadd.s32 $0x20, s21;
	s6 =	smul.u32 $0x64, s6;
	v2 =	vor.u32 v5, v2;
	v4 =	vshrl.u32 v4, $0x10;
	v3 =	vand.u32 $0xFFFF0000, v3  }
0x12c: {  	[tilespmem:s22+$0x0] =	vst v2;
	v2 =	vor.u32 v4, v3  }
0x12d: {  	s6 =	sadd.s32 s5, s6;
	[tilespmem:s22+$0xFFFFFFF0] =	vst v2  }
0x12e: {  	[hbm4b:s6+s2] =	stream.linear.scatter [tilespmem:s13], [sflag:$0xE], $0x320, $0x38;
	[tilespmem:$0xBB00] =	vst v63  }
0x12f: {  	s21 =	simm.s32 @!p1 $0x32;
	s22 =	simm.s32 @!p1 $0x8F40;
	s6 =	sadd.s32 @!p1 $0x2D8, s20  }
0x130: {  	[tilespmem:s22], [sflag:$0x6] =	stream.indirect.gather @!p1 [hbm4b:s4+s21], $0x20, s6, s21, $0xb8;
	[tilespmem:$0xBB00] =	vst v63  }
0x131: {  	_ =	swait.ge [sflag:s14], $0x640  }
0x132: {  	[sflag:s14] =	ssyncset.done $0x0  }
0x133: {  	s6 =	simm.s32 @!p0 $0xF;
	[sflag:s14] =	ssyncadd.s32 $0xFFFFF9C0  }
0x134: {  	_ =	swait.ge @!p0 [sflag:s6], $0x320  }
0x135: {  	[sflag:s6] =	ssyncset.done @!p0 $0x0  }
0x136: {  	s23 =	simm.s32 $0x95A0;
	[sflag:s6] =	ssyncadd.s32 @!p0 $0xFFFFFCE0  }
0x137: {  	v3 =	vld.idx.msk [tilespmem:v0+s23+$0x0], $0xffff  }
0x138: {  	v4 =	vld.idx.msk [tilespmem:v1+s23+$0x0], $0xffff  }
0x139: {  	v6 =	vld.idx.msk [tilespmem:v1+s23+$0xFFFFFFE0], $0xffff  }
0x13a: {  	v7 =	vld.idx.msk [tilespmem:v0+s23+$0xFFFFFFE0], $0xffff;
	_ =	sdelay $0x2  }
0x13b: {  	v2 =	vshrl.u32 v3, $0x10  }
0x13c: {  	v8 =	vshrl.u32 v4, $0x10;
	v9 =	vshrl.u32 v6, $0x10;
	v10 =	vand.u32 $0x1, v2  }
0x13d: {  	s6 =	simm.s32 $0x95E0;
	v11 =	vshrl.u32 v7, $0x10;
	v8 =	vand.u32 $0x1, v8;
	v3 =	vadd.s32 v10, v3  }
0x13e: {  	v5 =	vld.idx.msk [tilespmem:v0+s6+$0x0], $0xffff;
	v4 =	vadd.s32 v8, v4;
	v8 =	vand.u32 $0x1, v11;
	v3 =	vadd.s32 $0x7FFF, v3  }
0x13f: {  	v2 =	vld.idx.msk [tilespmem:v1+s6+$0x0], $0xffff;
	v4 =	vadd.s32 $0x7FFF, v4;
	v10 =	vshrl.u32 v3, $0x10;
	v3 =	vadd.s32 v8, v7  }
0x140: {  	v9 =	vand.u32 $0x1, v9;
	v4 =	vand.u32 $0xFFFF0000, v4;
	v7 =	vadd.s32 $0x7FFF, v3;
	v3 =	vld.idx.msk [tilespmem:v1+s6+$0xFFFFFFE0], $0xffff  }
0x141: {  	v6 =	vadd.s32 v9, v6;
	v8 =	vor.u32 v10, v4;
	v4 =	vld.idx.msk [tilespmem:v0+s6+$0xFFFFFFE0], $0xffff  }
0x142: {  	v6 =	vadd.s32 $0x7FFF, v6  }
0x143: {  	s21 =	simm.s32 $0xB4D0;
	v6 =	vand.u32 $0xFFFF0000, v6;
	v9 =	vshrl.u32 v7, $0x10  }
0x144: {  	s22 =	sor.u32 $0x6, s19;
	s23 =	simm.s32 $0x2;
	s6 =	simm.s32 $0x9620;
	[tilespmem:s21+$0x0] =	vst v8;
	v7 =	vshrl.u32 v5, $0x10;
	v8 =	vshrl.u32 v2, $0x10;
	v6 =	vor.u32 v9, v6  }
.LBB2_15:
0x145: {  	v9 =	vld.idx.msk [tilespmem:v0+s6+$0x0], $0xffff;
	v10 =	vshrl.u32 v3, $0x10;
	v7 =	vand.u32 $0x1, v7;
	v12 =	vand.u32 $0x1, v8;
	[tilespmem:s21+$0xFFFFFFF0] =	vst v6;
	v6 =	vmovc v3  }
0x146: {  	s23 =	sadd.s32 $0x2, s23;
	v11 =	vshrl.u32 v4, $0x10;
	v8 =	vmovc v4;
	v5 =	vadd.s32 v7, v5;
	v7 =	vadd.s32 v12, v2;
	v2 =	vld.idx.msk [tilespmem:v1+s6+$0x0], $0xffff  }
0x147: {  	p2 =	slt.u32 s23, $0x30;
	v11 =	vand.u32 $0x1, v11;
	v3 =	vld.idx.msk [tilespmem:v1+s6+$0xFFFFFFE0], $0xffff;
	v5 =	vadd.s32 $0x7FFF, v5;
	v7 =	vadd.s32 $0x7FFF, v7  }
.Ltmp8:
0x148: {  	v10 =	vand.u32 $0x1, v10;
	v4 =	vld.idx.msk [tilespmem:v0+s6+$0xFFFFFFE0], $0xffff;
	v5 =	vshrl.u32 v5, $0x10;
	v7 =	vand.u32 $0xFFFF0000, v7;
	(pc) =	sbr.rel @p2 .LBB2_15-.Ltmp8, $4  }
0x149: {  	s21 =	sadd.s32 $0x20, s21;
	v8 =	vadd.s32 v11, v8;
	v6 =	vadd.s32 v10, v6;
	v11 =	vor.u32 v5, v7  }
0x14a: {  	v6 =	vadd.s32 $0x7FFF, v6;
	v7 =	vadd.s32 $0x7FFF, v8;
	[tilespmem:s21+$0x0] =	vst v11  }
0x14b: {  	v6 =	vand.u32 $0xFFFF0000, v6;
	v10 =	vshrl.u32 v7, $0x10;
	v5 =	vmov v9  }
0x14c: {  	s6 =	sadd.s32 $0x40, s6;
	v8 =	vshrl.u32 v2, $0x10;
	v6 =	vor.u32 v10, v6;
	v7 =	vshrl.u32 v5, $0x10  }
0x14d: {  	v9 =	vshrl.u32 v3, $0x10  }
0x14e: {  	v7 =	vand.u32 $0x1, v7;
	v8 =	vand.u32 $0x1, v8;
	v10 =	vshrl.u32 v4, $0x10  }
0x14f: {  	v5 =	vadd.s32 v7, v5;
	v2 =	vadd.s32 v8, v2;
	v7 =	vand.u32 $0x1, v10  }
0x150: {  	v8 =	vand.u32 $0x1, v9;
	v5 =	vadd.s32 $0x7FFF, v5;
	v2 =	vadd.s32 $0x7FFF, v2  }
0x151: {  	v4 =	vadd.s32 v7, v4;
	v3 =	vadd.s32 v8, v3;
	v5 =	vshrl.u32 v5, $0x10  }
0x152: {  	s6 =	sadd.s32 s3, s22;
	v2 =	vand.u32 $0xFFFF0000, v2;
	v4 =	vadd.s32 $0x7FFF, v4;
	v3 =	vadd.s32 $0x7FFF, v3  }
0x153: {  	[tilespmem:s21+$0xFFFFFFF0] =	vst v6;
	s23 =	sadd.s32 $0x20, s21;
	s6 =	smul.u32 $0x64, s6;
	v2 =	vor.u32 v5, v2;
	v4 =	vshrl.u32 v4, $0x10;
	v3 =	vand.u32 $0xFFFF0000, v3  }
0x154: {  	[tilespmem:s23+$0x0] =	vst v2;
	v2 =	vor.u32 v4, v3  }
0x155: {  	s6 =	sadd.s32 s5, s6;
	[tilespmem:s23+$0xFFFFFFF0] =	vst v2  }
0x156: {  	[hbm4b:s6+s2] =	stream.linear.scatter [tilespmem:s15], [sflag:$0xF], $0x320, $0x38;
	[tilespmem:$0xBB00] =	vst v63  }
0x157: {  	s21 =	simm.s32 @!p1 $0x9580;
	s6 =	sadd.s32 @!p1 $0x310, s20;
	s20 =	simm.s32 @!p1 $0x32  }
0x158: {  	[tilespmem:s21], [sflag:$0x7] =	stream.indirect.gather @!p1 [hbm4b:s4+s20], $0x20, s6, s20, $0xb8;
	[tilespmem:$0xBB00] =	vst v63  }
0x159: {  	_ =	swait.ge [sflag:s16], $0x640  }
0x15a: {  	[sflag:s16] =	ssyncset.done $0x0  }
0x15b: {  	s6 =	simm.s32 @!p0 $0x10;
	[sflag:s16] =	ssyncadd.s32 $0xFFFFF9C0  }
0x15c: {  	_ =	swait.ge @!p0 [sflag:s6], $0x320  }
0x15d: {  	[sflag:s6] =	ssyncset.done @!p0 $0x0  }
0x15e: {  	s22 =	simm.s32 $0x9BE0;
	[sflag:s6] =	ssyncadd.s32 @!p0 $0xFFFFFCE0  }
0x15f: {  	v3 =	vld.idx.msk [tilespmem:v0+s22+$0x0], $0xffff  }
0x160: {  	v4 =	vld.idx.msk [tilespmem:v1+s22+$0x0], $0xffff  }
0x161: {  	v6 =	vld.idx.msk [tilespmem:v1+s22+$0xFFFFFFE0], $0xffff  }
0x162: {  	v7 =	vld.idx.msk [tilespmem:v0+s22+$0xFFFFFFE0], $0xffff;
	_ =	sdelay $0x2  }
0x163: {  	v2 =	vshrl.u32 v3, $0x10  }
0x164: {  	v8 =	vshrl.u32 v4, $0x10;
	v9 =	vshrl.u32 v6, $0x10;
	v10 =	vand.u32 $0x1, v2  }
0x165: {  	s23 =	simm.s32 $0x9C20;
	v11 =	vshrl.u32 v7, $0x10;
	v8 =	vand.u32 $0x1, v8;
	v3 =	vadd.s32 v10, v3  }
0x166: {  	v5 =	vld.idx.msk [tilespmem:v0+s23+$0x0], $0xffff;
	v4 =	vadd.s32 v8, v4;
	v8 =	vand.u32 $0x1, v11;
	v3 =	vadd.s32 $0x7FFF, v3  }
0x167: {  	v2 =	vld.idx.msk [tilespmem:v1+s23+$0x0], $0xffff;
	v4 =	vadd.s32 $0x7FFF, v4;
	v10 =	vshrl.u32 v3, $0x10;
	v3 =	vadd.s32 v8, v7  }
0x168: {  	v9 =	vand.u32 $0x1, v9;
	v4 =	vand.u32 $0xFFFF0000, v4;
	v7 =	vadd.s32 $0x7FFF, v3;
	v3 =	vld.idx.msk [tilespmem:v1+s23+$0xFFFFFFE0], $0xffff  }
0x169: {  	v6 =	vadd.s32 v9, v6;
	v8 =	vor.u32 v10, v4;
	v4 =	vld.idx.msk [tilespmem:v0+s23+$0xFFFFFFE0], $0xffff  }
0x16a: {  	v6 =	vadd.s32 $0x7FFF, v6  }
0x16b: {  	s20 =	simm.s32 $0xB7F0;
	v6 =	vand.u32 $0xFFFF0000, v6;
	v9 =	vshrl.u32 v7, $0x10  }
0x16c: {  	s19 =	sor.u32 $0x7, s19;
	s21 =	simm.s32 $0x2;
	s6 =	simm.s32 $0x9C60;
	[tilespmem:s20+$0x0] =	vst v8;
	v7 =	vshrl.u32 v5, $0x10;
	v8 =	vshrl.u32 v2, $0x10;
	v6 =	vor.u32 v9, v6  }
.LBB2_17:
0x16d: {  	v9 =	vld.idx.msk [tilespmem:v0+s6+$0x0], $0xffff;
	v10 =	vshrl.u32 v3, $0x10;
	v7 =	vand.u32 $0x1, v7;
	v12 =	vand.u32 $0x1, v8;
	[tilespmem:s20+$0xFFFFFFF0] =	vst v6;
	v6 =	vmovc v3  }
0x16e: {  	s21 =	sadd.s32 $0x2, s21;
	v11 =	vshrl.u32 v4, $0x10;
	v8 =	vmovc v4;
	v5 =	vadd.s32 v7, v5;
	v7 =	vadd.s32 v12, v2;
	v2 =	vld.idx.msk [tilespmem:v1+s6+$0x0], $0xffff  }
0x16f: {  	p0 =	slt.u32 s21, $0x30;
	v11 =	vand.u32 $0x1, v11;
	v3 =	vld.idx.msk [tilespmem:v1+s6+$0xFFFFFFE0], $0xffff;
	v5 =	vadd.s32 $0x7FFF, v5;
	v7 =	vadd.s32 $0x7FFF, v7  }
.Ltmp9:
0x170: {  	v10 =	vand.u32 $0x1, v10;
	v4 =	vld.idx.msk [tilespmem:v0+s6+$0xFFFFFFE0], $0xffff;
	v5 =	vshrl.u32 v5, $0x10;
	v7 =	vand.u32 $0xFFFF0000, v7;
	(pc) =	sbr.rel @p0 .LBB2_17-.Ltmp9, $4  }
0x171: {  	s20 =	sadd.s32 $0x20, s20;
	v8 =	vadd.s32 v11, v8;
	v6 =	vadd.s32 v10, v6;
	v11 =	vor.u32 v5, v7  }
0x172: {  	v6 =	vadd.s32 $0x7FFF, v6;
	v7 =	vadd.s32 $0x7FFF, v8;
	[tilespmem:s20+$0x0] =	vst v11  }
0x173: {  	v6 =	vand.u32 $0xFFFF0000, v6;
	v10 =	vshrl.u32 v7, $0x10;
	v5 =	vmov v9  }
0x174: {  	s6 =	sadd.s32 $0x40, s6;
	v8 =	vshrl.u32 v2, $0x10;
	v6 =	vor.u32 v10, v6;
	v7 =	vshrl.u32 v5, $0x10  }
0x175: {  	v7 =	vand.u32 $0x1, v7  }
0x176: {  	v8 =	vand.u32 $0x1, v8;
	v9 =	vshrl.u32 v4, $0x10;
	v61 =	vshrl.u32 v3, $0x10  }
0x177: {  	v5 =	vadd.s32 v7, v5;
	v2 =	vadd.s32 v8, v2;
	v62 =	vand.u32 $0x1, v9  }
0x178: {  	v7 =	vand.u32 $0x1, v61;
	v5 =	vadd.s32 $0x7FFF, v5;
	v2 =	vadd.s32 $0x7FFF, v2  }
0x179: {  	v63 =	vadd.s32 v62, v4;
	v3 =	vadd.s32 v7, v3;
	v5 =	vshrl.u32 v5, $0x10  }
.Ltmp10:
0x17a: {  	s6 =	sadd.s32 s3, s19;
	v2 =	vand.u32 $0xFFFF0000, v2;
	v4 =	vadd.s32 $0x7FFF, v63;
	v3 =	vadd.s32 $0x7FFF, v3;
	(pc) =	sbr.rel @p1 .LBB2_20-.Ltmp10, $4  }
0x17b: {  	[tilespmem:s20+$0xFFFFFFF0] =	vst v6;
	s23 =	sadd.s32 $0x20, s20;
	s6 =	smul.u32 $0x64, s6;
	v2 =	vor.u32 v5, v2;
	v4 =	vshrl.u32 v4, $0x10;
	v3 =	vand.u32 $0xFFFF0000, v3  }
0x17c: {  	[tilespmem:s23+$0x0] =	vst v2;
	v2 =	vor.u32 v4, v3  }
0x17d: {  	s6 =	sadd.s32 s5, s6;
	[tilespmem:s23+$0xFFFFFFF0] =	vst v2  }
0x17e: {  	[hbm4b:s6+s2] =	stream.linear.scatter [tilespmem:s17], [sflag:$0x10], $0x320, $0x38;
	[tilespmem:$0xBB00] =	vst v63  }
0x17f: {  	s6 =	smul.u32 $0x700, s18  }
.Ltmp11:
0x180: {  	_ = 	snop;
	(pc) =	sbr.rel .LBB2_2-.Ltmp11, $4  }
0x181: {  	_ = 	snop  }
0x182: {  	s6 =	sshra.s32 s6, $0x2  }
0x183: {  	s18 =	sadd.s32 $0x1, s18;
	s6 =	sadd.s32 $0x348, s6  }
0x184: {  	[tilespmem:s24], [sflag:$0x8] =	stream.indirect.gather [hbm4b:s4+s9], $0x20, s6, s9, $0xb8;
	[tilespmem:$0xBB00] =	vst v63  }
.LBB2_21:
0x185: {  	_ =	sfence.sel $0x180000  }
0x186: {  	[bflag:$0x0] =	sbarrier.arrive $0xFFFF  }
0x187: {  	_ =	strace $0x90000047  }
0x188: {  	s0 =	stileid.u32;
	[bflag:$0x2] =	sbarrier.arrive $0xFFFF  }
0x189: {  	p0 =	sne.s32 s0, $0x0;
	s0 =	rddreg [dreg:$0x2]  }
0x18a: {  	s0 =	sadd.s32 @!p0 $0x100000, s0  }
0x18b: {  	[sflag:s0] =	ssyncadd.tile.s32 @!p0 $0x1;
	_ =	shalt  }
.Lfunc_end2:
_tile_overlayer_lowered:
.L_overlay_start_2:
0x18c: {  	(tag) =	ssettag $0x2  }
0x18d: {  	s0 =	rddreg [dreg:$0x0];
	s2 =	stileid.u32  }
0x18e: {  	s1 =	rddreg [dreg:$0x1];
	p0 =	sne.s32 s2, $0x0  }
0x18f: {  	s3 =	rddreg [dreg:$0x2];
	[bflag:$0x3] =	sbarrier.arrive $0xFFFF;
	s2 =	simm.s32 @!p0 $0x1C11  }
0x190: {  	[timem:s3], [sflag:s2] =	dma.local @!p0 [hbm:s0], s1  }
0x191: {  	s0 =	simm.s32 @!p0 $0x11  }
0x192: {  	_ =	swait.ge @!p0 [sflag:s0], s1  }
0x193: {  	s1 =	ssub.s32 @!p0 $0x0, s1;
	[sflag:s0] =	ssyncset.done @!p0 $0x0  }
0x194: {  	[sflag:s0] =	ssyncadd.s32 @!p0 s1  }
0x195: {  	[bflag:$0x3] =	sbarrier.arrive $0xFFFF  }
0x196: {  	_ =	shalt  }

// kernel: sparse-core-data-format-call.cloned.1.call-start
scs
called_computation_lowered:
.L_overlay_start_0:
0x0: {  	s2 =	sld [smem:$0x3FD9]  }
0x1: {  	s3 =	sld [smem:$0x3FFE];
	_ =	sdelay $0x1  }
0x2: {  	s1 =	srdreg.scid  }
0x3: {  	s0 =	sand.u32 $0x1, s1  }
0x4: {  	s18 =	sshll.u32 s0, $0xA;
	s2 =	sadd.s32 s3, s2  }
0x5: {  	s2 =	sadd.s32 s2, s18  }
0x6: {  	[smem:$0x3FC6] =	sst s2  }
0x7: {  	_ = 	snop  }
0x8: {  	s2 =	sld [smem:$0x3FD0];
	(tm) =	ssettm $0x1  }
0x9: {  	s19 =	sld [smem:$0x3FFB];
	_ =	sdelay $0x3  }
0xa: {  	_ =	strace s19  }
0xb: {  	s3 =	sld [smem:$0x3FFC];
	_ =	sdelay $0x3  }
0xc: {  	_ =	strace s3  }
0xd: {  	s3 =	sld [smem:$0x3FFD];
	_ =	sdelay $0x3  }
0xe: {  	_ =	strace s3  }
0xf: {  	_ =	strace $0x8FFFFFFF  }
0x10: {  	s20 =	sld [smem:$0x3FDB];
	_ =	sdelay $0x1  }
0x11: {  	s4 =	simm.s32 $_scs_section_size  }
0x12: {  	s5 =	simm.s32 $_size__tile_overlayer_lowered;
	s6 =	simm.s32 $_tile_overlayer_lowered  }
0x13: {  	s23 =	simm.s32 $0x1BFF;
	s22 =	sshll.u32 s6, $0x1;
	s3 =	sadd.s32 s4, s20  }
0x14: {  	s7 =	simm.s32 $0x0;
	s21 =	sshll.u32 s5, $0x1;
	s5 =	sadd.s32 s22, s3  }
0x15: {  	[timem:s7], [sflag:s23] =	dma.local [hbm:s5], s21  }
0x16: {  	_ =	swait.ge [sflag:s23], s21  }
0x17: {  	s4 =	ssub.s32 $0x0, s21;
	[sflag:s23] =	ssyncset.done $0x0  }
0x18: {  	[sflag:s23] =	ssyncadd.s32 s4;
	_ =	sdelay $0x1  }
0x19: {  	s24 =	simm.s32 $0x1B8B  }
0x1a: {  	_ =	swait.ge [sflag:s24], $0x1  }
0x1b: {  	[sflag:s24] =	ssyncset.done $0x0  }
0x1c: {  	s26 =	simm.s32 $0x1B8E;
	s25 =	sld [smem:$0x3FFE];
	[sflag:s24] =	ssyncadd.s32 $0xFFFFFFFF  }
0x1d: {  	s27 =	simm.s32 $execute0_lowered;
	[smem:$0x3FD2] =	sst s26  }
0x1e: {  	s5 =	sshll.u32 s27, $0x1;
	_ =	strace $0x80000049;
	[dreg:$0x1] =	wrdreg $0xFFFFFFFF  }
0x1f: {  	s28 =	simm.s32 $_size_execute0_lowered;
	s3 =	sadd.s32 s3, s5;
	[dreg:$0x0] =	wrdreg $0x0  }
0x20: {  	s5 =	sshll.u32 s28, $0x1;
	[dreg:$0x2] =	wrdreg s3  }
0x21: {  	[dreg:$0x3] =	wrdreg s5  }
0x22: {  	[dreg:$0x4] =	wrdreg $0xC0  }
0x23: {  	_ =	task [dreg:s7], $0x5FFFF  }
0x24: {  	[dreg:$0x1] =	wrdreg $0xFFFFFFFF  }
0x25: {  	[dreg:$0x0] =	wrdreg $0x60  }
0x26: {  	[dreg:$0x2] =	wrdreg s25  }
0x27: {  	[dreg:$0x3] =	wrdreg s2  }
0x28: {  	[dreg:$0x4] =	wrdreg $0x9  }
0x29: {  	_ =	task.clear_ibuf [dreg:s7], $0x5FFFF;
	_ =	strace $0x90000049  }
0x2a: {  	s29 =	simm.s32 $0x9;
	_ =	strace $0x8000004B  }
0x2b: {  	_ =	swait.ge [sflag:s29], $0x1  }
0x2c: {  	[sflag:s29] =	ssyncadd.s32 $0xFFFFFFFF  }
0x2d: {  	_ =	strace $0x9000004B  }
0x2e: {  	_ =	sfence  }
0x2f: {  	s30 =	sld [smem:$0x0];
	_ =	sdelay $0x2  }
0x30: {  	s31 =	sshll.u32 s1, $0xD;
	s1 =	sshrl.u32 s1, $0x2  }
0x31: {  	s3 =	sand.u32 $0x4000, s31;
	s1 =	sadd.s32 s1, s30  }
0x32: {  	s0 =	sor.u32 s3, s0;
	s1 =	sshll.u32 s1, $0x11  }
0x33: {  	s0 =	sor.u32 s1, s0  }
0x34: {  	s0 =	sadd.s32 $0x8F2B, s0  }
0x35: {  	[sflag:s0] =	ssyncadd.remote.s32 $0x1  }
0x36: {  	_ =	sfence.sel $0xFFFF  }
0x37: {  	[dreg:$0x0] =	wrdreg $0xFFFFFFFF;
	(pc) =	sbr.abs _section_cstart, $3  }
0x38: {  	[dreg:$0x1] =	wrdreg $0xFFFFFFFF  }
0x39: {  	_ =	task.clear_ibuf [dreg:s7], $0x2FFFF;
	_ =	strace $0x9FFFFFFF  }
0x3a: {  	(tm) =	ssettm $0x7FFFFFFF  }
0x3b: {  	_ =	shalt  }
tec
execute0_lowered:
.L_overlay_start_1:
0x0: {  	(tag) =	ssettag $0x1  }
0x1: {  	s0 =	srdreg.scid  }
0x2: {  	s1 =	sshll.u32 s0, $0x4  }
0x3: {  	s0 =	stileid.u32;
	s1 =	sand.u32 $0x10, s1  }
0x4: {  	s1 =	sor.u32 s0, s1  }
0x5: {  	s6 =	rddreg [dreg:$0x0];
	s4 =	simm.s32 $0x1;
	s2 =	sshll.u32 s1, $0x7  }
0x6: {  	s7 =	simm.s32 $0x2;
	s13 =	simm.s32 $0x0;
	s1 =	ssub.s32 $0x4000, s2  }
0x7: {  	s8 =	simm.s32 $0x10000;
	s12 =	simm.s32 $0x0;
	s3 =	sand.u32 $0xF80, s1  }
0x8: {  	s9 =	simm.s32 $0x0;
	s5 =	sshrl.u32 s1, $0xC;
	p0 =	sne.s32 s3, $0x0  }
.Ltmp0:
0x9: {  	s1 =	rddreg [dreg:$0x2];
	s4 =	simm.s32 @!p0 $0x0;
	(pc) =	sbr.rel .LBB1_1-.Ltmp0, $4  }
0xa: {  	s11 =	simm.s32 $0x0;
	s3 =	rddreg [dreg:$0x1];
	s5 =	sadd.s32 s4, s5  }
0xb: {  	_ =	strace $0x8000004A;
	s4 =	simm.s32 $0x1;
	s5 =	smul.u32 $0x19, s5  }
0xc: {  	s6 =	sadd.s32 $0x190A00, s6;
	s10 =	smov.u32 s2;
	[sflag:s4] =	ssyncpa.u1 $0x0  }
0xd: {  	p0 =	por $0x0, $0x0;
	[sflag:s7] =	ssyncpa.u1 $0x0;
	s7 =	sadd.s32 $0x1, s5  }
.LBB1_4:
0xe: {  	v1 =	vperm.xlane.i2c.b16 v1;
	v0 =	vperm.xlane.i2c.b16 v0;
	s16 =	sshra.s32 s16, $0x2;
	s17 =	sshll.u32 s12, $0x3;
	s18 =	sshll.u32 s12, $0x1  }
0xf: {  	s13 =	sshll.u32 s13, $0xF;
	s30 =	sshrl.u32 s12, $0x1;
	s31 =	sand.u32 $0x7, s12  }
0x10: {  	s15 =	sadd.s32 s16, s15;
	s29 =	sand.u32 $0xF0, s18;
	s17 =	sand.u32 $0x3C00, s17;
	v2 =	vcombine.low v0, v1  }
0x11: {  	s13 =	sadd.s32 s3, s13;
	s16 =	sor.u32 s29, s17;
	v0 =	vcombine.high v0, v1;
	s17 =	sand.u32 $0x7C00, s30  }
0x12: {  	s12 =	sshll.u32 s31, $0x12;
	s13 =	sadd.s32 s17, s13;
	s16 =	sshrl.u32 s16, $0x4;
	[tilespmem:s15+$0x0 ss:$0x81] =	vst.msk $0xffff, v2  }
0x13: {  	s12 =	sor.u32 $0x200, s12;
	s13 =	sadd.s32 s16, s13;
	[tilespmem:s15+$0x810 ss:$0x81] =	vst.msk $0xffff, v0  }
0x14: {  	[hbm4b:s13+s12] =	stream.strided.scatter [tilespmem:s14], [sflag:$0x2], $0x1000, s8, s12, $0x20;
	[tilespmem:$0x4040] =	vst v63  }
.LBB1_5:
0x15: {  	s14 =	sadd.s32 $0x2, s9  }
0x16: {  	s12 =	sadd.s32 $0x1000, s10;
	s16 =	smov.u32 s10;
	p2 =	sgt.s32 s14, $0x31  }
0x17: {  	s16 =	smov.u32 @p2 s12  }
0x18: {  	s14 =	simm.s32 @p2 $0x0;
	p2 =	sgt.s32 s16, $0x3FFF  }
0x19: {  	s16 =	smov.u32 @p2 s2;
	p2 =	sne.s32 s11, s7  }
.Ltmp1:
0x1a: {  	p1 =	slt.u32 s11, $0x2;
	(pc) =	sbr.rel @!p2 .LBB1_6-.Ltmp1, $4  }
0x1b: {  	s15 =	simm.s32 @!p1 $0x2  }
0x1c: {  	s13 =	smov.u32 s9;
	p0 =	por !p0, !p0;
	_ =	swait.ge @!p1 [sflag:s15], $0x1000  }
0x1d: {  	s12 =	smov.u32 s10;
	[sflag:s15] =	ssyncset.done @!p1 $0x0;
	s9 =	smov.u32 s14  }
0x1e: {  	s11 =	sadd.s32 $0x1, s11;
	[sflag:s15] =	ssyncadd.s32 @!p1 $0xFFFFF000;
	s10 =	smov.u32 s16  }
.LBB1_1:
0x1f: {  	p1 =	sge.u32 s11, s5  }
0x20: {  	s14 =	sand.u32 @!p1 $0x1FFFFFE, s9  }
0x21: {  	s15 =	smulhi.u32 @!p1 $0x4924925, s14;
	_ =	sdelay $0x1  }
0x22: {  	s15 =	smul.u32 @!p1 $0x38, s15  }
0x23: {  	s31 =	sadd.s32 $0xFFFFFFFF, s11;
	s16 =	smul.u32 @!p1 $0x1C0, s10  }
0x24: {  	s17 =	simm.s32 @!p1 $0xE00;
	s14 =	ssub.s32 @!p1 s14, s15;
	s15 =	sxor.u32 @!p1 $0xFFFFFFFF, s11  }
0x25: {  	s16 =	sadd.s32 @!p1 s6, s16;
	s14 =	sshll.u32 @!p1 s14, $0x3;
	s15 =	sshll.u32 @!p1 s15, $0xC  }
0x26: {  	s14 =	sadd.s32 @!p1 s14, s16;
	s15 =	sand.u32 @!p1 $0x1000, s15;
	s16 =	simm.s32 @!p1 $0x20  }
0x27: {  	[tilespmem:s15], [sflag:$0x1] =	stream.strided.gather @!p1 [hbm4b:s14+s16], $0x1000, s17, s16, $0x38;
	[tilespmem:$0x4040] =	vst v63  }
0x28: {  	p1 =	sge.u32 s31, s5  }
.Ltmp2:
0x29: {  	_ = 	snop;
	(pc) =	sbr.rel @p1 .LBB1_5-.Ltmp2, $1  }
0x2a: {  	_ =	sdelay $0x3  }
0x2b: {  	s14 =	simm.s32 $0x1  }
0x2c: {  	_ =	swait.ge [sflag:s4], $0x1000;
	s14 =	simm.s32 @!p0 $0x0  }
0x2d: {  	[sflag:s4] =	ssyncset.done $0x0;
	s15 =	smul.u32 $0x4080, s14;
	s14 =	sshll.u32 s14, $0xC  }
0x2e: {  	[sflag:s4] =	ssyncadd.s32 $0xFFFFF000;
	s18 =	sor.u32 $0x10, s14  }
0x2f: {  	v0 =	vld [tilespmem:s18+$0xFFFFFFF0]  }
0x30: {  	s16 =	sand.u32 $0x1, s11;
	v1 =	vld [tilespmem:s18+$0x0]  }
0x31: {  	s16 =	smul.u32 $0x4080, s16  }
0x32: {  	s17 =	simm.s32 $0x4  }
0x33: {  	s31 =	sshrl.u32 s16, $0x2;
	s16 =	simm.s32 $0x0;
	s15 =	sshrl.u32 s15, $0x2  }
0x34: {  	s14 =	sor.u32 $0x2000, s31;
	s18 =	sadd.s32 $0x20, s18;
	s15 =	sor.u32 $0x2000, s15  }
.LBB1_3:
0x35: {  	v2 =	vperm.xlane.i2c.b16 v1;
	v3 =	vperm.xlane.i2c.b16 v0;
	v0 =	vld [tilespmem:s18+$0xFFFFFFF0];
	s19 =	smov.u32 s17;
	p1 =	sne.s32 s17, $0x1FC  }
.Ltmp3:
0x36: {  	v1 =	vld [tilespmem:s18+$0x0];
	(pc) =	sbr.rel @p1 .LBB1_3-.Ltmp3, $4  }
0x37: {  	s17 =	sadd.s32 $0x4, s17;
	s16 =	sshra.s32 s16, $0x2;
	v4 =	vcombine.low v3, v2  }
0x38: {  	s20 =	sadd.s32 s16, s15;
	s16 =	smov.u32 s19;
	v2 =	vcombine.high v3, v2  }
0x39: {  	[tilespmem:s20+$0x0 ss:$0x81] =	vst.msk $0xffff, v4  }
0x3a: {  	s18 =	sadd.s32 $0x20, s18;
	[tilespmem:s20+$0x810 ss:$0x81] =	vst.msk $0xffff, v2  }
.Ltmp4:
0x3b: {  	_ = 	snop;
	(pc) =	sbr.rel .LBB1_4-.Ltmp4, $1  }
0x3c: {  	_ =	sdelay $0x3  }
.LBB1_6:
0x3d: {  	_ =	sfence.sel $0x180000  }
0x3e: {  	s2 =	simm.s32 $0x1;
	[bflag:$0x0] =	sbarrier.arrive $0xFFFF  }
0x3f: {  	s31 =	simm.s32 $0x2;
	[sflag:s2] =	ssyncpa.u1 $0x1  }
0x40: {  	[sflag:s31] =	ssyncpa.u1 $0x1  }
0x41: {  	p0 =	sne.s32 s0, $0x0;
	_ =	strace $0x9000004A  }
0x42: {  	s0 =	sadd.s32 @!p0 $0x100000, s1;
	[bflag:$0x2] =	sbarrier.arrive $0xFFFF  }
0x43: {  	[sflag:s0] =	ssyncadd.tile.s32 @!p0 $0x1;
	_ =	shalt  }
.Lfunc_end1:
_tile_overlayer_lowered:
.L_overlay_start_2:
0x44: {  	(tag) =	ssettag $0x2  }
0x45: {  	s0 =	rddreg [dreg:$0x0];
	s2 =	stileid.u32  }
0x46: {  	s1 =	rddreg [dreg:$0x1];
	p0 =	sne.s32 s2, $0x0  }
0x47: {  	s3 =	rddreg [dreg:$0x2];
	[bflag:$0x3] =	sbarrier.arrive $0xFFFF;
	s2 =	simm.s32 @!p0 $0x1C01  }
0x48: {  	[timem:s3], [sflag:s2] =	dma.local @!p0 [hbm:s0], s1  }
0x49: {  	s0 =	simm.s32 @!p0 $0x1  }
0x4a: {  	_ =	swait.ge @!p0 [sflag:s0], s1  }
0x4b: {  	s1 =	ssub.s32 @!p0 $0x0, s1;
	[sflag:s0] =	ssyncset.done @!p0 $0x0  }
0x4c: {  	[sflag:s0] =	ssyncadd.s32 @!p0 s1  }
0x4d: {  	[bflag:$0x3] =	sbarrier.arrive $0xFFFF  }
0x4e: {  	_ =	shalt  }

</sc_bundles>
